<compile_context>
chip_gen: v7x
topology: tpu7x:2x2x1
jax: 0.10.2.dev20260603
libtpu: 0.0.44.dev20260713+nightly
codegen_flags: <defaults>
</compile_context>

<pallas_src>
import functools

import jax
import jax.numpy as jnp
from jax import lax
from jax.experimental import pallas as pl
from jax.experimental.pallas import tpu as pltpu
from jax.experimental.pallas import tpu_sc as plsc

R = 128
N = 32768
L = 16
NC, NS = 2, 16
NW = NC * NS
RPW = R // NW
VREGS = N // L
NDIG = 256
C = 4
CV = VREGS // C


def _sort_body(x_hbm, out_hbm, key_v, pa_v, pb_v, h0_v, h1_v, h2_v, h3_v):
    wid = lax.axis_index("c") * NS + lax.axis_index("s")
    lanes = lax.iota(jnp.int32, L)
    ones = jnp.full((L,), 1, jnp.int32)
    hists = (h0_v, h1_v, h2_v, h3_v)

    def do_row(r, _):
        row = wid * RPW + r
        pltpu.sync_copy(x_hbm.at[row], key_v)

        def prep(i, _):
            v = key_v[pl.ds(i * L, L)]
            key_v[pl.ds(i * L, L)] = jnp.where(v < 0, v, v ^ jnp.int32(0x7FFFFFFF))
            pa_v[pl.ds(i * L, L)] = lanes * VREGS + i
            return 0

        lax.fori_loop(0, VREGS, prep, 0, unroll=8)

        for p in range(4):
            shift = 8 * p
            src = pa_v if p % 2 == 0 else pb_v
            dst = pb_v if p % 2 == 0 else pa_v

            def zero(j, _):
                for h in hists:
                    h[pl.ds(j * L, L)] = jnp.zeros((L,), jnp.int32)
                return 0

            lax.fori_loop(0, NDIG, zero, 0, unroll=4)

            def histo(j, _):
                for c, h in enumerate(hists):
                    pv = src[pl.ds((c * CV + j) * L, L)]
                    k = plsc.load_gather(key_v, [pv])
                    d = lax.shift_right_logical(k, shift) & 0xFF
                    plsc.addupdate_scatter(h, [d * L + lanes], ones)
                return 0

            lax.fori_loop(0, CV, histo, 0, unroll=2)

            def scan(j, carry):
                sl = pl.ds(j * L, L)
                hs = [h[sl] for h in hists]
                t = hs[0] + hs[1] + hs[2] + hs[3]
                inc = plsc.cumsum(t)
                off = inc - t + carry
                for c, h in enumerate(hists):
                    h[sl] = off
                    off = off + hs[c]
                return carry + jnp.sum(t)

            lax.fori_loop(0, NDIG, scan, jnp.int32(0))

            def permute(j, _):
                for c, h in enumerate(hists):
                    pv = src[pl.ds((c * CV + j) * L, L)]
                    k = plsc.load_gather(key_v, [pv])
                    d = lax.shift_right_logical(k, shift) & 0xFF
                    hidx = d * L + lanes
                    base = plsc.load_gather(h, [hidx])
                    plsc.store_scatter(h, [hidx], base + 1)
                    if p < 3:
                        addr = (base & (VREGS - 1)) * L + lax.shift_right_logical(base, 11)
                    else:
                        addr = base
                    plsc.store_scatter(dst, [addr], pv)
                return 0

            lax.fori_loop(0, CV, permute, 0, unroll=2)

        pltpu.sync_copy(pa_v, out_hbm.at[row])
        return 0

    lax.fori_loop(0, RPW, do_row, 0)


_sorter = functools.partial(
    pl.kernel,
    mesh=plsc.VectorSubcoreMesh(core_axis_name="c", subcore_axis_name="s"),
    out_type=jax.ShapeDtypeStruct((R, N), jnp.int32),
    compiler_params=pltpu.CompilerParams(needs_layout_passes=False),
    scratch_types=[
        pltpu.VMEM((N,), jnp.int32),
        pltpu.VMEM((N,), jnp.int32),
        pltpu.VMEM((N,), jnp.int32),
    ] + [pltpu.VMEM((NDIG * L,), jnp.int32)] * C,
)(_sort_body)


@jax.jit
def kernel(x):
    inds = _sorter(lax.bitcast_convert_type(x, jnp.int32))
    return inds.astype(jnp.int64)

# --- scband reference (transcript-rebuilt; emitter-appended) ---
"""Pipeline reference for scband-demo-11879879541533 (READ-ONLY COPY).

The authoritative reference and input builder live on the scoring server;
editing this copy changes nothing except your own understanding.
"""

import jax, jax.numpy as jnp
import numpy as np

def setup_inputs(seed: int = 0) -> dict:
    key = jax.random.key(seed)
    x = jax.random.normal(key, (128, 32768), dtype=jnp.float32)
    return {"x": x}

def reference(x) -> jnp.ndarray:
    # torch.sort(descending=True) along the last dim; module returns only the indices.
    # Descending argsort == argsort of negated values (ascending).
    inds = jnp.argsort(-x, axis=-1)
    return inds.astype(jnp.int64)

if __name__ == "__main__":
    import jax
    _d = setup_inputs()
    print(jax.jit(kernel)(*tuple(_d.values())))

</pallas_src>

<mosaic_0001>
#map = affine_map<(d0, d1) -> (0, 0)>
module attributes {stable_mosaic.version = 14 : i64} {
  func.func @_sort_body(%arg0: i32, %arg1: i32, %arg2: memref<128x32768xi32, #tpu.memory_space<hbm>>, %arg3: memref<128x32768xi32, #tpu.memory_space<hbm>>, %arg4: memref<32768xi32, #tpu.memory_space<vmem>>, %arg5: memref<32768xi32, #tpu.memory_space<vmem>>, %arg6: memref<32768xi32, #tpu.memory_space<vmem>>, %arg7: memref<4096xi32, #tpu.memory_space<vmem>>, %arg8: memref<4096xi32, #tpu.memory_space<vmem>>, %arg9: memref<4096xi32, #tpu.memory_space<vmem>>, %arg10: memref<4096xi32, #tpu.memory_space<vmem>>) attributes {dimension_semantics = [#tpu.dimension_semantics<core_parallel>, #tpu.dimension_semantics<subcore_parallel>], iteration_bounds = array<i64: 2, 16>, scalar_prefetch = 0 : i64, scratch_operands = 7 : i64, tpu.core_type = #tpu.core_type<sc_vector_subcore>, window_params = [{transform_indices = #map}, {transform_indices = #map}]} {
    %mul3A = arith.constant 16 : i32
    %mul3A_0 = arith.muli %arg0, %mul3A : i32
    %add3A = arith.addi %mul3A_0, %arg1 : i32
    %iota3A = tpu.iota {dimensions = array<i32: 0>} : vector<16xi32>
    %broadcast_in_dim3A = arith.constant 1 : i32
    %broadcast_in_dim3A_1 = vector.broadcast %broadcast_in_dim3A : i32 to vector<16xi32>
    %scan3A = arith.constant 0 : i32
    %scan3A_2 = arith.constant 0 : i32
    %scan3A_3 = arith.constant 4 : i32
    %scan3A_4 = arith.addi %scan3A_2, %scan3A_3 : i32
    %scan3A_5 = arith.constant 1 : i32
    %scan3A_6 = scf.for %scan3A_8 = %scan3A_2 to %scan3A_4 step %scan3A_5 iter_args(%scan3A_9 = %scan3A) -> (i32)  : i32 {
      %mul3A_10 = arith.constant 4 : i32
      %mul3A_11 = arith.muli %add3A, %mul3A_10 : i32
      %add3A_12 = arith.addi %mul3A_11, %scan3A_8 : i32
      "tpu.region"() ({
        %run_scoped3A = tpu.sem_alloc : memref<!tpu.dma_semaphore, #tpu.memory_space<semaphore_mem>>
        %dma_start3A = arith.constant 0 : i32
        %dma_start3A_133 = tpu.memref_slice %arg2[%add3A_12, %dma_start3A] : memref<128x32768xi32, #tpu.memory_space<hbm>> -> memref<1x32768xi32, #tpu.memory_space<hbm>>
        %dma_start3A_134 = tpu.memref_squeeze %dma_start3A_133 : memref<1x32768xi32, #tpu.memory_space<hbm>> -> memref<32768xi32, #tpu.memory_space<hbm>>
        %dma_start3A_135 = arith.constant 0 : i32
        %dma_start3A_136 = tpu.memref_slice %arg2[%add3A_12, %dma_start3A_135] : memref<128x32768xi32, #tpu.memory_space<hbm>> -> memref<1x32768xi32, #tpu.memory_space<hbm>>
        %dma_start3A_137 = tpu.memref_squeeze %dma_start3A_136 : memref<1x32768xi32, #tpu.memory_space<hbm>> -> memref<32768xi32, #tpu.memory_space<hbm>>
        tpu.enqueue_dma source(%dma_start3A_137 : memref<32768xi32, #tpu.memory_space<hbm>>) target(%arg4 : memref<32768xi32, #tpu.memory_space<vmem>>) target_semaphore(%run_scoped3A : memref<!tpu.dma_semaphore, #tpu.memory_space<semaphore_mem>>)
        %dma_wait3A = arith.constant 0 : i32
        %dma_wait3A_138 = tpu.memref_slice %arg2[%add3A_12, %dma_wait3A] : memref<128x32768xi32, #tpu.memory_space<hbm>> -> memref<1x32768xi32, #tpu.memory_space<hbm>>
        %dma_wait3A_139 = tpu.memref_squeeze %dma_wait3A_138 : memref<1x32768xi32, #tpu.memory_space<hbm>> -> memref<32768xi32, #tpu.memory_space<hbm>>
        %dma_wait3A_140 = arith.constant 0 : i32
        %dma_wait3A_141 = tpu.memref_slice %arg2[%add3A_12, %dma_wait3A_140] : memref<128x32768xi32, #tpu.memory_space<hbm>> -> memref<1x32768xi32, #tpu.memory_space<hbm>>
        %dma_wait3A_142 = tpu.memref_squeeze %dma_wait3A_141 : memref<1x32768xi32, #tpu.memory_space<hbm>> -> memref<32768xi32, #tpu.memory_space<hbm>>
        tpu.wait_dma2 semaphore(%run_scoped3A : memref<!tpu.dma_semaphore, #tpu.memory_space<semaphore_mem>>) src(%dma_wait3A_142 : memref<32768xi32, #tpu.memory_space<hbm>>) dst(%arg4 : memref<32768xi32, #tpu.memory_space<vmem>>)
        tpu.yield
      }) : () -> ()
      %scan3A_13 = arith.constant 0 : i32
      %scan3A_14 = arith.constant 0 : i32
      %scan3A_15 = arith.constant 2048 : i32
      %scan3A_16 = arith.addi %scan3A_14, %scan3A_15 : i32
      %scan3A_17 = arith.constant 8 : i32
      %scan3A_18 = scf.for %scan3A_133 = %scan3A_14 to %scan3A_16 step %scan3A_17 iter_args(%scan3A_134 = %scan3A_13) -> (i32)  : i32 {
        %mul3A_135 = arith.constant 16 : i32
        %mul3A_136 = arith.muli %scan3A_133, %mul3A_135 : i32
        %get3A = arith.index_cast %mul3A_136 : i32 to index
        %get3A_137 = tpu.vector_load %arg4[%get3A] {strides = array<i32>} : memref<32768xi32, #tpu.memory_space<vmem>>, vector<16xi32>,
        %lt3A = arith.constant 0 : i32
        %lt3A_138 = vector.broadcast %lt3A : i32 to vector<16xi32>
        %lt3A_139 = arith.cmpi slt, %get3A_137, %lt3A_138 : vector<16xi32>
        %xor3A = arith.constant 2147483647 : i32
        %xor3A_140 = vector.broadcast %xor3A : i32 to vector<16xi32>
        %xor3A_141 = arith.xori %get3A_137, %xor3A_140 : vector<16xi32>
        %select_n3A = arith.select %lt3A_139, %get3A_137, %xor3A_141 : vector<16xi1>, vector<16xi32>
        %mul3A_142 = arith.constant 16 : i32
        %mul3A_143 = arith.muli %scan3A_133, %mul3A_142 : i32
        %swap3A = arith.index_cast %mul3A_143 : i32 to index
        %swap3A_144 = tpu.vector_load %arg4[%swap3A] {strides = array<i32>} : memref<32768xi32, #tpu.memory_space<vmem>>, vector<16xi32>,
        tpu.vector_store %arg4[%swap3A], %select_n3A {strides = array<i32>} : memref<32768xi32, #tpu.memory_space<vmem>>, vector<16xi32>,
        %mul3A_145 = arith.constant 2048 : i32
        %mul3A_146 = vector.broadcast %mul3A_145 : i32 to vector<16xi32>
        %mul3A_147 = arith.muli %iota3A, %mul3A_146 : vector<16xi32>
        %add3A_148 = vector.broadcast %scan3A_133 : i32 to vector<16xi32>
        %add3A_149 = arith.addi %mul3A_147, %add3A_148 : vector<16xi32>
        %mul3A_150 = arith.constant 16 : i32
        %mul3A_151 = arith.muli %scan3A_133, %mul3A_150 : i32
        %swap3A_152 = arith.index_cast %mul3A_151 : i32 to index
        %swap3A_153 = tpu.vector_load %arg5[%swap3A_152] {strides = array<i32>} : memref<32768xi32, #tpu.memory_space<vmem>>, vector<16xi32>,
        tpu.vector_store %arg5[%swap3A_152], %add3A_149 {strides = array<i32>} : memref<32768xi32, #tpu.memory_space<vmem>>, vector<16xi32>,
        %scan3A_154 = arith.constant 0 : i32
        %scan3A_155 = arith.constant 1 : i32
        %scan3A_156 = arith.addi %scan3A_133, %scan3A_155 : i32
        %mul3A_157 = arith.constant 16 : i32
        %mul3A_158 = arith.muli %scan3A_156, %mul3A_157 : i32
        %get3A_159 = arith.index_cast %mul3A_158 : i32 to index
        %get3A_160 = tpu.vector_load %arg4[%get3A_159] {strides = array<i32>} : memref<32768xi32, #tpu.memory_space<vmem>>, vector<16xi32>,
        %lt3A_161 = arith.constant 0 : i32
        %lt3A_162 = vector.broadcast %lt3A_161 : i32 to vector<16xi32>
        %lt3A_163 = arith.cmpi slt, %get3A_160, %lt3A_162 : vector<16xi32>
        %xor3A_164 = arith.constant 2147483647 : i32
        %xor3A_165 = vector.broadcast %xor3A_164 : i32 to vector<16xi32>
        %xor3A_166 = arith.xori %get3A_160, %xor3A_165 : vector<16xi32>
        %select_n3A_167 = arith.select %lt3A_163, %get3A_160, %xor3A_166 : vector<16xi1>, vector<16xi32>
        %mul3A_168 = arith.constant 16 : i32
        %mul3A_169 = arith.muli %scan3A_156, %mul3A_168 : i32
        %swap3A_170 = arith.index_cast %mul3A_169 : i32 to index
        %swap3A_171 = tpu.vector_load %arg4[%swap3A_170] {strides = array<i32>} : memref<32768xi32, #tpu.memory_space<vmem>>, vector<16xi32>,
        tpu.vector_store %arg4[%swap3A_170], %select_n3A_167 {strides = array<i32>} : memref<32768xi32, #tpu.memory_space<vmem>>, vector<16xi32>,
        %mul3A_172 = arith.constant 2048 : i32
        %mul3A_173 = vector.broadcast %mul3A_172 : i32 to vector<16xi32>
        %mul3A_174 = arith.muli %iota3A, %mul3A_173 : vector<16xi32>
        %add3A_175 = vector.broadcast %scan3A_156 : i32 to vector<16xi32>
        %add3A_176 = arith.addi %mul3A_174, %add3A_175 : vector<16xi32>
        %mul3A_177 = arith.constant 16 : i32
        %mul3A_178 = arith.muli %scan3A_156, %mul3A_177 : i32
        %swap3A_179 = arith.index_cast %mul3A_178 : i32 to index
        %swap3A_180 = tpu.vector_load %arg5[%swap3A_179] {strides = array<i32>} : memref<32768xi32, #tpu.memory_space<vmem>>, vector<16xi32>,
        tpu.vector_store %arg5[%swap3A_179], %add3A_176 {strides = array<i32>} : memref<32768xi32, #tpu.memory_space<vmem>>, vector<16xi32>,
        %scan3A_181 = arith.constant 0 : i32
        %scan3A_182 = arith.constant 2 : i32
        %scan3A_183 = arith.addi %scan3A_133, %scan3A_182 : i32
        %mul3A_184 = arith.constant 16 : i32
        %mul3A_185 = arith.muli %scan3A_183, %mul3A_184 : i32
        %get3A_186 = arith.index_cast %mul3A_185 : i32 to index
        %get3A_187 = tpu.vector_load %arg4[%get3A_186] {strides = array<i32>} : memref<32768xi32, #tpu.memory_space<vmem>>, vector<16xi32>,
        %lt3A_188 = arith.constant 0 : i32
        %lt3A_189 = vector.broadcast %lt3A_188 : i32 to vector<16xi32>
        %lt3A_190 = arith.cmpi slt, %get3A_187, %lt3A_189 : vector<16xi32>
        %xor3A_191 = arith.constant 2147483647 : i32
        %xor3A_192 = vector.broadcast %xor3A_191 : i32 to vector<16xi32>
        %xor3A_193 = arith.xori %get3A_187, %xor3A_192 : vector<16xi32>
        %select_n3A_194 = arith.select %lt3A_190, %get3A_187, %xor3A_193 : vector<16xi1>, vector<16xi32>
        %mul3A_195 = arith.constant 16 : i32
        %mul3A_196 = arith.muli %scan3A_183, %mul3A_195 : i32
        %swap3A_197 = arith.index_cast %mul3A_196 : i32 to index
        %swap3A_198 = tpu.vector_load %arg4[%swap3A_197] {strides = array<i32>} : memref<32768xi32, #tpu.memory_space<vmem>>, vector<16xi32>,
        tpu.vector_store %arg4[%swap3A_197], %select_n3A_194 {strides = array<i32>} : memref<32768xi32, #tpu.memory_space<vmem>>, vector<16xi32>,
        %mul3A_199 = arith.constant 2048 : i32
        %mul3A_200 = vector.broadcast %mul3A_199 : i32 to vector<16xi32>
        %mul3A_201 = arith.muli %iota3A, %mul3A_200 : vector<16xi32>
        %add3A_202 = vector.broadcast %scan3A_183 : i32 to vector<16xi32>
        %add3A_203 = arith.addi %mul3A_201, %add3A_202 : vector<16xi32>
        %mul3A_204 = arith.constant 16 : i32
        %mul3A_205 = arith.muli %scan3A_183, %mul3A_204 : i32
        %swap3A_206 = arith.index_cast %mul3A_205 : i32 to index
        %swap3A_207 = tpu.vector_load %arg5[%swap3A_206] {strides = array<i32>} : memref<32768xi32, #tpu.memory_space<vmem>>, vector<16xi32>,
        tpu.vector_store %arg5[%swap3A_206], %add3A_203 {strides = array<i32>} : memref<32768xi32, #tpu.memory_space<vmem>>, vector<16xi32>,
        %scan3A_208 = arith.constant 0 : i32
        %scan3A_209 = arith.constant 3 : i32
        %scan3A_210 = arith.addi %scan3A_133, %scan3A_209 : i32
        %mul3A_211 = arith.constant 16 : i32
        %mul3A_212 = arith.muli %scan3A_210, %mul3A_211 : i32
        %get3A_213 = arith.index_cast %mul3A_212 : i32 to index
        %get3A_214 = tpu.vector_load %arg4[%get3A_213] {strides = array<i32>} : memref<32768xi32, #tpu.memory_space<vmem>>, vector<16xi32>,
        %lt3A_215 = arith.constant 0 : i32
        %lt3A_216 = vector.broadcast %lt3A_215 : i32 to vector<16xi32>
        %lt3A_217 = arith.cmpi slt, %get3A_214, %lt3A_216 : vector<16xi32>
        %xor3A_218 = arith.constant 2147483647 : i32
        %xor3A_219 = vector.broadcast %xor3A_218 : i32 to vector<16xi32>
        %xor3A_220 = arith.xori %get3A_214, %xor3A_219 : vector<16xi32>
        %select_n3A_221 = arith.select %lt3A_217, %get3A_214, %xor3A_220 : vector<16xi1>, vector<16xi32>
        %mul3A_222 = arith.constant 16 : i32
        %mul3A_223 = arith.muli %scan3A_210, %mul3A_222 : i32
        %swap3A_224 = arith.index_cast %mul3A_223 : i32 to index
        %swap3A_225 = tpu.vector_load %arg4[%swap3A_224] {strides = array<i32>} : memref<32768xi32, #tpu.memory_space<vmem>>, vector<16xi32>,
        tpu.vector_store %arg4[%swap3A_224], %select_n3A_221 {strides = array<i32>} : memref<32768xi32, #tpu.memory_space<vmem>>, vector<16xi32>,
        %mul3A_226 = arith.constant 2048 : i32
        %mul3A_227 = vector.broadcast %mul3A_226 : i32 to vector<16xi32>
        %mul3A_228 = arith.muli %iota3A, %mul3A_227 : vector<16xi32>
        %add3A_229 = vector.broadcast %scan3A_210 : i32 to vector<16xi32>
        %add3A_230 = arith.addi %mul3A_228, %add3A_229 : vector<16xi32>
        %mul3A_231 = arith.constant 16 : i32
        %mul3A_232 = arith.muli %scan3A_210, %mul3A_231 : i32
        %swap3A_233 = arith.index_cast %mul3A_232 : i32 to index
        %swap3A_234 = tpu.vector_load %arg5[%swap3A_233] {strides = array<i32>} : memref<32768xi32, #tpu.memory_space<vmem>>, vector<16xi32>,
        tpu.vector_store %arg5[%swap3A_233], %add3A_230 {strides = array<i32>} : memref<32768xi32, #tpu.memory_space<vmem>>, vector<16xi32>,
        %scan3A_235 = arith.constant 0 : i32
        %scan3A_236 = arith.constant 4 : i32
        %scan3A_237 = arith.addi %scan3A_133, %scan3A_236 : i32
        %mul3A_238 = arith.constant 16 : i32
        %mul3A_239 = arith.muli %scan3A_237, %mul3A_238 : i32
        %get3A_240 = arith.index_cast %mul3A_239 : i32 to index
        %get3A_241 = tpu.vector_load %arg4[%get3A_240] {strides = array<i32>} : memref<32768xi32, #tpu.memory_space<vmem>>, vector<16xi32>,
        %lt3A_242 = arith.constant 0 : i32
        %lt3A_243 = vector.broadcast %lt3A_242 : i32 to vector<16xi32>
        %lt3A_244 = arith.cmpi slt, %get3A_241, %lt3A_243 : vector<16xi32>
        %xor3A_245 = arith.constant 2147483647 : i32
        %xor3A_246 = vector.broadcast %xor3A_245 : i32 to vector<16xi32>
        %xor3A_247 = arith.xori %get3A_241, %xor3A_246 : vector<16xi32>
        %select_n3A_248 = arith.select %lt3A_244, %get3A_241, %xor3A_247 : vector<16xi1>, vector<16xi32>
        %mul3A_249 = arith.constant 16 : i32
        %mul3A_250 = arith.muli %scan3A_237, %mul3A_249 : i32
        %swap3A_251 = arith.index_cast %mul3A_250 : i32 to index
        %swap3A_252 = tpu.vector_load %arg4[%swap3A_251] {strides = array<i32>} : memref<32768xi32, #tpu.memory_space<vmem>>, vector<16xi32>,
        tpu.vector_store %arg4[%swap3A_251], %select_n3A_248 {strides = array<i32>} : memref<32768xi32, #tpu.memory_space<vmem>>, vector<16xi32>,
        %mul3A_253 = arith.constant 2048 : i32
        %mul3A_254 = vector.broadcast %mul3A_253 : i32 to vector<16xi32>
        %mul3A_255 = arith.muli %iota3A, %mul3A_254 : vector<16xi32>
        %add3A_256 = vector.broadcast %scan3A_237 : i32 to vector<16xi32>
        %add3A_257 = arith.addi %mul3A_255, %add3A_256 : vector<16xi32>
        %mul3A_258 = arith.constant 16 : i32
        %mul3A_259 = arith.muli %scan3A_237, %mul3A_258 : i32
        %swap3A_260 = arith.index_cast %mul3A_259 : i32 to index
        %swap3A_261 = tpu.vector_load %arg5[%swap3A_260] {strides = array<i32>} : memref<32768xi32, #tpu.memory_space<vmem>>, vector<16xi32>,
        tpu.vector_store %arg5[%swap3A_260], %add3A_257 {strides = array<i32>} : memref<32768xi32, #tpu.memory_space<vmem>>, vector<16xi32>,
        %scan3A_262 = arith.constant 0 : i32
        %scan3A_263 = arith.constant 5 : i32
        %scan3A_264 = arith.addi %scan3A_133, %scan3A_263 : i32
        %mul3A_265 = arith.constant 16 : i32
        %mul3A_266 = arith.muli %scan3A_264, %mul3A_265 : i32
        %get3A_267 = arith.index_cast %mul3A_266 : i32 to index
        %get3A_268 = tpu.vector_load %arg4[%get3A_267] {strides = array<i32>} : memref<32768xi32, #tpu.memory_space<vmem>>, vector<16xi32>,
        %lt3A_269 = arith.constant 0 : i32
        %lt3A_270 = vector.broadcast %lt3A_269 : i32 to vector<16xi32>
        %lt3A_271 = arith.cmpi slt, %get3A_268, %lt3A_270 : vector<16xi32>
        %xor3A_272 = arith.constant 2147483647 : i32
        %xor3A_273 = vector.broadcast %xor3A_272 : i32 to vector<16xi32>
        %xor3A_274 = arith.xori %get3A_268, %xor3A_273 : vector<16xi32>
        %select_n3A_275 = arith.select %lt3A_271, %get3A_268, %xor3A_274 : vector<16xi1>, vector<16xi32>
        %mul3A_276 = arith.constant 16 : i32
        %mul3A_277 = arith.muli %scan3A_264, %mul3A_276 : i32
        %swap3A_278 = arith.index_cast %mul3A_277 : i32 to index
        %swap3A_279 = tpu.vector_load %arg4[%swap3A_278] {strides = array<i32>} : memref<32768xi32, #tpu.memory_space<vmem>>, vector<16xi32>,
        tpu.vector_store %arg4[%swap3A_278], %select_n3A_275 {strides = array<i32>} : memref<32768xi32, #tpu.memory_space<vmem>>, vector<16xi32>,
        %mul3A_280 = arith.constant 2048 : i32
        %mul3A_281 = vector.broadcast %mul3A_280 : i32 to vector<16xi32>
        %mul3A_282 = arith.muli %iota3A, %mul3A_281 : vector<16xi32>
        %add3A_283 = vector.broadcast %scan3A_264 : i32 to vector<16xi32>
        %add3A_284 = arith.addi %mul3A_282, %add3A_283 : vector<16xi32>
        %mul3A_285 = arith.constant 16 : i32
        %mul3A_286 = arith.muli %scan3A_264, %mul3A_285 : i32
        %swap3A_287 = arith.index_cast %mul3A_286 : i32 to index
        %swap3A_288 = tpu.vector_load %arg5[%swap3A_287] {strides = array<i32>} : memref<32768xi32, #tpu.memory_space<vmem>>, vector<16xi32>,
        tpu.vector_store %arg5[%swap3A_287], %add3A_284 {strides = array<i32>} : memref<32768xi32, #tpu.memory_space<vmem>>, vector<16xi32>,
        %scan3A_289 = arith.constant 0 : i32
        %scan3A_290 = arith.constant 6 : i32
        %scan3A_291 = arith.addi %scan3A_133, %scan3A_290 : i32
        %mul3A_292 = arith.constant 16 : i32
        %mul3A_293 = arith.muli %scan3A_291, %mul3A_292 : i32
        %get3A_294 = arith.index_cast %mul3A_293 : i32 to index
        %get3A_295 = tpu.vector_load %arg4[%get3A_294] {strides = array<i32>} : memref<32768xi32, #tpu.memory_space<vmem>>, vector<16xi32>,
        %lt3A_296 = arith.constant 0 : i32
        %lt3A_297 = vector.broadcast %lt3A_296 : i32 to vector<16xi32>
        %lt3A_298 = arith.cmpi slt, %get3A_295, %lt3A_297 : vector<16xi32>
        %xor3A_299 = arith.constant 2147483647 : i32
        %xor3A_300 = vector.broadcast %xor3A_299 : i32 to vector<16xi32>
        %xor3A_301 = arith.xori %get3A_295, %xor3A_300 : vector<16xi32>
        %select_n3A_302 = arith.select %lt3A_298, %get3A_295, %xor3A_301 : vector<16xi1>, vector<16xi32>
        %mul3A_303 = arith.constant 16 : i32
        %mul3A_304 = arith.muli %scan3A_291, %mul3A_303 : i32
        %swap3A_305 = arith.index_cast %mul3A_304 : i32 to index
        %swap3A_306 = tpu.vector_load %arg4[%swap3A_305] {strides = array<i32>} : memref<32768xi32, #tpu.memory_space<vmem>>, vector<16xi32>,
        tpu.vector_store %arg4[%swap3A_305], %select_n3A_302 {strides = array<i32>} : memref<32768xi32, #tpu.memory_space<vmem>>, vector<16xi32>,
        %mul3A_307 = arith.constant 2048 : i32
        %mul3A_308 = vector.broadcast %mul3A_307 : i32 to vector<16xi32>
        %mul3A_309 = arith.muli %iota3A, %mul3A_308 : vector<16xi32>
        %add3A_310 = vector.broadcast %scan3A_291 : i32 to vector<16xi32>
        %add3A_311 = arith.addi %mul3A_309, %add3A_310 : vector<16xi32>
        %mul3A_312 = arith.constant 16 : i32
        %mul3A_313 = arith.muli %scan3A_291, %mul3A_312 : i32
        %swap3A_314 = arith.index_cast %mul3A_313 : i32 to index
        %swap3A_315 = tpu.vector_load %arg5[%swap3A_314] {strides = array<i32>} : memref<32768xi32, #tpu.memory_space<vmem>>, vector<16xi32>,
        tpu.vector_store %arg5[%swap3A_314], %add3A_311 {strides = array<i32>} : memref<32768xi32, #tpu.memory_space<vmem>>, vector<16xi32>,
        %scan3A_316 = arith.constant 0 : i32
        %scan3A_317 = arith.constant 7 : i32
        %scan3A_318 = arith.addi %scan3A_133, %scan3A_317 : i32
        %mul3A_319 = arith.constant 16 : i32
        %mul3A_320 = arith.muli %scan3A_318, %mul3A_319 : i32
        %get3A_321 = arith.index_cast %mul3A_320 : i32 to index
        %get3A_322 = tpu.vector_load %arg4[%get3A_321] {strides = array<i32>} : memref<32768xi32, #tpu.memory_space<vmem>>, vector<16xi32>,
        %lt3A_323 = arith.constant 0 : i32
        %lt3A_324 = vector.broadcast %lt3A_323 : i32 to vector<16xi32>
        %lt3A_325 = arith.cmpi slt, %get3A_322, %lt3A_324 : vector<16xi32>
        %xor3A_326 = arith.constant 2147483647 : i32
        %xor3A_327 = vector.broadcast %xor3A_326 : i32 to vector<16xi32>
        %xor3A_328 = arith.xori %get3A_322, %xor3A_327 : vector<16xi32>
        %select_n3A_329 = arith.select %lt3A_325, %get3A_322, %xor3A_328 : vector<16xi1>, vector<16xi32>
        %mul3A_330 = arith.constant 16 : i32
        %mul3A_331 = arith.muli %scan3A_318, %mul3A_330 : i32
        %swap3A_332 = arith.index_cast %mul3A_331 : i32 to index
        %swap3A_333 = tpu.vector_load %arg4[%swap3A_332] {strides = array<i32>} : memref<32768xi32, #tpu.memory_space<vmem>>, vector<16xi32>,
        tpu.vector_store %arg4[%swap3A_332], %select_n3A_329 {strides = array<i32>} : memref<32768xi32, #tpu.memory_space<vmem>>, vector<16xi32>,
        %mul3A_334 = arith.constant 2048 : i32
        %mul3A_335 = vector.broadcast %mul3A_334 : i32 to vector<16xi32>
        %mul3A_336 = arith.muli %iota3A, %mul3A_335 : vector<16xi32>
        %add3A_337 = vector.broadcast %scan3A_318 : i32 to vector<16xi32>
        %add3A_338 = arith.addi %mul3A_336, %add3A_337 : vector<16xi32>
        %mul3A_339 = arith.constant 16 : i32
        %mul3A_340 = arith.muli %scan3A_318, %mul3A_339 : i32
        %swap3A_341 = arith.index_cast %mul3A_340 : i32 to index
        %swap3A_342 = tpu.vector_load %arg5[%swap3A_341] {strides = array<i32>} : memref<32768xi32, #tpu.memory_space<vmem>>, vector<16xi32>,
        tpu.vector_store %arg5[%swap3A_341], %add3A_338 {strides = array<i32>} : memref<32768xi32, #tpu.memory_space<vmem>>, vector<16xi32>,
        %scan3A_343 = arith.constant 0 : i32
        scf.yield %scan3A_343 : i32
      }
      %scan3A_19 = arith.constant 2048 : i32
      %scan3A_20 = arith.constant 0 : i32
      %scan3A_21 = arith.constant 0 : i32
      %scan3A_22 = arith.constant 256 : i32
      %scan3A_23 = arith.addi %scan3A_21, %scan3A_22 : i32
      %scan3A_24 = arith.constant 4 : i32
      %scan3A_25 = scf.for %scan3A_133 = %scan3A_21 to %scan3A_23 step %scan3A_24 iter_args(%scan3A_134 = %scan3A_20) -> (i32)  : i32 {
        %broadcast_in_dim3A_135 = arith.constant 0 : i32
        %broadcast_in_dim3A_136 = vector.broadcast %broadcast_in_dim3A_135 : i32 to vector<16xi32>
        %mul3A_137 = arith.constant 16 : i32
        %mul3A_138 = arith.muli %scan3A_133, %mul3A_137 : i32
        %swap3A = arith.index_cast %mul3A_138 : i32 to index
        %swap3A_139 = tpu.vector_load %arg7[%swap3A] {strides = array<i32>} : memref<4096xi32, #tpu.memory_space<vmem>>, vector<16xi32>,
        tpu.vector_store %arg7[%swap3A], %broadcast_in_dim3A_136 {strides = array<i32>} : memref<4096xi32, #tpu.memory_space<vmem>>, vector<16xi32>,
        %broadcast_in_dim3A_140 = arith.constant 0 : i32
        %broadcast_in_dim3A_141 = vector.broadcast %broadcast_in_dim3A_140 : i32 to vector<16xi32>
        %mul3A_142 = arith.constant 16 : i32
        %mul3A_143 = arith.muli %scan3A_133, %mul3A_142 : i32
        %swap3A_144 = arith.index_cast %mul3A_143 : i32 to index
        %swap3A_145 = tpu.vector_load %arg8[%swap3A_144] {strides = array<i32>} : memref<4096xi32, #tpu.memory_space<vmem>>, vector<16xi32>,
        tpu.vector_store %arg8[%swap3A_144], %broadcast_in_dim3A_141 {strides = array<i32>} : memref<4096xi32, #tpu.memory_space<vmem>>, vector<16xi32>,
        %broadcast_in_dim3A_146 = arith.constant 0 : i32
        %broadcast_in_dim3A_147 = vector.broadcast %broadcast_in_dim3A_146 : i32 to vector<16xi32>
        %mul3A_148 = arith.constant 16 : i32
        %mul3A_149 = arith.muli %scan3A_133, %mul3A_148 : i32
        %swap3A_150 = arith.index_cast %mul3A_149 : i32 to index
        %swap3A_151 = tpu.vector_load %arg9[%swap3A_150] {strides = array<i32>} : memref<4096xi32, #tpu.memory_space<vmem>>, vector<16xi32>,
        tpu.vector_store %arg9[%swap3A_150], %broadcast_in_dim3A_147 {strides = array<i32>} : memref<4096xi32, #tpu.memory_space<vmem>>, vector<16xi32>,
        %broadcast_in_dim3A_152 = arith.constant 0 : i32
        %broadcast_in_dim3A_153 = vector.broadcast %broadcast_in_dim3A_152 : i32 to vector<16xi32>
        %mul3A_154 = arith.constant 16 : i32
        %mul3A_155 = arith.muli %scan3A_133, %mul3A_154 : i32
        %swap3A_156 = arith.index_cast %mul3A_155 : i32 to index
        %swap3A_157 = tpu.vector_load %arg10[%swap3A_156] {strides = array<i32>} : memref<4096xi32, #tpu.memory_space<vmem>>, vector<16xi32>,
        tpu.vector_store %arg10[%swap3A_156], %broadcast_in_dim3A_153 {strides = array<i32>} : memref<4096xi32, #tpu.memory_space<vmem>>, vector<16xi32>,
        %scan3A_158 = arith.constant 0 : i32
        %scan3A_159 = arith.constant 1 : i32
        %scan3A_160 = arith.addi %scan3A_133, %scan3A_159 : i32
        %broadcast_in_dim3A_161 = arith.constant 0 : i32
        %broadcast_in_dim3A_162 = vector.broadcast %broadcast_in_dim3A_161 : i32 to vector<16xi32>
        %mul3A_163 = arith.constant 16 : i32
        %mul3A_164 = arith.muli %scan3A_160, %mul3A_163 : i32
        %swap3A_165 = arith.index_cast %mul3A_164 : i32 to index
        %swap3A_166 = tpu.vector_load %arg7[%swap3A_165] {strides = array<i32>} : memref<4096xi32, #tpu.memory_space<vmem>>, vector<16xi32>,
        tpu.vector_store %arg7[%swap3A_165], %broadcast_in_dim3A_162 {strides = array<i32>} : memref<4096xi32, #tpu.memory_space<vmem>>, vector<16xi32>,
        %broadcast_in_dim3A_167 = arith.constant 0 : i32
        %broadcast_in_dim3A_168 = vector.broadcast %broadcast_in_dim3A_167 : i32 to vector<16xi32>
        %mul3A_169 = arith.constant 16 : i32
        %mul3A_170 = arith.muli %scan3A_160, %mul3A_169 : i32
        %swap3A_171 = arith.index_cast %mul3A_170 : i32 to index
        %swap3A_172 = tpu.vector_load %arg8[%swap3A_171] {strides = array<i32>} : memref<4096xi32, #tpu.memory_space<vmem>>, vector<16xi32>,
        tpu.vector_store %arg8[%swap3A_171], %broadcast_in_dim3A_168 {strides = array<i32>} : memref<4096xi32, #tpu.memory_space<vmem>>, vector<16xi32>,
        %broadcast_in_dim3A_173 = arith.constant 0 : i32
        %broadcast_in_dim3A_174 = vector.broadcast %broadcast_in_dim3A_173 : i32 to vector<16xi32>
        %mul3A_175 = arith.constant 16 : i32
        %mul3A_176 = arith.muli %scan3A_160, %mul3A_175 : i32
        %swap3A_177 = arith.index_cast %mul3A_176 : i32 to index
        %swap3A_178 = tpu.vector_load %arg9[%swap3A_177] {strides = array<i32>} : memref<4096xi32, #tpu.memory_space<vmem>>, vector<16xi32>,
        tpu.vector_store %arg9[%swap3A_177], %broadcast_in_dim3A_174 {strides = array<i32>} : memref<4096xi32, #tpu.memory_space<vmem>>, vector<16xi32>,
        %broadcast_in_dim3A_179 = arith.constant 0 : i32
        %broadcast_in_dim3A_180 = vector.broadcast %broadcast_in_dim3A_179 : i32 to vector<16xi32>
        %mul3A_181 = arith.constant 16 : i32
        %mul3A_182 = arith.muli %scan3A_160, %mul3A_181 : i32
        %swap3A_183 = arith.index_cast %mul3A_182 : i32 to index
        %swap3A_184 = tpu.vector_load %arg10[%swap3A_183] {strides = array<i32>} : memref<4096xi32, #tpu.memory_space<vmem>>, vector<16xi32>,
        tpu.vector_store %arg10[%swap3A_183], %broadcast_in_dim3A_180 {strides = array<i32>} : memref<4096xi32, #tpu.memory_space<vmem>>, vector<16xi32>,
        %scan3A_185 = arith.constant 0 : i32
        %scan3A_186 = arith.constant 2 : i32
        %scan3A_187 = arith.addi %scan3A_133, %scan3A_186 : i32
        %broadcast_in_dim3A_188 = arith.constant 0 : i32
        %broadcast_in_dim3A_189 = vector.broadcast %broadcast_in_dim3A_188 : i32 to vector<16xi32>
        %mul3A_190 = arith.constant 16 : i32
        %mul3A_191 = arith.muli %scan3A_187, %mul3A_190 : i32
        %swap3A_192 = arith.index_cast %mul3A_191 : i32 to index
        %swap3A_193 = tpu.vector_load %arg7[%swap3A_192] {strides = array<i32>} : memref<4096xi32, #tpu.memory_space<vmem>>, vector<16xi32>,
        tpu.vector_store %arg7[%swap3A_192], %broadcast_in_dim3A_189 {strides = array<i32>} : memref<4096xi32, #tpu.memory_space<vmem>>, vector<16xi32>,
        %broadcast_in_dim3A_194 = arith.constant 0 : i32
        %broadcast_in_dim3A_195 = vector.broadcast %broadcast_in_dim3A_194 : i32 to vector<16xi32>
        %mul3A_196 = arith.constant 16 : i32
        %mul3A_197 = arith.muli %scan3A_187, %mul3A_196 : i32
        %swap3A_198 = arith.index_cast %mul3A_197 : i32 to index
        %swap3A_199 = tpu.vector_load %arg8[%swap3A_198] {strides = array<i32>} : memref<4096xi32, #tpu.memory_space<vmem>>, vector<16xi32>,
        tpu.vector_store %arg8[%swap3A_198], %broadcast_in_dim3A_195 {strides = array<i32>} : memref<4096xi32, #tpu.memory_space<vmem>>, vector<16xi32>,
        %broadcast_in_dim3A_200 = arith.constant 0 : i32
        %broadcast_in_dim3A_201 = vector.broadcast %broadcast_in_dim3A_200 : i32 to vector<16xi32>
        %mul3A_202 = arith.constant 16 : i32
        %mul3A_203 = arith.muli %scan3A_187, %mul3A_202 : i32
        %swap3A_204 = arith.index_cast %mul3A_203 : i32 to index
        %swap3A_205 = tpu.vector_load %arg9[%swap3A_204] {strides = array<i32>} : memref<4096xi32, #tpu.memory_space<vmem>>, vector<16xi32>,
        tpu.vector_store %arg9[%swap3A_204], %broadcast_in_dim3A_201 {strides = array<i32>} : memref<4096xi32, #tpu.memory_space<vmem>>, vector<16xi32>,
        %broadcast_in_dim3A_206 = arith.constant 0 : i32
        %broadcast_in_dim3A_207 = vector.broadcast %broadcast_in_dim3A_206 : i32 to vector<16xi32>
        %mul3A_208 = arith.constant 16 : i32
        %mul3A_209 = arith.muli %scan3A_187, %mul3A_208 : i32
        %swap3A_210 = arith.index_cast %mul3A_209 : i32 to index
        %swap3A_211 = tpu.vector_load %arg10[%swap3A_210] {strides = array<i32>} : memref<4096xi32, #tpu.memory_space<vmem>>, vector<16xi32>,
        tpu.vector_store %arg10[%swap3A_210], %broadcast_in_dim3A_207 {strides = array<i32>} : memref<4096xi32, #tpu.memory_space<vmem>>, vector<16xi32>,
        %scan3A_212 = arith.constant 0 : i32
        %scan3A_213 = arith.constant 3 : i32
        %scan3A_214 = arith.addi %scan3A_133, %scan3A_213 : i32
        %broadcast_in_dim3A_215 = arith.constant 0 : i32
        %broadcast_in_dim3A_216 = vector.broadcast %broadcast_in_dim3A_215 : i32 to vector<16xi32>
        %mul3A_217 = arith.constant 16 : i32
        %mul3A_218 = arith.muli %scan3A_214, %mul3A_217 : i32
        %swap3A_219 = arith.index_cast %mul3A_218 : i32 to index
        %swap3A_220 = tpu.vector_load %arg7[%swap3A_219] {strides = array<i32>} : memref<4096xi32, #tpu.memory_space<vmem>>, vector<16xi32>,
        tpu.vector_store %arg7[%swap3A_219], %broadcast_in_dim3A_216 {strides = array<i32>} : memref<4096xi32, #tpu.memory_space<vmem>>, vector<16xi32>,
        %broadcast_in_dim3A_221 = arith.constant 0 : i32
        %broadcast_in_dim3A_222 = vector.broadcast %broadcast_in_dim3A_221 : i32 to vector<16xi32>
        %mul3A_223 = arith.constant 16 : i32
        %mul3A_224 = arith.muli %scan3A_214, %mul3A_223 : i32
        %swap3A_225 = arith.index_cast %mul3A_224 : i32 to index
        %swap3A_226 = tpu.vector_load %arg8[%swap3A_225] {strides = array<i32>} : memref<4096xi32, #tpu.memory_space<vmem>>, vector<16xi32>,
        tpu.vector_store %arg8[%swap3A_225], %broadcast_in_dim3A_222 {strides = array<i32>} : memref<4096xi32, #tpu.memory_space<vmem>>, vector<16xi32>,
        %broadcast_in_dim3A_227 = arith.constant 0 : i32
        %broadcast_in_dim3A_228 = vector.broadcast %broadcast_in_dim3A_227 : i32 to vector<16xi32>
        %mul3A_229 = arith.constant 16 : i32
        %mul3A_230 = arith.muli %scan3A_214, %mul3A_229 : i32
        %swap3A_231 = arith.index_cast %mul3A_230 : i32 to index
        %swap3A_232 = tpu.vector_load %arg9[%swap3A_231] {strides = array<i32>} : memref<4096xi32, #tpu.memory_space<vmem>>, vector<16xi32>,
        tpu.vector_store %arg9[%swap3A_231], %broadcast_in_dim3A_228 {strides = array<i32>} : memref<4096xi32, #tpu.memory_space<vmem>>, vector<16xi32>,
        %broadcast_in_dim3A_233 = arith.constant 0 : i32
        %broadcast_in_dim3A_234 = vector.broadcast %broadcast_in_dim3A_233 : i32 to vector<16xi32>
        %mul3A_235 = arith.constant 16 : i32
        %mul3A_236 = arith.muli %scan3A_214, %mul3A_235 : i32
        %swap3A_237 = arith.index_cast %mul3A_236 : i32 to index
        %swap3A_238 = tpu.vector_load %arg10[%swap3A_237] {strides = array<i32>} : memref<4096xi32, #tpu.memory_space<vmem>>, vector<16xi32>,
        tpu.vector_store %arg10[%swap3A_237], %broadcast_in_dim3A_234 {strides = array<i32>} : memref<4096xi32, #tpu.memory_space<vmem>>, vector<16xi32>,
        %scan3A_239 = arith.constant 0 : i32
        scf.yield %scan3A_239 : i32
      }
      %scan3A_26 = arith.constant 256 : i32
      %scan3A_27 = arith.constant 0 : i32
      %scan3A_28 = arith.constant 0 : i32
      %scan3A_29 = arith.constant 512 : i32
      %scan3A_30 = arith.addi %scan3A_28, %scan3A_29 : i32
      %scan3A_31 = arith.constant 2 : i32
      %scan3A_32 = scf.for %scan3A_133 = %scan3A_28 to %scan3A_30 step %scan3A_31 iter_args(%scan3A_134 = %scan3A_27) -> (i32)  : i32 {
        %add3A_135 = arith.constant 0 : i32
        %add3A_136 = arith.addi %add3A_135, %scan3A_133 : i32
        %mul3A_137 = arith.constant 16 : i32
        %mul3A_138 = arith.muli %add3A_136, %mul3A_137 : i32
        %get3A = arith.index_cast %mul3A_138 : i32 to index
        %get3A_139 = tpu.vector_load %arg5[%get3A] {strides = array<i32>} : memref<32768xi32, #tpu.memory_space<vmem>>, vector<16xi32>,
        %gather3A = tpu.vector_load_idx %arg4[%get3A_139] : memref<32768xi32, #tpu.memory_space<vmem>>[vector<16xi32>], vector<16xi32>,
        %shift_right_logical3A = arith.constant 0 : i32
        %shift_right_logical3A_140 = vector.broadcast %shift_right_logical3A : i32 to vector<16xi32>
        %shift_right_logical3A_141 = arith.shrui %gather3A, %shift_right_logical3A_140 : vector<16xi32>
        %and3A = arith.constant 255 : i32
        %and3A_142 = vector.broadcast %and3A : i32 to vector<16xi32>
        %and3A_143 = arith.andi %shift_right_logical3A_141, %and3A_142 : vector<16xi32>
        %mul3A_144 = arith.constant 16 : i32
        %mul3A_145 = vector.broadcast %mul3A_144 : i32 to vector<16xi32>
        %mul3A_146 = arith.muli %and3A_143, %mul3A_145 : vector<16xi32>
        %add3A_147 = arith.addi %mul3A_146, %iota3A : vector<16xi32>
        tpu.vector_store_idx %arg7[%add3A_147], %broadcast_in_dim3A_1 {add = true} : memref<4096xi32, #tpu.memory_space<vmem>>[vector<16xi32>], vector<16xi32>,
        %add3A_148 = arith.constant 512 : i32
        %add3A_149 = arith.addi %add3A_148, %scan3A_133 : i32
        %mul3A_150 = arith.constant 16 : i32
        %mul3A_151 = arith.muli %add3A_149, %mul3A_150 : i32
        %get3A_152 = arith.index_cast %mul3A_151 : i32 to index
        %get3A_153 = tpu.vector_load %arg5[%get3A_152] {strides = array<i32>} : memref<32768xi32, #tpu.memory_space<vmem>>, vector<16xi32>,
        %gather3A_154 = tpu.vector_load_idx %arg4[%get3A_153] : memref<32768xi32, #tpu.memory_space<vmem>>[vector<16xi32>], vector<16xi32>,
        %shift_right_logical3A_155 = arith.constant 0 : i32
        %shift_right_logical3A_156 = vector.broadcast %shift_right_logical3A_155 : i32 to vector<16xi32>
        %shift_right_logical3A_157 = arith.shrui %gather3A_154, %shift_right_logical3A_156 : vector<16xi32>
        %and3A_158 = arith.constant 255 : i32
        %and3A_159 = vector.broadcast %and3A_158 : i32 to vector<16xi32>
        %and3A_160 = arith.andi %shift_right_logical3A_157, %and3A_159 : vector<16xi32>
        %mul3A_161 = arith.constant 16 : i32
        %mul3A_162 = vector.broadcast %mul3A_161 : i32 to vector<16xi32>
        %mul3A_163 = arith.muli %and3A_160, %mul3A_162 : vector<16xi32>
        %add3A_164 = arith.addi %mul3A_163, %iota3A : vector<16xi32>
        tpu.vector_store_idx %arg8[%add3A_164], %broadcast_in_dim3A_1 {add = true} : memref<4096xi32, #tpu.memory_space<vmem>>[vector<16xi32>], vector<16xi32>,
        %add3A_165 = arith.constant 1024 : i32
        %add3A_166 = arith.addi %add3A_165, %scan3A_133 : i32
        %mul3A_167 = arith.constant 16 : i32
        %mul3A_168 = arith.muli %add3A_166, %mul3A_167 : i32
        %get3A_169 = arith.index_cast %mul3A_168 : i32 to index
        %get3A_170 = tpu.vector_load %arg5[%get3A_169] {strides = array<i32>} : memref<32768xi32, #tpu.memory_space<vmem>>, vector<16xi32>,
        %gather3A_171 = tpu.vector_load_idx %arg4[%get3A_170] : memref<32768xi32, #tpu.memory_space<vmem>>[vector<16xi32>], vector<16xi32>,
        %shift_right_logical3A_172 = arith.constant 0 : i32
        %shift_right_logical3A_173 = vector.broadcast %shift_right_logical3A_172 : i32 to vector<16xi32>
        %shift_right_logical3A_174 = arith.shrui %gather3A_171, %shift_right_logical3A_173 : vector<16xi32>
        %and3A_175 = arith.constant 255 : i32
        %and3A_176 = vector.broadcast %and3A_175 : i32 to vector<16xi32>
        %and3A_177 = arith.andi %shift_right_logical3A_174, %and3A_176 : vector<16xi32>
        %mul3A_178 = arith.constant 16 : i32
        %mul3A_179 = vector.broadcast %mul3A_178 : i32 to vector<16xi32>
        %mul3A_180 = arith.muli %and3A_177, %mul3A_179 : vector<16xi32>
        %add3A_181 = arith.addi %mul3A_180, %iota3A : vector<16xi32>
        tpu.vector_store_idx %arg9[%add3A_181], %broadcast_in_dim3A_1 {add = true} : memref<4096xi32, #tpu.memory_space<vmem>>[vector<16xi32>], vector<16xi32>,
        %add3A_182 = arith.constant 1536 : i32
        %add3A_183 = arith.addi %add3A_182, %scan3A_133 : i32
        %mul3A_184 = arith.constant 16 : i32
        %mul3A_185 = arith.muli %add3A_183, %mul3A_184 : i32
        %get3A_186 = arith.index_cast %mul3A_185 : i32 to index
        %get3A_187 = tpu.vector_load %arg5[%get3A_186] {strides = array<i32>} : memref<32768xi32, #tpu.memory_space<vmem>>, vector<16xi32>,
        %gather3A_188 = tpu.vector_load_idx %arg4[%get3A_187] : memref<32768xi32, #tpu.memory_space<vmem>>[vector<16xi32>], vector<16xi32>,
        %shift_right_logical3A_189 = arith.constant 0 : i32
        %shift_right_logical3A_190 = vector.broadcast %shift_right_logical3A_189 : i32 to vector<16xi32>
        %shift_right_logical3A_191 = arith.shrui %gather3A_188, %shift_right_logical3A_190 : vector<16xi32>
        %and3A_192 = arith.constant 255 : i32
        %and3A_193 = vector.broadcast %and3A_192 : i32 to vector<16xi32>
        %and3A_194 = arith.andi %shift_right_logical3A_191, %and3A_193 : vector<16xi32>
        %mul3A_195 = arith.constant 16 : i32
        %mul3A_196 = vector.broadcast %mul3A_195 : i32 to vector<16xi32>
        %mul3A_197 = arith.muli %and3A_194, %mul3A_196 : vector<16xi32>
        %add3A_198 = arith.addi %mul3A_197, %iota3A : vector<16xi32>
        tpu.vector_store_idx %arg10[%add3A_198], %broadcast_in_dim3A_1 {add = true} : memref<4096xi32, #tpu.memory_space<vmem>>[vector<16xi32>], vector<16xi32>,
        %scan3A_199 = arith.constant 0 : i32
        %scan3A_200 = arith.constant 1 : i32
        %scan3A_201 = arith.addi %scan3A_133, %scan3A_200 : i32
        %add3A_202 = arith.constant 0 : i32
        %add3A_203 = arith.addi %add3A_202, %scan3A_201 : i32
        %mul3A_204 = arith.constant 16 : i32
        %mul3A_205 = arith.muli %add3A_203, %mul3A_204 : i32
        %get3A_206 = arith.index_cast %mul3A_205 : i32 to index
        %get3A_207 = tpu.vector_load %arg5[%get3A_206] {strides = array<i32>} : memref<32768xi32, #tpu.memory_space<vmem>>, vector<16xi32>,
        %gather3A_208 = tpu.vector_load_idx %arg4[%get3A_207] : memref<32768xi32, #tpu.memory_space<vmem>>[vector<16xi32>], vector<16xi32>,
        %shift_right_logical3A_209 = arith.constant 0 : i32
        %shift_right_logical3A_210 = vector.broadcast %shift_right_logical3A_209 : i32 to vector<16xi32>
        %shift_right_logical3A_211 = arith.shrui %gather3A_208, %shift_right_logical3A_210 : vector<16xi32>
        %and3A_212 = arith.constant 255 : i32
        %and3A_213 = vector.broadcast %and3A_212 : i32 to vector<16xi32>
        %and3A_214 = arith.andi %shift_right_logical3A_211, %and3A_213 : vector<16xi32>
        %mul3A_215 = arith.constant 16 : i32
        %mul3A_216 = vector.broadcast %mul3A_215 : i32 to vector<16xi32>
        %mul3A_217 = arith.muli %and3A_214, %mul3A_216 : vector<16xi32>
        %add3A_218 = arith.addi %mul3A_217, %iota3A : vector<16xi32>
        tpu.vector_store_idx %arg7[%add3A_218], %broadcast_in_dim3A_1 {add = true} : memref<4096xi32, #tpu.memory_space<vmem>>[vector<16xi32>], vector<16xi32>,
        %add3A_219 = arith.constant 512 : i32
        %add3A_220 = arith.addi %add3A_219, %scan3A_201 : i32
        %mul3A_221 = arith.constant 16 : i32
        %mul3A_222 = arith.muli %add3A_220, %mul3A_221 : i32
        %get3A_223 = arith.index_cast %mul3A_222 : i32 to index
        %get3A_224 = tpu.vector_load %arg5[%get3A_223] {strides = array<i32>} : memref<32768xi32, #tpu.memory_space<vmem>>, vector<16xi32>,
        %gather3A_225 = tpu.vector_load_idx %arg4[%get3A_224] : memref<32768xi32, #tpu.memory_space<vmem>>[vector<16xi32>], vector<16xi32>,
        %shift_right_logical3A_226 = arith.constant 0 : i32
        %shift_right_logical3A_227 = vector.broadcast %shift_right_logical3A_226 : i32 to vector<16xi32>
        %shift_right_logical3A_228 = arith.shrui %gather3A_225, %shift_right_logical3A_227 : vector<16xi32>
        %and3A_229 = arith.constant 255 : i32
        %and3A_230 = vector.broadcast %and3A_229 : i32 to vector<16xi32>
        %and3A_231 = arith.andi %shift_right_logical3A_228, %and3A_230 : vector<16xi32>
        %mul3A_232 = arith.constant 16 : i32
        %mul3A_233 = vector.broadcast %mul3A_232 : i32 to vector<16xi32>
        %mul3A_234 = arith.muli %and3A_231, %mul3A_233 : vector<16xi32>
        %add3A_235 = arith.addi %mul3A_234, %iota3A : vector<16xi32>
        tpu.vector_store_idx %arg8[%add3A_235], %broadcast_in_dim3A_1 {add = true} : memref<4096xi32, #tpu.memory_space<vmem>>[vector<16xi32>], vector<16xi32>,
        %add3A_236 = arith.constant 1024 : i32
        %add3A_237 = arith.addi %add3A_236, %scan3A_201 : i32
        %mul3A_238 = arith.constant 16 : i32
        %mul3A_239 = arith.muli %add3A_237, %mul3A_238 : i32
        %get3A_240 = arith.index_cast %mul3A_239 : i32 to index
        %get3A_241 = tpu.vector_load %arg5[%get3A_240] {strides = array<i32>} : memref<32768xi32, #tpu.memory_space<vmem>>, vector<16xi32>,
        %gather3A_242 = tpu.vector_load_idx %arg4[%get3A_241] : memref<32768xi32, #tpu.memory_space<vmem>>[vector<16xi32>], vector<16xi32>,
        %shift_right_logical3A_243 = arith.constant 0 : i32
        %shift_right_logical3A_244 = vector.broadcast %shift_right_logical3A_243 : i32 to vector<16xi32>
        %shift_right_logical3A_245 = arith.shrui %gather3A_242, %shift_right_logical3A_244 : vector<16xi32>
        %and3A_246 = arith.constant 255 : i32
        %and3A_247 = vector.broadcast %and3A_246 : i32 to vector<16xi32>
        %and3A_248 = arith.andi %shift_right_logical3A_245, %and3A_247 : vector<16xi32>
        %mul3A_249 = arith.constant 16 : i32
        %mul3A_250 = vector.broadcast %mul3A_249 : i32 to vector<16xi32>
        %mul3A_251 = arith.muli %and3A_248, %mul3A_250 : vector<16xi32>
        %add3A_252 = arith.addi %mul3A_251, %iota3A : vector<16xi32>
        tpu.vector_store_idx %arg9[%add3A_252], %broadcast_in_dim3A_1 {add = true} : memref<4096xi32, #tpu.memory_space<vmem>>[vector<16xi32>], vector<16xi32>,
        %add3A_253 = arith.constant 1536 : i32
        %add3A_254 = arith.addi %add3A_253, %scan3A_201 : i32
        %mul3A_255 = arith.constant 16 : i32
        %mul3A_256 = arith.muli %add3A_254, %mul3A_255 : i32
        %get3A_257 = arith.index_cast %mul3A_256 : i32 to index
        %get3A_258 = tpu.vector_load %arg5[%get3A_257] {strides = array<i32>} : memref<32768xi32, #tpu.memory_space<vmem>>, vector<16xi32>,
        %gather3A_259 = tpu.vector_load_idx %arg4[%get3A_258] : memref<32768xi32, #tpu.memory_space<vmem>>[vector<16xi32>], vector<16xi32>,
        %shift_right_logical3A_260 = arith.constant 0 : i32
        %shift_right_logical3A_261 = vector.broadcast %shift_right_logical3A_260 : i32 to vector<16xi32>
        %shift_right_logical3A_262 = arith.shrui %gather3A_259, %shift_right_logical3A_261 : vector<16xi32>
        %and3A_263 = arith.constant 255 : i32
        %and3A_264 = vector.broadcast %and3A_263 : i32 to vector<16xi32>
        %and3A_265 = arith.andi %shift_right_logical3A_262, %and3A_264 : vector<16xi32>
        %mul3A_266 = arith.constant 16 : i32
        %mul3A_267 = vector.broadcast %mul3A_266 : i32 to vector<16xi32>
        %mul3A_268 = arith.muli %and3A_265, %mul3A_267 : vector<16xi32>
        %add3A_269 = arith.addi %mul3A_268, %iota3A : vector<16xi32>
        tpu.vector_store_idx %arg10[%add3A_269], %broadcast_in_dim3A_1 {add = true} : memref<4096xi32, #tpu.memory_space<vmem>>[vector<16xi32>], vector<16xi32>,
        %scan3A_270 = arith.constant 0 : i32
        scf.yield %scan3A_270 : i32
      }
      %scan3A_33 = arith.constant 512 : i32
      %scan3A_34 = arith.constant 0 : i32
      %scan3A_35 = arith.constant 0 : i32
      %scan3A_36 = arith.constant 256 : i32
      %scan3A_37 = arith.addi %scan3A_35, %scan3A_36 : i32
      %scan3A_38 = arith.constant 1 : i32
      %scan3A_39 = scf.for %scan3A_133 = %scan3A_35 to %scan3A_37 step %scan3A_38 iter_args(%scan3A_134 = %scan3A_34) -> (i32)  : i32 {
        %mul3A_135 = arith.constant 16 : i32
        %mul3A_136 = arith.muli %scan3A_133, %mul3A_135 : i32
        %get3A = arith.index_cast %mul3A_136 : i32 to index
        %get3A_137 = tpu.vector_load %arg7[%get3A] {strides = array<i32>} : memref<4096xi32, #tpu.memory_space<vmem>>, vector<16xi32>,
        %get3A_138 = arith.index_cast %mul3A_136 : i32 to index
        %get3A_139 = tpu.vector_load %arg8[%get3A_138] {strides = array<i32>} : memref<4096xi32, #tpu.memory_space<vmem>>, vector<16xi32>,
        %get3A_140 = arith.index_cast %mul3A_136 : i32 to index
        %get3A_141 = tpu.vector_load %arg9[%get3A_140] {strides = array<i32>} : memref<4096xi32, #tpu.memory_space<vmem>>, vector<16xi32>,
        %get3A_142 = arith.index_cast %mul3A_136 : i32 to index
        %get3A_143 = tpu.vector_load %arg10[%get3A_142] {strides = array<i32>} : memref<4096xi32, #tpu.memory_space<vmem>>, vector<16xi32>,
        %add3A_144 = arith.addi %get3A_137, %get3A_139 : vector<16xi32>
        %add3A_145 = arith.addi %add3A_144, %get3A_141 : vector<16xi32>
        %add3A_146 = arith.addi %add3A_145, %get3A_143 : vector<16xi32>
        %broadcast_in_dim3A_147 = arith.constant true
        %broadcast_in_dim3A_148 = vector.broadcast %broadcast_in_dim3A_147 : i1 to vector<16xi1>
        %masked_cumsum3A = tpu.scan <sum>, %add3A_146 masked %broadcast_in_dim3A_148 : vector<16xi32>, vector<16xi1> -> vector<16xi32>
        %sub3A = arith.subi %masked_cumsum3A, %add3A_146 : vector<16xi32>
        %add3A_149 = vector.broadcast %scan3A_134 : i32 to vector<16xi32>
        %add3A_150 = arith.addi %sub3A, %add3A_149 : vector<16xi32>
        %swap3A = arith.index_cast %mul3A_136 : i32 to index
        %swap3A_151 = tpu.vector_load %arg7[%swap3A] {strides = array<i32>} : memref<4096xi32, #tpu.memory_space<vmem>>, vector<16xi32>,
        tpu.vector_store %arg7[%swap3A], %add3A_150 {strides = array<i32>} : memref<4096xi32, #tpu.memory_space<vmem>>, vector<16xi32>,
        %add3A_152 = arith.addi %add3A_150, %get3A_137 : vector<16xi32>
        %swap3A_153 = arith.index_cast %mul3A_136 : i32 to index
        %swap3A_154 = tpu.vector_load %arg8[%swap3A_153] {strides = array<i32>} : memref<4096xi32, #tpu.memory_space<vmem>>, vector<16xi32>,
        tpu.vector_store %arg8[%swap3A_153], %add3A_152 {strides = array<i32>} : memref<4096xi32, #tpu.memory_space<vmem>>, vector<16xi32>,
        %add3A_155 = arith.addi %add3A_152, %get3A_139 : vector<16xi32>
        %swap3A_156 = arith.index_cast %mul3A_136 : i32 to index
        %swap3A_157 = tpu.vector_load %arg9[%swap3A_156] {strides = array<i32>} : memref<4096xi32, #tpu.memory_space<vmem>>, vector<16xi32>,
        tpu.vector_store %arg9[%swap3A_156], %add3A_155 {strides = array<i32>} : memref<4096xi32, #tpu.memory_space<vmem>>, vector<16xi32>,
        %add3A_158 = arith.addi %add3A_155, %get3A_141 : vector<16xi32>
        %swap3A_159 = arith.index_cast %mul3A_136 : i32 to index
        %swap3A_160 = tpu.vector_load %arg10[%swap3A_159] {strides = array<i32>} : memref<4096xi32, #tpu.memory_space<vmem>>, vector<16xi32>,
        tpu.vector_store %arg10[%swap3A_159], %add3A_158 {strides = array<i32>} : memref<4096xi32, #tpu.memory_space<vmem>>, vector<16xi32>,
        %add3A_161 = arith.addi %add3A_158, %get3A_143 : vector<16xi32>
        %reduce_sum3A = arith.constant true
        %reduce_sum3A_162 = vector.broadcast %reduce_sum3A : i1 to vector<16xi1>
        %reduce_sum3A_163 = tpu.scan <sum>, %add3A_146 masked %reduce_sum3A_162 : vector<16xi32>, vector<16xi1> -> vector<16xi32>
        %reduce_sum3A_164 = vector.extract %reduce_sum3A_163[15] : i32 from vector<16xi32>
        %add3A_165 = arith.addi %scan3A_134, %reduce_sum3A_164 : i32
        scf.yield %add3A_165 : i32
      }
      %scan3A_40 = arith.constant 256 : i32
      %scan3A_41 = arith.constant 0 : i32
      %scan3A_42 = arith.constant 0 : i32
      %scan3A_43 = arith.constant 512 : i32
      %scan3A_44 = arith.addi %scan3A_42, %scan3A_43 : i32
      %scan3A_45 = arith.constant 2 : i32
      %scan3A_46 = scf.for %scan3A_133 = %scan3A_42 to %scan3A_44 step %scan3A_45 iter_args(%scan3A_134 = %scan3A_41) -> (i32)  : i32 {
        %add3A_135 = arith.constant 0 : i32
        %add3A_136 = arith.addi %add3A_135, %scan3A_133 : i32
        %mul3A_137 = arith.constant 16 : i32
        %mul3A_138 = arith.muli %add3A_136, %mul3A_137 : i32
        %get3A = arith.index_cast %mul3A_138 : i32 to index
        %get3A_139 = tpu.vector_load %arg5[%get3A] {strides = array<i32>} : memref<32768xi32, #tpu.memory_space<vmem>>, vector<16xi32>,
        %gather3A = tpu.vector_load_idx %arg4[%get3A_139] : memref<32768xi32, #tpu.memory_space<vmem>>[vector<16xi32>], vector<16xi32>,
        %shift_right_logical3A = arith.constant 0 : i32
        %shift_right_logical3A_140 = vector.broadcast %shift_right_logical3A : i32 to vector<16xi32>
        %shift_right_logical3A_141 = arith.shrui %gather3A, %shift_right_logical3A_140 : vector<16xi32>
        %and3A = arith.constant 255 : i32
        %and3A_142 = vector.broadcast %and3A : i32 to vector<16xi32>
        %and3A_143 = arith.andi %shift_right_logical3A_141, %and3A_142 : vector<16xi32>
        %mul3A_144 = arith.constant 16 : i32
        %mul3A_145 = vector.broadcast %mul3A_144 : i32 to vector<16xi32>
        %mul3A_146 = arith.muli %and3A_143, %mul3A_145 : vector<16xi32>
        %add3A_147 = arith.addi %mul3A_146, %iota3A : vector<16xi32>
        %gather3A_148 = tpu.vector_load_idx %arg7[%add3A_147] : memref<4096xi32, #tpu.memory_space<vmem>>[vector<16xi32>], vector<16xi32>,
        %add3A_149 = arith.constant 1 : i32
        %add3A_150 = vector.broadcast %add3A_149 : i32 to vector<16xi32>
        %add3A_151 = arith.addi %gather3A_148, %add3A_150 : vector<16xi32>
        tpu.vector_store_idx %arg7[%add3A_147], %add3A_151 : memref<4096xi32, #tpu.memory_space<vmem>>[vector<16xi32>], vector<16xi32>,
        %and3A_152 = arith.constant 2047 : i32
        %and3A_153 = vector.broadcast %and3A_152 : i32 to vector<16xi32>
        %and3A_154 = arith.andi %gather3A_148, %and3A_153 : vector<16xi32>
        %mul3A_155 = arith.constant 16 : i32
        %mul3A_156 = vector.broadcast %mul3A_155 : i32 to vector<16xi32>
        %mul3A_157 = arith.muli %and3A_154, %mul3A_156 : vector<16xi32>
        %shift_right_logical3A_158 = arith.constant 11 : i32
        %shift_right_logical3A_159 = vector.broadcast %shift_right_logical3A_158 : i32 to vector<16xi32>
        %shift_right_logical3A_160 = arith.shrui %gather3A_148, %shift_right_logical3A_159 : vector<16xi32>
        %add3A_161 = arith.addi %mul3A_157, %shift_right_logical3A_160 : vector<16xi32>
        tpu.vector_store_idx %arg6[%add3A_161], %get3A_139 : memref<32768xi32, #tpu.memory_space<vmem>>[vector<16xi32>], vector<16xi32>,
        %add3A_162 = arith.constant 512 : i32
        %add3A_163 = arith.addi %add3A_162, %scan3A_133 : i32
        %mul3A_164 = arith.constant 16 : i32
        %mul3A_165 = arith.muli %add3A_163, %mul3A_164 : i32
        %get3A_166 = arith.index_cast %mul3A_165 : i32 to index
        %get3A_167 = tpu.vector_load %arg5[%get3A_166] {strides = array<i32>} : memref<32768xi32, #tpu.memory_space<vmem>>, vector<16xi32>,
        %gather3A_168 = tpu.vector_load_idx %arg4[%get3A_167] : memref<32768xi32, #tpu.memory_space<vmem>>[vector<16xi32>], vector<16xi32>,
        %shift_right_logical3A_169 = arith.constant 0 : i32
        %shift_right_logical3A_170 = vector.broadcast %shift_right_logical3A_169 : i32 to vector<16xi32>
        %shift_right_logical3A_171 = arith.shrui %gather3A_168, %shift_right_logical3A_170 : vector<16xi32>
        %and3A_172 = arith.constant 255 : i32
        %and3A_173 = vector.broadcast %and3A_172 : i32 to vector<16xi32>
        %and3A_174 = arith.andi %shift_right_logical3A_171, %and3A_173 : vector<16xi32>
        %mul3A_175 = arith.constant 16 : i32
        %mul3A_176 = vector.broadcast %mul3A_175 : i32 to vector<16xi32>
        %mul3A_177 = arith.muli %and3A_174, %mul3A_176 : vector<16xi32>
        %add3A_178 = arith.addi %mul3A_177, %iota3A : vector<16xi32>
        %gather3A_179 = tpu.vector_load_idx %arg8[%add3A_178] : memref<4096xi32, #tpu.memory_space<vmem>>[vector<16xi32>], vector<16xi32>,
        %add3A_180 = arith.constant 1 : i32
        %add3A_181 = vector.broadcast %add3A_180 : i32 to vector<16xi32>
        %add3A_182 = arith.addi %gather3A_179, %add3A_181 : vector<16xi32>
        tpu.vector_store_idx %arg8[%add3A_178], %add3A_182 : memref<4096xi32, #tpu.memory_space<vmem>>[vector<16xi32>], vector<16xi32>,
        %and3A_183 = arith.constant 2047 : i32
        %and3A_184 = vector.broadcast %and3A_183 : i32 to vector<16xi32>
        %and3A_185 = arith.andi %gather3A_179, %and3A_184 : vector<16xi32>
        %mul3A_186 = arith.constant 16 : i32
        %mul3A_187 = vector.broadcast %mul3A_186 : i32 to vector<16xi32>
        %mul3A_188 = arith.muli %and3A_185, %mul3A_187 : vector<16xi32>
        %shift_right_logical3A_189 = arith.constant 11 : i32
        %shift_right_logical3A_190 = vector.broadcast %shift_right_logical3A_189 : i32 to vector<16xi32>
        %shift_right_logical3A_191 = arith.shrui %gather3A_179, %shift_right_logical3A_190 : vector<16xi32>
        %add3A_192 = arith.addi %mul3A_188, %shift_right_logical3A_191 : vector<16xi32>
        tpu.vector_store_idx %arg6[%add3A_192], %get3A_167 : memref<32768xi32, #tpu.memory_space<vmem>>[vector<16xi32>], vector<16xi32>,
        %add3A_193 = arith.constant 1024 : i32
        %add3A_194 = arith.addi %add3A_193, %scan3A_133 : i32
        %mul3A_195 = arith.constant 16 : i32
        %mul3A_196 = arith.muli %add3A_194, %mul3A_195 : i32
        %get3A_197 = arith.index_cast %mul3A_196 : i32 to index
        %get3A_198 = tpu.vector_load %arg5[%get3A_197] {strides = array<i32>} : memref<32768xi32, #tpu.memory_space<vmem>>, vector<16xi32>,
        %gather3A_199 = tpu.vector_load_idx %arg4[%get3A_198] : memref<32768xi32, #tpu.memory_space<vmem>>[vector<16xi32>], vector<16xi32>,
        %shift_right_logical3A_200 = arith.constant 0 : i32
        %shift_right_logical3A_201 = vector.broadcast %shift_right_logical3A_200 : i32 to vector<16xi32>
        %shift_right_logical3A_202 = arith.shrui %gather3A_199, %shift_right_logical3A_201 : vector<16xi32>
        %and3A_203 = arith.constant 255 : i32
        %and3A_204 = vector.broadcast %and3A_203 : i32 to vector<16xi32>
        %and3A_205 = arith.andi %shift_right_logical3A_202, %and3A_204 : vector<16xi32>
        %mul3A_206 = arith.constant 16 : i32
        %mul3A_207 = vector.broadcast %mul3A_206 : i32 to vector<16xi32>
        %mul3A_208 = arith.muli %and3A_205, %mul3A_207 : vector<16xi32>
        %add3A_209 = arith.addi %mul3A_208, %iota3A : vector<16xi32>
        %gather3A_210 = tpu.vector_load_idx %arg9[%add3A_209] : memref<4096xi32, #tpu.memory_space<vmem>>[vector<16xi32>], vector<16xi32>,
        %add3A_211 = arith.constant 1 : i32
        %add3A_212 = vector.broadcast %add3A_211 : i32 to vector<16xi32>
        %add3A_213 = arith.addi %gather3A_210, %add3A_212 : vector<16xi32>
        tpu.vector_store_idx %arg9[%add3A_209], %add3A_213 : memref<4096xi32, #tpu.memory_space<vmem>>[vector<16xi32>], vector<16xi32>,
        %and3A_214 = arith.constant 2047 : i32
        %and3A_215 = vector.broadcast %and3A_214 : i32 to vector<16xi32>
        %and3A_216 = arith.andi %gather3A_210, %and3A_215 : vector<16xi32>
        %mul3A_217 = arith.constant 16 : i32
        %mul3A_218 = vector.broadcast %mul3A_217 : i32 to vector<16xi32>
        %mul3A_219 = arith.muli %and3A_216, %mul3A_218 : vector<16xi32>
        %shift_right_logical3A_220 = arith.constant 11 : i32
        %shift_right_logical3A_221 = vector.broadcast %shift_right_logical3A_220 : i32 to vector<16xi32>
        %shift_right_logical3A_222 = arith.shrui %gather3A_210, %shift_right_logical3A_221 : vector<16xi32>
        %add3A_223 = arith.addi %mul3A_219, %shift_right_logical3A_222 : vector<16xi32>
        tpu.vector_store_idx %arg6[%add3A_223], %get3A_198 : memref<32768xi32, #tpu.memory_space<vmem>>[vector<16xi32>], vector<16xi32>,
        %add3A_224 = arith.constant 1536 : i32
        %add3A_225 = arith.addi %add3A_224, %scan3A_133 : i32
        %mul3A_226 = arith.constant 16 : i32
        %mul3A_227 = arith.muli %add3A_225, %mul3A_226 : i32
        %get3A_228 = arith.index_cast %mul3A_227 : i32 to index
        %get3A_229 = tpu.vector_load %arg5[%get3A_228] {strides = array<i32>} : memref<32768xi32, #tpu.memory_space<vmem>>, vector<16xi32>,
        %gather3A_230 = tpu.vector_load_idx %arg4[%get3A_229] : memref<32768xi32, #tpu.memory_space<vmem>>[vector<16xi32>], vector<16xi32>,
        %shift_right_logical3A_231 = arith.constant 0 : i32
        %shift_right_logical3A_232 = vector.broadcast %shift_right_logical3A_231 : i32 to vector<16xi32>
        %shift_right_logical3A_233 = arith.shrui %gather3A_230, %shift_right_logical3A_232 : vector<16xi32>
        %and3A_234 = arith.constant 255 : i32
        %and3A_235 = vector.broadcast %and3A_234 : i32 to vector<16xi32>
        %and3A_236 = arith.andi %shift_right_logical3A_233, %and3A_235 : vector<16xi32>
        %mul3A_237 = arith.constant 16 : i32
        %mul3A_238 = vector.broadcast %mul3A_237 : i32 to vector<16xi32>
        %mul3A_239 = arith.muli %and3A_236, %mul3A_238 : vector<16xi32>
        %add3A_240 = arith.addi %mul3A_239, %iota3A : vector<16xi32>
        %gather3A_241 = tpu.vector_load_idx %arg10[%add3A_240] : memref<4096xi32, #tpu.memory_space<vmem>>[vector<16xi32>], vector<16xi32>,
        %add3A_242 = arith.constant 1 : i32
        %add3A_243 = vector.broadcast %add3A_242 : i32 to vector<16xi32>
        %add3A_244 = arith.addi %gather3A_241, %add3A_243 : vector<16xi32>
        tpu.vector_store_idx %arg10[%add3A_240], %add3A_244 : memref<4096xi32, #tpu.memory_space<vmem>>[vector<16xi32>], vector<16xi32>,
        %and3A_245 = arith.constant 2047 : i32
        %and3A_246 = vector.broadcast %and3A_245 : i32 to vector<16xi32>
        %and3A_247 = arith.andi %gather3A_241, %and3A_246 : vector<16xi32>
        %mul3A_248 = arith.constant 16 : i32
        %mul3A_249 = vector.broadcast %mul3A_248 : i32 to vector<16xi32>
        %mul3A_250 = arith.muli %and3A_247, %mul3A_249 : vector<16xi32>
        %shift_right_logical3A_251 = arith.constant 11 : i32
        %shift_right_logical3A_252 = vector.broadcast %shift_right_logical3A_251 : i32 to vector<16xi32>
        %shift_right_logical3A_253 = arith.shrui %gather3A_241, %shift_right_logical3A_252 : vector<16xi32>
        %add3A_254 = arith.addi %mul3A_250, %shift_right_logical3A_253 : vector<16xi32>
        tpu.vector_store_idx %arg6[%add3A_254], %get3A_229 : memref<32768xi32, #tpu.memory_space<vmem>>[vector<16xi32>], vector<16xi32>,
        %scan3A_255 = arith.constant 0 : i32
        %scan3A_256 = arith.constant 1 : i32
        %scan3A_257 = arith.addi %scan3A_133, %scan3A_256 : i32
        %add3A_258 = arith.constant 0 : i32
        %add3A_259 = arith.addi %add3A_258, %scan3A_257 : i32
        %mul3A_260 = arith.constant 16 : i32
        %mul3A_261 = arith.muli %add3A_259, %mul3A_260 : i32
        %get3A_262 = arith.index_cast %mul3A_261 : i32 to index
        %get3A_263 = tpu.vector_load %arg5[%get3A_262] {strides = array<i32>} : memref<32768xi32, #tpu.memory_space<vmem>>, vector<16xi32>,
        %gather3A_264 = tpu.vector_load_idx %arg4[%get3A_263] : memref<32768xi32, #tpu.memory_space<vmem>>[vector<16xi32>], vector<16xi32>,
        %shift_right_logical3A_265 = arith.constant 0 : i32
        %shift_right_logical3A_266 = vector.broadcast %shift_right_logical3A_265 : i32 to vector<16xi32>
        %shift_right_logical3A_267 = arith.shrui %gather3A_264, %shift_right_logical3A_266 : vector<16xi32>
        %and3A_268 = arith.constant 255 : i32
        %and3A_269 = vector.broadcast %and3A_268 : i32 to vector<16xi32>
        %and3A_270 = arith.andi %shift_right_logical3A_267, %and3A_269 : vector<16xi32>
        %mul3A_271 = arith.constant 16 : i32
        %mul3A_272 = vector.broadcast %mul3A_271 : i32 to vector<16xi32>
        %mul3A_273 = arith.muli %and3A_270, %mul3A_272 : vector<16xi32>
        %add3A_274 = arith.addi %mul3A_273, %iota3A : vector<16xi32>
        %gather3A_275 = tpu.vector_load_idx %arg7[%add3A_274] : memref<4096xi32, #tpu.memory_space<vmem>>[vector<16xi32>], vector<16xi32>,
        %add3A_276 = arith.constant 1 : i32
        %add3A_277 = vector.broadcast %add3A_276 : i32 to vector<16xi32>
        %add3A_278 = arith.addi %gather3A_275, %add3A_277 : vector<16xi32>
        tpu.vector_store_idx %arg7[%add3A_274], %add3A_278 : memref<4096xi32, #tpu.memory_space<vmem>>[vector<16xi32>], vector<16xi32>,
        %and3A_279 = arith.constant 2047 : i32
        %and3A_280 = vector.broadcast %and3A_279 : i32 to vector<16xi32>
        %and3A_281 = arith.andi %gather3A_275, %and3A_280 : vector<16xi32>
        %mul3A_282 = arith.constant 16 : i32
        %mul3A_283 = vector.broadcast %mul3A_282 : i32 to vector<16xi32>
        %mul3A_284 = arith.muli %and3A_281, %mul3A_283 : vector<16xi32>
        %shift_right_logical3A_285 = arith.constant 11 : i32
        %shift_right_logical3A_286 = vector.broadcast %shift_right_logical3A_285 : i32 to vector<16xi32>
        %shift_right_logical3A_287 = arith.shrui %gather3A_275, %shift_right_logical3A_286 : vector<16xi32>
        %add3A_288 = arith.addi %mul3A_284, %shift_right_logical3A_287 : vector<16xi32>
        tpu.vector_store_idx %arg6[%add3A_288], %get3A_263 : memref<32768xi32, #tpu.memory_space<vmem>>[vector<16xi32>], vector<16xi32>,
        %add3A_289 = arith.constant 512 : i32
        %add3A_290 = arith.addi %add3A_289, %scan3A_257 : i32
        %mul3A_291 = arith.constant 16 : i32
        %mul3A_292 = arith.muli %add3A_290, %mul3A_291 : i32
        %get3A_293 = arith.index_cast %mul3A_292 : i32 to index
        %get3A_294 = tpu.vector_load %arg5[%get3A_293] {strides = array<i32>} : memref<32768xi32, #tpu.memory_space<vmem>>, vector<16xi32>,
        %gather3A_295 = tpu.vector_load_idx %arg4[%get3A_294] : memref<32768xi32, #tpu.memory_space<vmem>>[vector<16xi32>], vector<16xi32>,
        %shift_right_logical3A_296 = arith.constant 0 : i32
        %shift_right_logical3A_297 = vector.broadcast %shift_right_logical3A_296 : i32 to vector<16xi32>
        %shift_right_logical3A_298 = arith.shrui %gather3A_295, %shift_right_logical3A_297 : vector<16xi32>
        %and3A_299 = arith.constant 255 : i32
        %and3A_300 = vector.broadcast %and3A_299 : i32 to vector<16xi32>
        %and3A_301 = arith.andi %shift_right_logical3A_298, %and3A_300 : vector<16xi32>
        %mul3A_302 = arith.constant 16 : i32
        %mul3A_303 = vector.broadcast %mul3A_302 : i32 to vector<16xi32>
        %mul3A_304 = arith.muli %and3A_301, %mul3A_303 : vector<16xi32>
        %add3A_305 = arith.addi %mul3A_304, %iota3A : vector<16xi32>
        %gather3A_306 = tpu.vector_load_idx %arg8[%add3A_305] : memref<4096xi32, #tpu.memory_space<vmem>>[vector<16xi32>], vector<16xi32>,
        %add3A_307 = arith.constant 1 : i32
        %add3A_308 = vector.broadcast %add3A_307 : i32 to vector<16xi32>
        %add3A_309 = arith.addi %gather3A_306, %add3A_308 : vector<16xi32>
        tpu.vector_store_idx %arg8[%add3A_305], %add3A_309 : memref<4096xi32, #tpu.memory_space<vmem>>[vector<16xi32>], vector<16xi32>,
        %and3A_310 = arith.constant 2047 : i32
        %and3A_311 = vector.broadcast %and3A_310 : i32 to vector<16xi32>
        %and3A_312 = arith.andi %gather3A_306, %and3A_311 : vector<16xi32>
        %mul3A_313 = arith.constant 16 : i32
        %mul3A_314 = vector.broadcast %mul3A_313 : i32 to vector<16xi32>
        %mul3A_315 = arith.muli %and3A_312, %mul3A_314 : vector<16xi32>
        %shift_right_logical3A_316 = arith.constant 11 : i32
        %shift_right_logical3A_317 = vector.broadcast %shift_right_logical3A_316 : i32 to vector<16xi32>
        %shift_right_logical3A_318 = arith.shrui %gather3A_306, %shift_right_logical3A_317 : vector<16xi32>
        %add3A_319 = arith.addi %mul3A_315, %shift_right_logical3A_318 : vector<16xi32>
        tpu.vector_store_idx %arg6[%add3A_319], %get3A_294 : memref<32768xi32, #tpu.memory_space<vmem>>[vector<16xi32>], vector<16xi32>,
        %add3A_320 = arith.constant 1024 : i32
        %add3A_321 = arith.addi %add3A_320, %scan3A_257 : i32
        %mul3A_322 = arith.constant 16 : i32
        %mul3A_323 = arith.muli %add3A_321, %mul3A_322 : i32
        %get3A_324 = arith.index_cast %mul3A_323 : i32 to index
        %get3A_325 = tpu.vector_load %arg5[%get3A_324] {strides = array<i32>} : memref<32768xi32, #tpu.memory_space<vmem>>, vector<16xi32>,
        %gather3A_326 = tpu.vector_load_idx %arg4[%get3A_325] : memref<32768xi32, #tpu.memory_space<vmem>>[vector<16xi32>], vector<16xi32>,
        %shift_right_logical3A_327 = arith.constant 0 : i32
        %shift_right_logical3A_328 = vector.broadcast %shift_right_logical3A_327 : i32 to vector<16xi32>
        %shift_right_logical3A_329 = arith.shrui %gather3A_326, %shift_right_logical3A_328 : vector<16xi32>
        %and3A_330 = arith.constant 255 : i32
        %and3A_331 = vector.broadcast %and3A_330 : i32 to vector<16xi32>
        %and3A_332 = arith.andi %shift_right_logical3A_329, %and3A_331 : vector<16xi32>
        %mul3A_333 = arith.constant 16 : i32
        %mul3A_334 = vector.broadcast %mul3A_333 : i32 to vector<16xi32>
        %mul3A_335 = arith.muli %and3A_332, %mul3A_334 : vector<16xi32>
        %add3A_336 = arith.addi %mul3A_335, %iota3A : vector<16xi32>
        %gather3A_337 = tpu.vector_load_idx %arg9[%add3A_336] : memref<4096xi32, #tpu.memory_space<vmem>>[vector<16xi32>], vector<16xi32>,
        %add3A_338 = arith.constant 1 : i32
        %add3A_339 = vector.broadcast %add3A_338 : i32 to vector<16xi32>
        %add3A_340 = arith.addi %gather3A_337, %add3A_339 : vector<16xi32>
        tpu.vector_store_idx %arg9[%add3A_336], %add3A_340 : memref<4096xi32, #tpu.memory_space<vmem>>[vector<16xi32>], vector<16xi32>,
        %and3A_341 = arith.constant 2047 : i32
        %and3A_342 = vector.broadcast %and3A_341 : i32 to vector<16xi32>
        %and3A_343 = arith.andi %gather3A_337, %and3A_342 : vector<16xi32>
        %mul3A_344 = arith.constant 16 : i32
        %mul3A_345 = vector.broadcast %mul3A_344 : i32 to vector<16xi32>
        %mul3A_346 = arith.muli %and3A_343, %mul3A_345 : vector<16xi32>
        %shift_right_logical3A_347 = arith.constant 11 : i32
        %shift_right_logical3A_348 = vector.broadcast %shift_right_logical3A_347 : i32 to vector<16xi32>
        %shift_right_logical3A_349 = arith.shrui %gather3A_337, %shift_right_logical3A_348 : vector<16xi32>
        %add3A_350 = arith.addi %mul3A_346, %shift_right_logical3A_349 : vector<16xi32>
        tpu.vector_store_idx %arg6[%add3A_350], %get3A_325 : memref<32768xi32, #tpu.memory_space<vmem>>[vector<16xi32>], vector<16xi32>,
        %add3A_351 = arith.constant 1536 : i32
        %add3A_352 = arith.addi %add3A_351, %scan3A_257 : i32
        %mul3A_353 = arith.constant 16 : i32
        %mul3A_354 = arith.muli %add3A_352, %mul3A_353 : i32
        %get3A_355 = arith.index_cast %mul3A_354 : i32 to index
        %get3A_356 = tpu.vector_load %arg5[%get3A_355] {strides = array<i32>} : memref<32768xi32, #tpu.memory_space<vmem>>, vector<16xi32>,
        %gather3A_357 = tpu.vector_load_idx %arg4[%get3A_356] : memref<32768xi32, #tpu.memory_space<vmem>>[vector<16xi32>], vector<16xi32>,
        %shift_right_logical3A_358 = arith.constant 0 : i32
        %shift_right_logical3A_359 = vector.broadcast %shift_right_logical3A_358 : i32 to vector<16xi32>
        %shift_right_logical3A_360 = arith.shrui %gather3A_357, %shift_right_logical3A_359 : vector<16xi32>
        %and3A_361 = arith.constant 255 : i32
        %and3A_362 = vector.broadcast %and3A_361 : i32 to vector<16xi32>
        %and3A_363 = arith.andi %shift_right_logical3A_360, %and3A_362 : vector<16xi32>
        %mul3A_364 = arith.constant 16 : i32
        %mul3A_365 = vector.broadcast %mul3A_364 : i32 to vector<16xi32>
        %mul3A_366 = arith.muli %and3A_363, %mul3A_365 : vector<16xi32>
        %add3A_367 = arith.addi %mul3A_366, %iota3A : vector<16xi32>
        %gather3A_368 = tpu.vector_load_idx %arg10[%add3A_367] : memref<4096xi32, #tpu.memory_space<vmem>>[vector<16xi32>], vector<16xi32>,
        %add3A_369 = arith.constant 1 : i32
        %add3A_370 = vector.broadcast %add3A_369 : i32 to vector<16xi32>
        %add3A_371 = arith.addi %gather3A_368, %add3A_370 : vector<16xi32>
        tpu.vector_store_idx %arg10[%add3A_367], %add3A_371 : memref<4096xi32, #tpu.memory_space<vmem>>[vector<16xi32>], vector<16xi32>,
        %and3A_372 = arith.constant 2047 : i32
        %and3A_373 = vector.broadcast %and3A_372 : i32 to vector<16xi32>
        %and3A_374 = arith.andi %gather3A_368, %and3A_373 : vector<16xi32>
        %mul3A_375 = arith.constant 16 : i32
        %mul3A_376 = vector.broadcast %mul3A_375 : i32 to vector<16xi32>
        %mul3A_377 = arith.muli %and3A_374, %mul3A_376 : vector<16xi32>
        %shift_right_logical3A_378 = arith.constant 11 : i32
        %shift_right_logical3A_379 = vector.broadcast %shift_right_logical3A_378 : i32 to vector<16xi32>
        %shift_right_logical3A_380 = arith.shrui %gather3A_368, %shift_right_logical3A_379 : vector<16xi32>
        %add3A_381 = arith.addi %mul3A_377, %shift_right_logical3A_380 : vector<16xi32>
        tpu.vector_store_idx %arg6[%add3A_381], %get3A_356 : memref<32768xi32, #tpu.memory_space<vmem>>[vector<16xi32>], vector<16xi32>,
        %scan3A_382 = arith.constant 0 : i32
        scf.yield %scan3A_382 : i32
      }
      %scan3A_47 = arith.constant 512 : i32
      %scan3A_48 = arith.constant 0 : i32
      %scan3A_49 = arith.constant 0 : i32
      %scan3A_50 = arith.constant 256 : i32
      %scan3A_51 = arith.addi %scan3A_49, %scan3A_50 : i32
      %scan3A_52 = arith.constant 4 : i32
      %scan3A_53 = scf.for %scan3A_133 = %scan3A_49 to %scan3A_51 step %scan3A_52 iter_args(%scan3A_134 = %scan3A_48) -> (i32)  : i32 {
        %broadcast_in_dim3A_135 = arith.constant 0 : i32
        %broadcast_in_dim3A_136 = vector.broadcast %broadcast_in_dim3A_135 : i32 to vector<16xi32>
        %mul3A_137 = arith.constant 16 : i32
        %mul3A_138 = arith.muli %scan3A_133, %mul3A_137 : i32
        %swap3A = arith.index_cast %mul3A_138 : i32 to index
        %swap3A_139 = tpu.vector_load %arg7[%swap3A] {strides = array<i32>} : memref<4096xi32, #tpu.memory_space<vmem>>, vector<16xi32>,
        tpu.vector_store %arg7[%swap3A], %broadcast_in_dim3A_136 {strides = array<i32>} : memref<4096xi32, #tpu.memory_space<vmem>>, vector<16xi32>,
        %broadcast_in_dim3A_140 = arith.constant 0 : i32
        %broadcast_in_dim3A_141 = vector.broadcast %broadcast_in_dim3A_140 : i32 to vector<16xi32>
        %mul3A_142 = arith.constant 16 : i32
        %mul3A_143 = arith.muli %scan3A_133, %mul3A_142 : i32
        %swap3A_144 = arith.index_cast %mul3A_143 : i32 to index
        %swap3A_145 = tpu.vector_load %arg8[%swap3A_144] {strides = array<i32>} : memref<4096xi32, #tpu.memory_space<vmem>>, vector<16xi32>,
        tpu.vector_store %arg8[%swap3A_144], %broadcast_in_dim3A_141 {strides = array<i32>} : memref<4096xi32, #tpu.memory_space<vmem>>, vector<16xi32>,
        %broadcast_in_dim3A_146 = arith.constant 0 : i32
        %broadcast_in_dim3A_147 = vector.broadcast %broadcast_in_dim3A_146 : i32 to vector<16xi32>
        %mul3A_148 = arith.constant 16 : i32
        %mul3A_149 = arith.muli %scan3A_133, %mul3A_148 : i32
        %swap3A_150 = arith.index_cast %mul3A_149 : i32 to index
        %swap3A_151 = tpu.vector_load %arg9[%swap3A_150] {strides = array<i32>} : memref<4096xi32, #tpu.memory_space<vmem>>, vector<16xi32>,
        tpu.vector_store %arg9[%swap3A_150], %broadcast_in_dim3A_147 {strides = array<i32>} : memref<4096xi32, #tpu.memory_space<vmem>>, vector<16xi32>,
        %broadcast_in_dim3A_152 = arith.constant 0 : i32
        %broadcast_in_dim3A_153 = vector.broadcast %broadcast_in_dim3A_152 : i32 to vector<16xi32>
        %mul3A_154 = arith.constant 16 : i32
        %mul3A_155 = arith.muli %scan3A_133, %mul3A_154 : i32
        %swap3A_156 = arith.index_cast %mul3A_155 : i32 to index
        %swap3A_157 = tpu.vector_load %arg10[%swap3A_156] {strides = array<i32>} : memref<4096xi32, #tpu.memory_space<vmem>>, vector<16xi32>,
        tpu.vector_store %arg10[%swap3A_156], %broadcast_in_dim3A_153 {strides = array<i32>} : memref<4096xi32, #tpu.memory_space<vmem>>, vector<16xi32>,
        %scan3A_158 = arith.constant 0 : i32
        %scan3A_159 = arith.constant 1 : i32
        %scan3A_160 = arith.addi %scan3A_133, %scan3A_159 : i32
        %broadcast_in_dim3A_161 = arith.constant 0 : i32
        %broadcast_in_dim3A_162 = vector.broadcast %broadcast_in_dim3A_161 : i32 to vector<16xi32>
        %mul3A_163 = arith.constant 16 : i32
        %mul3A_164 = arith.muli %scan3A_160, %mul3A_163 : i32
        %swap3A_165 = arith.index_cast %mul3A_164 : i32 to index
        %swap3A_166 = tpu.vector_load %arg7[%swap3A_165] {strides = array<i32>} : memref<4096xi32, #tpu.memory_space<vmem>>, vector<16xi32>,
        tpu.vector_store %arg7[%swap3A_165], %broadcast_in_dim3A_162 {strides = array<i32>} : memref<4096xi32, #tpu.memory_space<vmem>>, vector<16xi32>,
        %broadcast_in_dim3A_167 = arith.constant 0 : i32
        %broadcast_in_dim3A_168 = vector.broadcast %broadcast_in_dim3A_167 : i32 to vector<16xi32>
        %mul3A_169 = arith.constant 16 : i32
        %mul3A_170 = arith.muli %scan3A_160, %mul3A_169 : i32
        %swap3A_171 = arith.index_cast %mul3A_170 : i32 to index
        %swap3A_172 = tpu.vector_load %arg8[%swap3A_171] {strides = array<i32>} : memref<4096xi32, #tpu.memory_space<vmem>>, vector<16xi32>,
        tpu.vector_store %arg8[%swap3A_171], %broadcast_in_dim3A_168 {strides = array<i32>} : memref<4096xi32, #tpu.memory_space<vmem>>, vector<16xi32>,
        %broadcast_in_dim3A_173 = arith.constant 0 : i32
        %broadcast_in_dim3A_174 = vector.broadcast %broadcast_in_dim3A_173 : i32 to vector<16xi32>
        %mul3A_175 = arith.constant 16 : i32
        %mul3A_176 = arith.muli %scan3A_160, %mul3A_175 : i32
        %swap3A_177 = arith.index_cast %mul3A_176 : i32 to index
        %swap3A_178 = tpu.vector_load %arg9[%swap3A_177] {strides = array<i32>} : memref<4096xi32, #tpu.memory_space<vmem>>, vector<16xi32>,
        tpu.vector_store %arg9[%swap3A_177], %broadcast_in_dim3A_174 {strides = array<i32>} : memref<4096xi32, #tpu.memory_space<vmem>>, vector<16xi32>,
        %broadcast_in_dim3A_179 = arith.constant 0 : i32
        %broadcast_in_dim3A_180 = vector.broadcast %broadcast_in_dim3A_179 : i32 to vector<16xi32>
        %mul3A_181 = arith.constant 16 : i32
        %mul3A_182 = arith.muli %scan3A_160, %mul3A_181 : i32
        %swap3A_183 = arith.index_cast %mul3A_182 : i32 to index
        %swap3A_184 = tpu.vector_load %arg10[%swap3A_183] {strides = array<i32>} : memref<4096xi32, #tpu.memory_space<vmem>>, vector<16xi32>,
        tpu.vector_store %arg10[%swap3A_183], %broadcast_in_dim3A_180 {strides = array<i32>} : memref<4096xi32, #tpu.memory_space<vmem>>, vector<16xi32>,
        %scan3A_185 = arith.constant 0 : i32
        %scan3A_186 = arith.constant 2 : i32
        %scan3A_187 = arith.addi %scan3A_133, %scan3A_186 : i32
        %broadcast_in_dim3A_188 = arith.constant 0 : i32
        %broadcast_in_dim3A_189 = vector.broadcast %broadcast_in_dim3A_188 : i32 to vector<16xi32>
        %mul3A_190 = arith.constant 16 : i32
        %mul3A_191 = arith.muli %scan3A_187, %mul3A_190 : i32
        %swap3A_192 = arith.index_cast %mul3A_191 : i32 to index
        %swap3A_193 = tpu.vector_load %arg7[%swap3A_192] {strides = array<i32>} : memref<4096xi32, #tpu.memory_space<vmem>>, vector<16xi32>,
        tpu.vector_store %arg7[%swap3A_192], %broadcast_in_dim3A_189 {strides = array<i32>} : memref<4096xi32, #tpu.memory_space<vmem>>, vector<16xi32>,
        %broadcast_in_dim3A_194 = arith.constant 0 : i32
        %broadcast_in_dim3A_195 = vector.broadcast %broadcast_in_dim3A_194 : i32 to vector<16xi32>
        %mul3A_196 = arith.constant 16 : i32
        %mul3A_197 = arith.muli %scan3A_187, %mul3A_196 : i32
        %swap3A_198 = arith.index_cast %mul3A_197 : i32 to index
        %swap3A_199 = tpu.vector_load %arg8[%swap3A_198] {strides = array<i32>} : memref<4096xi32, #tpu.memory_space<vmem>>, vector<16xi32>,
        tpu.vector_store %arg8[%swap3A_198], %broadcast_in_dim3A_195 {strides = array<i32>} : memref<4096xi32, #tpu.memory_space<vmem>>, vector<16xi32>,
        %broadcast_in_dim3A_200 = arith.constant 0 : i32
        %broadcast_in_dim3A_201 = vector.broadcast %broadcast_in_dim3A_200 : i32 to vector<16xi32>
        %mul3A_202 = arith.constant 16 : i32
        %mul3A_203 = arith.muli %scan3A_187, %mul3A_202 : i32
        %swap3A_204 = arith.index_cast %mul3A_203 : i32 to index
        %swap3A_205 = tpu.vector_load %arg9[%swap3A_204] {strides = array<i32>} : memref<4096xi32, #tpu.memory_space<vmem>>, vector<16xi32>,
        tpu.vector_store %arg9[%swap3A_204], %broadcast_in_dim3A_201 {strides = array<i32>} : memref<4096xi32, #tpu.memory_space<vmem>>, vector<16xi32>,
        %broadcast_in_dim3A_206 = arith.constant 0 : i32
        %broadcast_in_dim3A_207 = vector.broadcast %broadcast_in_dim3A_206 : i32 to vector<16xi32>
        %mul3A_208 = arith.constant 16 : i32
        %mul3A_209 = arith.muli %scan3A_187, %mul3A_208 : i32
        %swap3A_210 = arith.index_cast %mul3A_209 : i32 to index
        %swap3A_211 = tpu.vector_load %arg10[%swap3A_210] {strides = array<i32>} : memref<4096xi32, #tpu.memory_space<vmem>>, vector<16xi32>,
        tpu.vector_store %arg10[%swap3A_210], %broadcast_in_dim3A_207 {strides = array<i32>} : memref<4096xi32, #tpu.memory_space<vmem>>, vector<16xi32>,
        %scan3A_212 = arith.constant 0 : i32
        %scan3A_213 = arith.constant 3 : i32
        %scan3A_214 = arith.addi %scan3A_133, %scan3A_213 : i32
        %broadcast_in_dim3A_215 = arith.constant 0 : i32
        %broadcast_in_dim3A_216 = vector.broadcast %broadcast_in_dim3A_215 : i32 to vector<16xi32>
        %mul3A_217 = arith.constant 16 : i32
        %mul3A_218 = arith.muli %scan3A_214, %mul3A_217 : i32
        %swap3A_219 = arith.index_cast %mul3A_218 : i32 to index
        %swap3A_220 = tpu.vector_load %arg7[%swap3A_219] {strides = array<i32>} : memref<4096xi32, #tpu.memory_space<vmem>>, vector<16xi32>,
        tpu.vector_store %arg7[%swap3A_219], %broadcast_in_dim3A_216 {strides = array<i32>} : memref<4096xi32, #tpu.memory_space<vmem>>, vector<16xi32>,
        %broadcast_in_dim3A_221 = arith.constant 0 : i32
        %broadcast_in_dim3A_222 = vector.broadcast %broadcast_in_dim3A_221 : i32 to vector<16xi32>
        %mul3A_223 = arith.constant 16 : i32
        %mul3A_224 = arith.muli %scan3A_214, %mul3A_223 : i32
        %swap3A_225 = arith.index_cast %mul3A_224 : i32 to index
        %swap3A_226 = tpu.vector_load %arg8[%swap3A_225] {strides = array<i32>} : memref<4096xi32, #tpu.memory_space<vmem>>, vector<16xi32>,
        tpu.vector_store %arg8[%swap3A_225], %broadcast_in_dim3A_222 {strides = array<i32>} : memref<4096xi32, #tpu.memory_space<vmem>>, vector<16xi32>,
        %broadcast_in_dim3A_227 = arith.constant 0 : i32
        %broadcast_in_dim3A_228 = vector.broadcast %broadcast_in_dim3A_227 : i32 to vector<16xi32>
        %mul3A_229 = arith.constant 16 : i32
        %mul3A_230 = arith.muli %scan3A_214, %mul3A_229 : i32
        %swap3A_231 = arith.index_cast %mul3A_230 : i32 to index
        %swap3A_232 = tpu.vector_load %arg9[%swap3A_231] {strides = array<i32>} : memref<4096xi32, #tpu.memory_space<vmem>>, vector<16xi32>,
        tpu.vector_store %arg9[%swap3A_231], %broadcast_in_dim3A_228 {strides = array<i32>} : memref<4096xi32, #tpu.memory_space<vmem>>, vector<16xi32>,
        %broadcast_in_dim3A_233 = arith.constant 0 : i32
        %broadcast_in_dim3A_234 = vector.broadcast %broadcast_in_dim3A_233 : i32 to vector<16xi32>
        %mul3A_235 = arith.constant 16 : i32
        %mul3A_236 = arith.muli %scan3A_214, %mul3A_235 : i32
        %swap3A_237 = arith.index_cast %mul3A_236 : i32 to index
        %swap3A_238 = tpu.vector_load %arg10[%swap3A_237] {strides = array<i32>} : memref<4096xi32, #tpu.memory_space<vmem>>, vector<16xi32>,
        tpu.vector_store %arg10[%swap3A_237], %broadcast_in_dim3A_234 {strides = array<i32>} : memref<4096xi32, #tpu.memory_space<vmem>>, vector<16xi32>,
        %scan3A_239 = arith.constant 0 : i32
        scf.yield %scan3A_239 : i32
      }
      %scan3A_54 = arith.constant 256 : i32
      %scan3A_55 = arith.constant 0 : i32
      %scan3A_56 = arith.constant 0 : i32
      %scan3A_57 = arith.constant 512 : i32
      %scan3A_58 = arith.addi %scan3A_56, %scan3A_57 : i32
      %scan3A_59 = arith.constant 2 : i32
      %scan3A_60 = scf.for %scan3A_133 = %scan3A_56 to %scan3A_58 step %scan3A_59 iter_args(%scan3A_134 = %scan3A_55) -> (i32)  : i32 {
        %add3A_135 = arith.constant 0 : i32
        %add3A_136 = arith.addi %add3A_135, %scan3A_133 : i32
        %mul3A_137 = arith.constant 16 : i32
        %mul3A_138 = arith.muli %add3A_136, %mul3A_137 : i32
        %get3A = arith.index_cast %mul3A_138 : i32 to index
        %get3A_139 = tpu.vector_load %arg6[%get3A] {strides = array<i32>} : memref<32768xi32, #tpu.memory_space<vmem>>, vector<16xi32>,
        %gather3A = tpu.vector_load_idx %arg4[%get3A_139] : memref<32768xi32, #tpu.memory_space<vmem>>[vector<16xi32>], vector<16xi32>,
        %shift_right_logical3A = arith.constant 8 : i32
        %shift_right_logical3A_140 = vector.broadcast %shift_right_logical3A : i32 to vector<16xi32>
        %shift_right_logical3A_141 = arith.shrui %gather3A, %shift_right_logical3A_140 : vector<16xi32>
        %and3A = arith.constant 255 : i32
        %and3A_142 = vector.broadcast %and3A : i32 to vector<16xi32>
        %and3A_143 = arith.andi %shift_right_logical3A_141, %and3A_142 : vector<16xi32>
        %mul3A_144 = arith.constant 16 : i32
        %mul3A_145 = vector.broadcast %mul3A_144 : i32 to vector<16xi32>
        %mul3A_146 = arith.muli %and3A_143, %mul3A_145 : vector<16xi32>
        %add3A_147 = arith.addi %mul3A_146, %iota3A : vector<16xi32>
        tpu.vector_store_idx %arg7[%add3A_147], %broadcast_in_dim3A_1 {add = true} : memref<4096xi32, #tpu.memory_space<vmem>>[vector<16xi32>], vector<16xi32>,
        %add3A_148 = arith.constant 512 : i32
        %add3A_149 = arith.addi %add3A_148, %scan3A_133 : i32
        %mul3A_150 = arith.constant 16 : i32
        %mul3A_151 = arith.muli %add3A_149, %mul3A_150 : i32
        %get3A_152 = arith.index_cast %mul3A_151 : i32 to index
        %get3A_153 = tpu.vector_load %arg6[%get3A_152] {strides = array<i32>} : memref<32768xi32, #tpu.memory_space<vmem>>, vector<16xi32>,
        %gather3A_154 = tpu.vector_load_idx %arg4[%get3A_153] : memref<32768xi32, #tpu.memory_space<vmem>>[vector<16xi32>], vector<16xi32>,
        %shift_right_logical3A_155 = arith.constant 8 : i32
        %shift_right_logical3A_156 = vector.broadcast %shift_right_logical3A_155 : i32 to vector<16xi32>
        %shift_right_logical3A_157 = arith.shrui %gather3A_154, %shift_right_logical3A_156 : vector<16xi32>
        %and3A_158 = arith.constant 255 : i32
        %and3A_159 = vector.broadcast %and3A_158 : i32 to vector<16xi32>
        %and3A_160 = arith.andi %shift_right_logical3A_157, %and3A_159 : vector<16xi32>
        %mul3A_161 = arith.constant 16 : i32
        %mul3A_162 = vector.broadcast %mul3A_161 : i32 to vector<16xi32>
        %mul3A_163 = arith.muli %and3A_160, %mul3A_162 : vector<16xi32>
        %add3A_164 = arith.addi %mul3A_163, %iota3A : vector<16xi32>
        tpu.vector_store_idx %arg8[%add3A_164], %broadcast_in_dim3A_1 {add = true} : memref<4096xi32, #tpu.memory_space<vmem>>[vector<16xi32>], vector<16xi32>,
        %add3A_165 = arith.constant 1024 : i32
        %add3A_166 = arith.addi %add3A_165, %scan3A_133 : i32
        %mul3A_167 = arith.constant 16 : i32
        %mul3A_168 = arith.muli %add3A_166, %mul3A_167 : i32
        %get3A_169 = arith.index_cast %mul3A_168 : i32 to index
        %get3A_170 = tpu.vector_load %arg6[%get3A_169] {strides = array<i32>} : memref<32768xi32, #tpu.memory_space<vmem>>, vector<16xi32>,
        %gather3A_171 = tpu.vector_load_idx %arg4[%get3A_170] : memref<32768xi32, #tpu.memory_space<vmem>>[vector<16xi32>], vector<16xi32>,
        %shift_right_logical3A_172 = arith.constant 8 : i32
        %shift_right_logical3A_173 = vector.broadcast %shift_right_logical3A_172 : i32 to vector<16xi32>
        %shift_right_logical3A_174 = arith.shrui %gather3A_171, %shift_right_logical3A_173 : vector<16xi32>
        %and3A_175 = arith.constant 255 : i32
        %and3A_176 = vector.broadcast %and3A_175 : i32 to vector<16xi32>
        %and3A_177 = arith.andi %shift_right_logical3A_174, %and3A_176 : vector<16xi32>
        %mul3A_178 = arith.constant 16 : i32
        %mul3A_179 = vector.broadcast %mul3A_178 : i32 to vector<16xi32>
        %mul3A_180 = arith.muli %and3A_177, %mul3A_179 : vector<16xi32>
        %add3A_181 = arith.addi %mul3A_180, %iota3A : vector<16xi32>
        tpu.vector_store_idx %arg9[%add3A_181], %broadcast_in_dim3A_1 {add = true} : memref<4096xi32, #tpu.memory_space<vmem>>[vector<16xi32>], vector<16xi32>,
        %add3A_182 = arith.constant 1536 : i32
        %add3A_183 = arith.addi %add3A_182, %scan3A_133 : i32
        %mul3A_184 = arith.constant 16 : i32
        %mul3A_185 = arith.muli %add3A_183, %mul3A_184 : i32
        %get3A_186 = arith.index_cast %mul3A_185 : i32 to index
        %get3A_187 = tpu.vector_load %arg6[%get3A_186] {strides = array<i32>} : memref<32768xi32, #tpu.memory_space<vmem>>, vector<16xi32>,
        %gather3A_188 = tpu.vector_load_idx %arg4[%get3A_187] : memref<32768xi32, #tpu.memory_space<vmem>>[vector<16xi32>], vector<16xi32>,
        %shift_right_logical3A_189 = arith.constant 8 : i32
        %shift_right_logical3A_190 = vector.broadcast %shift_right_logical3A_189 : i32 to vector<16xi32>
        %shift_right_logical3A_191 = arith.shrui %gather3A_188, %shift_right_logical3A_190 : vector<16xi32>
        %and3A_192 = arith.constant 255 : i32
        %and3A_193 = vector.broadcast %and3A_192 : i32 to vector<16xi32>
        %and3A_194 = arith.andi %shift_right_logical3A_191, %and3A_193 : vector<16xi32>
        %mul3A_195 = arith.constant 16 : i32
        %mul3A_196 = vector.broadcast %mul3A_195 : i32 to vector<16xi32>
        %mul3A_197 = arith.muli %and3A_194, %mul3A_196 : vector<16xi32>
        %add3A_198 = arith.addi %mul3A_197, %iota3A : vector<16xi32>
        tpu.vector_store_idx %arg10[%add3A_198], %broadcast_in_dim3A_1 {add = true} : memref<4096xi32, #tpu.memory_space<vmem>>[vector<16xi32>], vector<16xi32>,
        %scan3A_199 = arith.constant 0 : i32
        %scan3A_200 = arith.constant 1 : i32
        %scan3A_201 = arith.addi %scan3A_133, %scan3A_200 : i32
        %add3A_202 = arith.constant 0 : i32
        %add3A_203 = arith.addi %add3A_202, %scan3A_201 : i32
        %mul3A_204 = arith.constant 16 : i32
        %mul3A_205 = arith.muli %add3A_203, %mul3A_204 : i32
        %get3A_206 = arith.index_cast %mul3A_205 : i32 to index
        %get3A_207 = tpu.vector_load %arg6[%get3A_206] {strides = array<i32>} : memref<32768xi32, #tpu.memory_space<vmem>>, vector<16xi32>,
        %gather3A_208 = tpu.vector_load_idx %arg4[%get3A_207] : memref<32768xi32, #tpu.memory_space<vmem>>[vector<16xi32>], vector<16xi32>,
        %shift_right_logical3A_209 = arith.constant 8 : i32
        %shift_right_logical3A_210 = vector.broadcast %shift_right_logical3A_209 : i32 to vector<16xi32>
        %shift_right_logical3A_211 = arith.shrui %gather3A_208, %shift_right_logical3A_210 : vector<16xi32>
        %and3A_212 = arith.constant 255 : i32
        %and3A_213 = vector.broadcast %and3A_212 : i32 to vector<16xi32>
        %and3A_214 = arith.andi %shift_right_logical3A_211, %and3A_213 : vector<16xi32>
        %mul3A_215 = arith.constant 16 : i32
        %mul3A_216 = vector.broadcast %mul3A_215 : i32 to vector<16xi32>
        %mul3A_217 = arith.muli %and3A_214, %mul3A_216 : vector<16xi32>
        %add3A_218 = arith.addi %mul3A_217, %iota3A : vector<16xi32>
        tpu.vector_store_idx %arg7[%add3A_218], %broadcast_in_dim3A_1 {add = true} : memref<4096xi32, #tpu.memory_space<vmem>>[vector<16xi32>], vector<16xi32>,
        %add3A_219 = arith.constant 512 : i32
        %add3A_220 = arith.addi %add3A_219, %scan3A_201 : i32
        %mul3A_221 = arith.constant 16 : i32
        %mul3A_222 = arith.muli %add3A_220, %mul3A_221 : i32
        %get3A_223 = arith.index_cast %mul3A_222 : i32 to index
        %get3A_224 = tpu.vector_load %arg6[%get3A_223] {strides = array<i32>} : memref<32768xi32, #tpu.memory_space<vmem>>, vector<16xi32>,
        %gather3A_225 = tpu.vector_load_idx %arg4[%get3A_224] : memref<32768xi32, #tpu.memory_space<vmem>>[vector<16xi32>], vector<16xi32>,
        %shift_right_logical3A_226 = arith.constant 8 : i32
        %shift_right_logical3A_227 = vector.broadcast %shift_right_logical3A_226 : i32 to vector<16xi32>
        %shift_right_logical3A_228 = arith.shrui %gather3A_225, %shift_right_logical3A_227 : vector<16xi32>
        %and3A_229 = arith.constant 255 : i32
        %and3A_230 = vector.broadcast %and3A_229 : i32 to vector<16xi32>
        %and3A_231 = arith.andi %shift_right_logical3A_228, %and3A_230 : vector<16xi32>
        %mul3A_232 = arith.constant 16 : i32
        %mul3A_233 = vector.broadcast %mul3A_232 : i32 to vector<16xi32>
        %mul3A_234 = arith.muli %and3A_231, %mul3A_233 : vector<16xi32>
        %add3A_235 = arith.addi %mul3A_234, %iota3A : vector<16xi32>
        tpu.vector_store_idx %arg8[%add3A_235], %broadcast_in_dim3A_1 {add = true} : memref<4096xi32, #tpu.memory_space<vmem>>[vector<16xi32>], vector<16xi32>,
        %add3A_236 = arith.constant 1024 : i32
        %add3A_237 = arith.addi %add3A_236, %scan3A_201 : i32
        %mul3A_238 = arith.constant 16 : i32
        %mul3A_239 = arith.muli %add3A_237, %mul3A_238 : i32
        %get3A_240 = arith.index_cast %mul3A_239 : i32 to index
        %get3A_241 = tpu.vector_load %arg6[%get3A_240] {strides = array<i32>} : memref<32768xi32, #tpu.memory_space<vmem>>, vector<16xi32>,
        %gather3A_242 = tpu.vector_load_idx %arg4[%get3A_241] : memref<32768xi32, #tpu.memory_space<vmem>>[vector<16xi32>], vector<16xi32>,
        %shift_right_logical3A_243 = arith.constant 8 : i32
        %shift_right_logical3A_244 = vector.broadcast %shift_right_logical3A_243 : i32 to vector<16xi32>
        %shift_right_logical3A_245 = arith.shrui %gather3A_242, %shift_right_logical3A_244 : vector<16xi32>
        %and3A_246 = arith.constant 255 : i32
        %and3A_247 = vector.broadcast %and3A_246 : i32 to vector<16xi32>
        %and3A_248 = arith.andi %shift_right_logical3A_245, %and3A_247 : vector<16xi32>
        %mul3A_249 = arith.constant 16 : i32
        %mul3A_250 = vector.broadcast %mul3A_249 : i32 to vector<16xi32>
        %mul3A_251 = arith.muli %and3A_248, %mul3A_250 : vector<16xi32>
        %add3A_252 = arith.addi %mul3A_251, %iota3A : vector<16xi32>
        tpu.vector_store_idx %arg9[%add3A_252], %broadcast_in_dim3A_1 {add = true} : memref<4096xi32, #tpu.memory_space<vmem>>[vector<16xi32>], vector<16xi32>,
        %add3A_253 = arith.constant 1536 : i32
        %add3A_254 = arith.addi %add3A_253, %scan3A_201 : i32
        %mul3A_255 = arith.constant 16 : i32
        %mul3A_256 = arith.muli %add3A_254, %mul3A_255 : i32
        %get3A_257 = arith.index_cast %mul3A_256 : i32 to index
        %get3A_258 = tpu.vector_load %arg6[%get3A_257] {strides = array<i32>} : memref<32768xi32, #tpu.memory_space<vmem>>, vector<16xi32>,
        %gather3A_259 = tpu.vector_load_idx %arg4[%get3A_258] : memref<32768xi32, #tpu.memory_space<vmem>>[vector<16xi32>], vector<16xi32>,
        %shift_right_logical3A_260 = arith.constant 8 : i32
        %shift_right_logical3A_261 = vector.broadcast %shift_right_logical3A_260 : i32 to vector<16xi32>
        %shift_right_logical3A_262 = arith.shrui %gather3A_259, %shift_right_logical3A_261 : vector<16xi32>
        %and3A_263 = arith.constant 255 : i32
        %and3A_264 = vector.broadcast %and3A_263 : i32 to vector<16xi32>
        %and3A_265 = arith.andi %shift_right_logical3A_262, %and3A_264 : vector<16xi32>
        %mul3A_266 = arith.constant 16 : i32
        %mul3A_267 = vector.broadcast %mul3A_266 : i32 to vector<16xi32>
        %mul3A_268 = arith.muli %and3A_265, %mul3A_267 : vector<16xi32>
        %add3A_269 = arith.addi %mul3A_268, %iota3A : vector<16xi32>
        tpu.vector_store_idx %arg10[%add3A_269], %broadcast_in_dim3A_1 {add = true} : memref<4096xi32, #tpu.memory_space<vmem>>[vector<16xi32>], vector<16xi32>,
        %scan3A_270 = arith.constant 0 : i32
        scf.yield %scan3A_270 : i32
      }
      %scan3A_61 = arith.constant 512 : i32
      %scan3A_62 = arith.constant 0 : i32
      %scan3A_63 = arith.constant 0 : i32
      %scan3A_64 = arith.constant 256 : i32
      %scan3A_65 = arith.addi %scan3A_63, %scan3A_64 : i32
      %scan3A_66 = arith.constant 1 : i32
      %scan3A_67 = scf.for %scan3A_133 = %scan3A_63 to %scan3A_65 step %scan3A_66 iter_args(%scan3A_134 = %scan3A_62) -> (i32)  : i32 {
        %mul3A_135 = arith.constant 16 : i32
        %mul3A_136 = arith.muli %scan3A_133, %mul3A_135 : i32
        %get3A = arith.index_cast %mul3A_136 : i32 to index
        %get3A_137 = tpu.vector_load %arg7[%get3A] {strides = array<i32>} : memref<4096xi32, #tpu.memory_space<vmem>>, vector<16xi32>,
        %get3A_138 = arith.index_cast %mul3A_136 : i32 to index
        %get3A_139 = tpu.vector_load %arg8[%get3A_138] {strides = array<i32>} : memref<4096xi32, #tpu.memory_space<vmem>>, vector<16xi32>,
        %get3A_140 = arith.index_cast %mul3A_136 : i32 to index
        %get3A_141 = tpu.vector_load %arg9[%get3A_140] {strides = array<i32>} : memref<4096xi32, #tpu.memory_space<vmem>>, vector<16xi32>,
        %get3A_142 = arith.index_cast %mul3A_136 : i32 to index
        %get3A_143 = tpu.vector_load %arg10[%get3A_142] {strides = array<i32>} : memref<4096xi32, #tpu.memory_space<vmem>>, vector<16xi32>,
        %add3A_144 = arith.addi %get3A_137, %get3A_139 : vector<16xi32>
        %add3A_145 = arith.addi %add3A_144, %get3A_141 : vector<16xi32>
        %add3A_146 = arith.addi %add3A_145, %get3A_143 : vector<16xi32>
        %broadcast_in_dim3A_147 = arith.constant true
        %broadcast_in_dim3A_148 = vector.broadcast %broadcast_in_dim3A_147 : i1 to vector<16xi1>
        %masked_cumsum3A = tpu.scan <sum>, %add3A_146 masked %broadcast_in_dim3A_148 : vector<16xi32>, vector<16xi1> -> vector<16xi32>
        %sub3A = arith.subi %masked_cumsum3A, %add3A_146 : vector<16xi32>
        %add3A_149 = vector.broadcast %scan3A_134 : i32 to vector<16xi32>
        %add3A_150 = arith.addi %sub3A, %add3A_149 : vector<16xi32>
        %swap3A = arith.index_cast %mul3A_136 : i32 to index
        %swap3A_151 = tpu.vector_load %arg7[%swap3A] {strides = array<i32>} : memref<4096xi32, #tpu.memory_space<vmem>>, vector<16xi32>,
        tpu.vector_store %arg7[%swap3A], %add3A_150 {strides = array<i32>} : memref<4096xi32, #tpu.memory_space<vmem>>, vector<16xi32>,
        %add3A_152 = arith.addi %add3A_150, %get3A_137 : vector<16xi32>
        %swap3A_153 = arith.index_cast %mul3A_136 : i32 to index
        %swap3A_154 = tpu.vector_load %arg8[%swap3A_153] {strides = array<i32>} : memref<4096xi32, #tpu.memory_space<vmem>>, vector<16xi32>,
        tpu.vector_store %arg8[%swap3A_153], %add3A_152 {strides = array<i32>} : memref<4096xi32, #tpu.memory_space<vmem>>, vector<16xi32>,
        %add3A_155 = arith.addi %add3A_152, %get3A_139 : vector<16xi32>
        %swap3A_156 = arith.index_cast %mul3A_136 : i32 to index
        %swap3A_157 = tpu.vector_load %arg9[%swap3A_156] {strides = array<i32>} : memref<4096xi32, #tpu.memory_space<vmem>>, vector<16xi32>,
        tpu.vector_store %arg9[%swap3A_156], %add3A_155 {strides = array<i32>} : memref<4096xi32, #tpu.memory_space<vmem>>, vector<16xi32>,
        %add3A_158 = arith.addi %add3A_155, %get3A_141 : vector<16xi32>
        %swap3A_159 = arith.index_cast %mul3A_136 : i32 to index
        %swap3A_160 = tpu.vector_load %arg10[%swap3A_159] {strides = array<i32>} : memref<4096xi32, #tpu.memory_space<vmem>>, vector<16xi32>,
        tpu.vector_store %arg10[%swap3A_159], %add3A_158 {strides = array<i32>} : memref<4096xi32, #tpu.memory_space<vmem>>, vector<16xi32>,
        %add3A_161 = arith.addi %add3A_158, %get3A_143 : vector<16xi32>
        %reduce_sum3A = arith.constant true
        %reduce_sum3A_162 = vector.broadcast %reduce_sum3A : i1 to vector<16xi1>
        %reduce_sum3A_163 = tpu.scan <sum>, %add3A_146 masked %reduce_sum3A_162 : vector<16xi32>, vector<16xi1> -> vector<16xi32>
        %reduce_sum3A_164 = vector.extract %reduce_sum3A_163[15] : i32 from vector<16xi32>
        %add3A_165 = arith.addi %scan3A_134, %reduce_sum3A_164 : i32
        scf.yield %add3A_165 : i32
      }
      %scan3A_68 = arith.constant 256 : i32
      %scan3A_69 = arith.constant 0 : i32
      %scan3A_70 = arith.constant 0 : i32
      %scan3A_71 = arith.constant 512 : i32
      %scan3A_72 = arith.addi %scan3A_70, %scan3A_71 : i32
      %scan3A_73 = arith.constant 2 : i32
      %scan3A_74 = scf.for %scan3A_133 = %scan3A_70 to %scan3A_72 step %scan3A_73 iter_args(%scan3A_134 = %scan3A_69) -> (i32)  : i32 {
        %add3A_135 = arith.constant 0 : i32
        %add3A_136 = arith.addi %add3A_135, %scan3A_133 : i32
        %mul3A_137 = arith.constant 16 : i32
        %mul3A_138 = arith.muli %add3A_136, %mul3A_137 : i32
        %get3A = arith.index_cast %mul3A_138 : i32 to index
        %get3A_139 = tpu.vector_load %arg6[%get3A] {strides = array<i32>} : memref<32768xi32, #tpu.memory_space<vmem>>, vector<16xi32>,
        %gather3A = tpu.vector_load_idx %arg4[%get3A_139] : memref<32768xi32, #tpu.memory_space<vmem>>[vector<16xi32>], vector<16xi32>,
        %shift_right_logical3A = arith.constant 8 : i32
        %shift_right_logical3A_140 = vector.broadcast %shift_right_logical3A : i32 to vector<16xi32>
        %shift_right_logical3A_141 = arith.shrui %gather3A, %shift_right_logical3A_140 : vector<16xi32>
        %and3A = arith.constant 255 : i32
        %and3A_142 = vector.broadcast %and3A : i32 to vector<16xi32>
        %and3A_143 = arith.andi %shift_right_logical3A_141, %and3A_142 : vector<16xi32>
        %mul3A_144 = arith.constant 16 : i32
        %mul3A_145 = vector.broadcast %mul3A_144 : i32 to vector<16xi32>
        %mul3A_146 = arith.muli %and3A_143, %mul3A_145 : vector<16xi32>
        %add3A_147 = arith.addi %mul3A_146, %iota3A : vector<16xi32>
        %gather3A_148 = tpu.vector_load_idx %arg7[%add3A_147] : memref<4096xi32, #tpu.memory_space<vmem>>[vector<16xi32>], vector<16xi32>,
        %add3A_149 = arith.constant 1 : i32
        %add3A_150 = vector.broadcast %add3A_149 : i32 to vector<16xi32>
        %add3A_151 = arith.addi %gather3A_148, %add3A_150 : vector<16xi32>
        tpu.vector_store_idx %arg7[%add3A_147], %add3A_151 : memref<4096xi32, #tpu.memory_space<vmem>>[vector<16xi32>], vector<16xi32>,
        %and3A_152 = arith.constant 2047 : i32
        %and3A_153 = vector.broadcast %and3A_152 : i32 to vector<16xi32>
        %and3A_154 = arith.andi %gather3A_148, %and3A_153 : vector<16xi32>
        %mul3A_155 = arith.constant 16 : i32
        %mul3A_156 = vector.broadcast %mul3A_155 : i32 to vector<16xi32>
        %mul3A_157 = arith.muli %and3A_154, %mul3A_156 : vector<16xi32>
        %shift_right_logical3A_158 = arith.constant 11 : i32
        %shift_right_logical3A_159 = vector.broadcast %shift_right_logical3A_158 : i32 to vector<16xi32>
        %shift_right_logical3A_160 = arith.shrui %gather3A_148, %shift_right_logical3A_159 : vector<16xi32>
        %add3A_161 = arith.addi %mul3A_157, %shift_right_logical3A_160 : vector<16xi32>
        tpu.vector_store_idx %arg5[%add3A_161], %get3A_139 : memref<32768xi32, #tpu.memory_space<vmem>>[vector<16xi32>], vector<16xi32>,
        %add3A_162 = arith.constant 512 : i32
        %add3A_163 = arith.addi %add3A_162, %scan3A_133 : i32
        %mul3A_164 = arith.constant 16 : i32
        %mul3A_165 = arith.muli %add3A_163, %mul3A_164 : i32
        %get3A_166 = arith.index_cast %mul3A_165 : i32 to index
        %get3A_167 = tpu.vector_load %arg6[%get3A_166] {strides = array<i32>} : memref<32768xi32, #tpu.memory_space<vmem>>, vector<16xi32>,
        %gather3A_168 = tpu.vector_load_idx %arg4[%get3A_167] : memref<32768xi32, #tpu.memory_space<vmem>>[vector<16xi32>], vector<16xi32>,
        %shift_right_logical3A_169 = arith.constant 8 : i32
        %shift_right_logical3A_170 = vector.broadcast %shift_right_logical3A_169 : i32 to vector<16xi32>
        %shift_right_logical3A_171 = arith.shrui %gather3A_168, %shift_right_logical3A_170 : vector<16xi32>
        %and3A_172 = arith.constant 255 : i32
        %and3A_173 = vector.broadcast %and3A_172 : i32 to vector<16xi32>
        %and3A_174 = arith.andi %shift_right_logical3A_171, %and3A_173 : vector<16xi32>
        %mul3A_175 = arith.constant 16 : i32
        %mul3A_176 = vector.broadcast %mul3A_175 : i32 to vector<16xi32>
        %mul3A_177 = arith.muli %and3A_174, %mul3A_176 : vector<16xi32>
        %add3A_178 = arith.addi %mul3A_177, %iota3A : vector<16xi32>
        %gather3A_179 = tpu.vector_load_idx %arg8[%add3A_178] : memref<4096xi32, #tpu.memory_space<vmem>>[vector<16xi32>], vector<16xi32>,
        %add3A_180 = arith.constant 1 : i32
        %add3A_181 = vector.broadcast %add3A_180 : i32 to vector<16xi32>
        %add3A_182 = arith.addi %gather3A_179, %add3A_181 : vector<16xi32>
        tpu.vector_store_idx %arg8[%add3A_178], %add3A_182 : memref<4096xi32, #tpu.memory_space<vmem>>[vector<16xi32>], vector<16xi32>,
        %and3A_183 = arith.constant 2047 : i32
        %and3A_184 = vector.broadcast %and3A_183 : i32 to vector<16xi32>
        %and3A_185 = arith.andi %gather3A_179, %and3A_184 : vector<16xi32>
        %mul3A_186 = arith.constant 16 : i32
        %mul3A_187 = vector.broadcast %mul3A_186 : i32 to vector<16xi32>
        %mul3A_188 = arith.muli %and3A_185, %mul3A_187 : vector<16xi32>
        %shift_right_logical3A_189 = arith.constant 11 : i32
        %shift_right_logical3A_190 = vector.broadcast %shift_right_logical3A_189 : i32 to vector<16xi32>
        %shift_right_logical3A_191 = arith.shrui %gather3A_179, %shift_right_logical3A_190 : vector<16xi32>
        %add3A_192 = arith.addi %mul3A_188, %shift_right_logical3A_191 : vector<16xi32>
        tpu.vector_store_idx %arg5[%add3A_192], %get3A_167 : memref<32768xi32, #tpu.memory_space<vmem>>[vector<16xi32>], vector<16xi32>,
        %add3A_193 = arith.constant 1024 : i32
        %add3A_194 = arith.addi %add3A_193, %scan3A_133 : i32
        %mul3A_195 = arith.constant 16 : i32
        %mul3A_196 = arith.muli %add3A_194, %mul3A_195 : i32
        %get3A_197 = arith.index_cast %mul3A_196 : i32 to index
        %get3A_198 = tpu.vector_load %arg6[%get3A_197] {strides = array<i32>} : memref<32768xi32, #tpu.memory_space<vmem>>, vector<16xi32>,
        %gather3A_199 = tpu.vector_load_idx %arg4[%get3A_198] : memref<32768xi32, #tpu.memory_space<vmem>>[vector<16xi32>], vector<16xi32>,
        %shift_right_logical3A_200 = arith.constant 8 : i32
        %shift_right_logical3A_201 = vector.broadcast %shift_right_logical3A_200 : i32 to vector<16xi32>
        %shift_right_logical3A_202 = arith.shrui %gather3A_199, %shift_right_logical3A_201 : vector<16xi32>
        %and3A_203 = arith.constant 255 : i32
        %and3A_204 = vector.broadcast %and3A_203 : i32 to vector<16xi32>
        %and3A_205 = arith.andi %shift_right_logical3A_202, %and3A_204 : vector<16xi32>
        %mul3A_206 = arith.constant 16 : i32
        %mul3A_207 = vector.broadcast %mul3A_206 : i32 to vector<16xi32>
        %mul3A_208 = arith.muli %and3A_205, %mul3A_207 : vector<16xi32>
        %add3A_209 = arith.addi %mul3A_208, %iota3A : vector<16xi32>
        %gather3A_210 = tpu.vector_load_idx %arg9[%add3A_209] : memref<4096xi32, #tpu.memory_space<vmem>>[vector<16xi32>], vector<16xi32>,
        %add3A_211 = arith.constant 1 : i32
        %add3A_212 = vector.broadcast %add3A_211 : i32 to vector<16xi32>
        %add3A_213 = arith.addi %gather3A_210, %add3A_212 : vector<16xi32>
        tpu.vector_store_idx %arg9[%add3A_209], %add3A_213 : memref<4096xi32, #tpu.memory_space<vmem>>[vector<16xi32>], vector<16xi32>,
        %and3A_214 = arith.constant 2047 : i32
        %and3A_215 = vector.broadcast %and3A_214 : i32 to vector<16xi32>
        %and3A_216 = arith.andi %gather3A_210, %and3A_215 : vector<16xi32>
        %mul3A_217 = arith.constant 16 : i32
        %mul3A_218 = vector.broadcast %mul3A_217 : i32 to vector<16xi32>
        %mul3A_219 = arith.muli %and3A_216, %mul3A_218 : vector<16xi32>
        %shift_right_logical3A_220 = arith.constant 11 : i32
        %shift_right_logical3A_221 = vector.broadcast %shift_right_logical3A_220 : i32 to vector<16xi32>
        %shift_right_logical3A_222 = arith.shrui %gather3A_210, %shift_right_logical3A_221 : vector<16xi32>
        %add3A_223 = arith.addi %mul3A_219, %shift_right_logical3A_222 : vector<16xi32>
        tpu.vector_store_idx %arg5[%add3A_223], %get3A_198 : memref<32768xi32, #tpu.memory_space<vmem>>[vector<16xi32>], vector<16xi32>,
        %add3A_224 = arith.constant 1536 : i32
        %add3A_225 = arith.addi %add3A_224, %scan3A_133 : i32
        %mul3A_226 = arith.constant 16 : i32
        %mul3A_227 = arith.muli %add3A_225, %mul3A_226 : i32
        %get3A_228 = arith.index_cast %mul3A_227 : i32 to index
        %get3A_229 = tpu.vector_load %arg6[%get3A_228] {strides = array<i32>} : memref<32768xi32, #tpu.memory_space<vmem>>, vector<16xi32>,
        %gather3A_230 = tpu.vector_load_idx %arg4[%get3A_229] : memref<32768xi32, #tpu.memory_space<vmem>>[vector<16xi32>], vector<16xi32>,
        %shift_right_logical3A_231 = arith.constant 8 : i32
        %shift_right_logical3A_232 = vector.broadcast %shift_right_logical3A_231 : i32 to vector<16xi32>
        %shift_right_logical3A_233 = arith.shrui %gather3A_230, %shift_right_logical3A_232 : vector<16xi32>
        %and3A_234 = arith.constant 255 : i32
        %and3A_235 = vector.broadcast %and3A_234 : i32 to vector<16xi32>
        %and3A_236 = arith.andi %shift_right_logical3A_233, %and3A_235 : vector<16xi32>
        %mul3A_237 = arith.constant 16 : i32
        %mul3A_238 = vector.broadcast %mul3A_237 : i32 to vector<16xi32>
        %mul3A_239 = arith.muli %and3A_236, %mul3A_238 : vector<16xi32>
        %add3A_240 = arith.addi %mul3A_239, %iota3A : vector<16xi32>
        %gather3A_241 = tpu.vector_load_idx %arg10[%add3A_240] : memref<4096xi32, #tpu.memory_space<vmem>>[vector<16xi32>], vector<16xi32>,
        %add3A_242 = arith.constant 1 : i32
        %add3A_243 = vector.broadcast %add3A_242 : i32 to vector<16xi32>
        %add3A_244 = arith.addi %gather3A_241, %add3A_243 : vector<16xi32>
        tpu.vector_store_idx %arg10[%add3A_240], %add3A_244 : memref<4096xi32, #tpu.memory_space<vmem>>[vector<16xi32>], vector<16xi32>,
        %and3A_245 = arith.constant 2047 : i32
        %and3A_246 = vector.broadcast %and3A_245 : i32 to vector<16xi32>
        %and3A_247 = arith.andi %gather3A_241, %and3A_246 : vector<16xi32>
        %mul3A_248 = arith.constant 16 : i32
        %mul3A_249 = vector.broadcast %mul3A_248 : i32 to vector<16xi32>
        %mul3A_250 = arith.muli %and3A_247, %mul3A_249 : vector<16xi32>
        %shift_right_logical3A_251 = arith.constant 11 : i32
        %shift_right_logical3A_252 = vector.broadcast %shift_right_logical3A_251 : i32 to vector<16xi32>
        %shift_right_logical3A_253 = arith.shrui %gather3A_241, %shift_right_logical3A_252 : vector<16xi32>
        %add3A_254 = arith.addi %mul3A_250, %shift_right_logical3A_253 : vector<16xi32>
        tpu.vector_store_idx %arg5[%add3A_254], %get3A_229 : memref<32768xi32, #tpu.memory_space<vmem>>[vector<16xi32>], vector<16xi32>,
        %scan3A_255 = arith.constant 0 : i32
        %scan3A_256 = arith.constant 1 : i32
        %scan3A_257 = arith.addi %scan3A_133, %scan3A_256 : i32
        %add3A_258 = arith.constant 0 : i32
        %add3A_259 = arith.addi %add3A_258, %scan3A_257 : i32
        %mul3A_260 = arith.constant 16 : i32
        %mul3A_261 = arith.muli %add3A_259, %mul3A_260 : i32
        %get3A_262 = arith.index_cast %mul3A_261 : i32 to index
        %get3A_263 = tpu.vector_load %arg6[%get3A_262] {strides = array<i32>} : memref<32768xi32, #tpu.memory_space<vmem>>, vector<16xi32>,
        %gather3A_264 = tpu.vector_load_idx %arg4[%get3A_263] : memref<32768xi32, #tpu.memory_space<vmem>>[vector<16xi32>], vector<16xi32>,
        %shift_right_logical3A_265 = arith.constant 8 : i32
        %shift_right_logical3A_266 = vector.broadcast %shift_right_logical3A_265 : i32 to vector<16xi32>
        %shift_right_logical3A_267 = arith.shrui %gather3A_264, %shift_right_logical3A_266 : vector<16xi32>
        %and3A_268 = arith.constant 255 : i32
        %and3A_269 = vector.broadcast %and3A_268 : i32 to vector<16xi32>
        %and3A_270 = arith.andi %shift_right_logical3A_267, %and3A_269 : vector<16xi32>
        %mul3A_271 = arith.constant 16 : i32
        %mul3A_272 = vector.broadcast %mul3A_271 : i32 to vector<16xi32>
        %mul3A_273 = arith.muli %and3A_270, %mul3A_272 : vector<16xi32>
        %add3A_274 = arith.addi %mul3A_273, %iota3A : vector<16xi32>
        %gather3A_275 = tpu.vector_load_idx %arg7[%add3A_274] : memref<4096xi32, #tpu.memory_space<vmem>>[vector<16xi32>], vector<16xi32>,
        %add3A_276 = arith.constant 1 : i32
        %add3A_277 = vector.broadcast %add3A_276 : i32 to vector<16xi32>
        %add3A_278 = arith.addi %gather3A_275, %add3A_277 : vector<16xi32>
        tpu.vector_store_idx %arg7[%add3A_274], %add3A_278 : memref<4096xi32, #tpu.memory_space<vmem>>[vector<16xi32>], vector<16xi32>,
        %and3A_279 = arith.constant 2047 : i32
        %and3A_280 = vector.broadcast %and3A_279 : i32 to vector<16xi32>
        %and3A_281 = arith.andi %gather3A_275, %and3A_280 : vector<16xi32>
        %mul3A_282 = arith.constant 16 : i32
        %mul3A_283 = vector.broadcast %mul3A_282 : i32 to vector<16xi32>
        %mul3A_284 = arith.muli %and3A_281, %mul3A_283 : vector<16xi32>
        %shift_right_logical3A_285 = arith.constant 11 : i32
        %shift_right_logical3A_286 = vector.broadcast %shift_right_logical3A_285 : i32 to vector<16xi32>
        %shift_right_logical3A_287 = arith.shrui %gather3A_275, %shift_right_logical3A_286 : vector<16xi32>
        %add3A_288 = arith.addi %mul3A_284, %shift_right_logical3A_287 : vector<16xi32>
        tpu.vector_store_idx %arg5[%add3A_288], %get3A_263 : memref<32768xi32, #tpu.memory_space<vmem>>[vector<16xi32>], vector<16xi32>,
        %add3A_289 = arith.constant 512 : i32
        %add3A_290 = arith.addi %add3A_289, %scan3A_257 : i32
        %mul3A_291 = arith.constant 16 : i32
        %mul3A_292 = arith.muli %add3A_290, %mul3A_291 : i32
        %get3A_293 = arith.index_cast %mul3A_292 : i32 to index
        %get3A_294 = tpu.vector_load %arg6[%get3A_293] {strides = array<i32>} : memref<32768xi32, #tpu.memory_space<vmem>>, vector<16xi32>,
        %gather3A_295 = tpu.vector_load_idx %arg4[%get3A_294] : memref<32768xi32, #tpu.memory_space<vmem>>[vector<16xi32>], vector<16xi32>,
        %shift_right_logical3A_296 = arith.constant 8 : i32
        %shift_right_logical3A_297 = vector.broadcast %shift_right_logical3A_296 : i32 to vector<16xi32>
        %shift_right_logical3A_298 = arith.shrui %gather3A_295, %shift_right_logical3A_297 : vector<16xi32>
        %and3A_299 = arith.constant 255 : i32
        %and3A_300 = vector.broadcast %and3A_299 : i32 to vector<16xi32>
        %and3A_301 = arith.andi %shift_right_logical3A_298, %and3A_300 : vector<16xi32>
        %mul3A_302 = arith.constant 16 : i32
        %mul3A_303 = vector.broadcast %mul3A_302 : i32 to vector<16xi32>
        %mul3A_304 = arith.muli %and3A_301, %mul3A_303 : vector<16xi32>
        %add3A_305 = arith.addi %mul3A_304, %iota3A : vector<16xi32>
        %gather3A_306 = tpu.vector_load_idx %arg8[%add3A_305] : memref<4096xi32, #tpu.memory_space<vmem>>[vector<16xi32>], vector<16xi32>,
        %add3A_307 = arith.constant 1 : i32
        %add3A_308 = vector.broadcast %add3A_307 : i32 to vector<16xi32>
        %add3A_309 = arith.addi %gather3A_306, %add3A_308 : vector<16xi32>
        tpu.vector_store_idx %arg8[%add3A_305], %add3A_309 : memref<4096xi32, #tpu.memory_space<vmem>>[vector<16xi32>], vector<16xi32>,
        %and3A_310 = arith.constant 2047 : i32
        %and3A_311 = vector.broadcast %and3A_310 : i32 to vector<16xi32>
        %and3A_312 = arith.andi %gather3A_306, %and3A_311 : vector<16xi32>
        %mul3A_313 = arith.constant 16 : i32
        %mul3A_314 = vector.broadcast %mul3A_313 : i32 to vector<16xi32>
        %mul3A_315 = arith.muli %and3A_312, %mul3A_314 : vector<16xi32>
        %shift_right_logical3A_316 = arith.constant 11 : i32
        %shift_right_logical3A_317 = vector.broadcast %shift_right_logical3A_316 : i32 to vector<16xi32>
        %shift_right_logical3A_318 = arith.shrui %gather3A_306, %shift_right_logical3A_317 : vector<16xi32>
        %add3A_319 = arith.addi %mul3A_315, %shift_right_logical3A_318 : vector<16xi32>
        tpu.vector_store_idx %arg5[%add3A_319], %get3A_294 : memref<32768xi32, #tpu.memory_space<vmem>>[vector<16xi32>], vector<16xi32>,
        %add3A_320 = arith.constant 1024 : i32
        %add3A_321 = arith.addi %add3A_320, %scan3A_257 : i32
        %mul3A_322 = arith.constant 16 : i32
        %mul3A_323 = arith.muli %add3A_321, %mul3A_322 : i32
        %get3A_324 = arith.index_cast %mul3A_323 : i32 to index
        %get3A_325 = tpu.vector_load %arg6[%get3A_324] {strides = array<i32>} : memref<32768xi32, #tpu.memory_space<vmem>>, vector<16xi32>,
        %gather3A_326 = tpu.vector_load_idx %arg4[%get3A_325] : memref<32768xi32, #tpu.memory_space<vmem>>[vector<16xi32>], vector<16xi32>,
        %shift_right_logical3A_327 = arith.constant 8 : i32
        %shift_right_logical3A_328 = vector.broadcast %shift_right_logical3A_327 : i32 to vector<16xi32>
        %shift_right_logical3A_329 = arith.shrui %gather3A_326, %shift_right_logical3A_328 : vector<16xi32>
        %and3A_330 = arith.constant 255 : i32
        %and3A_331 = vector.broadcast %and3A_330 : i32 to vector<16xi32>
        %and3A_332 = arith.andi %shift_right_logical3A_329, %and3A_331 : vector<16xi32>
        %mul3A_333 = arith.constant 16 : i32
        %mul3A_334 = vector.broadcast %mul3A_333 : i32 to vector<16xi32>
        %mul3A_335 = arith.muli %and3A_332, %mul3A_334 : vector<16xi32>
        %add3A_336 = arith.addi %mul3A_335, %iota3A : vector<16xi32>
        %gather3A_337 = tpu.vector_load_idx %arg9[%add3A_336] : memref<4096xi32, #tpu.memory_space<vmem>>[vector<16xi32>], vector<16xi32>,
        %add3A_338 = arith.constant 1 : i32
        %add3A_339 = vector.broadcast %add3A_338 : i32 to vector<16xi32>
        %add3A_340 = arith.addi %gather3A_337, %add3A_339 : vector<16xi32>
        tpu.vector_store_idx %arg9[%add3A_336], %add3A_340 : memref<4096xi32, #tpu.memory_space<vmem>>[vector<16xi32>], vector<16xi32>,
        %and3A_341 = arith.constant 2047 : i32
        %and3A_342 = vector.broadcast %and3A_341 : i32 to vector<16xi32>
        %and3A_343 = arith.andi %gather3A_337, %and3A_342 : vector<16xi32>
        %mul3A_344 = arith.constant 16 : i32
        %mul3A_345 = vector.broadcast %mul3A_344 : i32 to vector<16xi32>
        %mul3A_346 = arith.muli %and3A_343, %mul3A_345 : vector<16xi32>
        %shift_right_logical3A_347 = arith.constant 11 : i32
        %shift_right_logical3A_348 = vector.broadcast %shift_right_logical3A_347 : i32 to vector<16xi32>
        %shift_right_logical3A_349 = arith.shrui %gather3A_337, %shift_right_logical3A_348 : vector<16xi32>
        %add3A_350 = arith.addi %mul3A_346, %shift_right_logical3A_349 : vector<16xi32>
        tpu.vector_store_idx %arg5[%add3A_350], %get3A_325 : memref<32768xi32, #tpu.memory_space<vmem>>[vector<16xi32>], vector<16xi32>,
        %add3A_351 = arith.constant 1536 : i32
        %add3A_352 = arith.addi %add3A_351, %scan3A_257 : i32
        %mul3A_353 = arith.constant 16 : i32
        %mul3A_354 = arith.muli %add3A_352, %mul3A_353 : i32
        %get3A_355 = arith.index_cast %mul3A_354 : i32 to index
        %get3A_356 = tpu.vector_load %arg6[%get3A_355] {strides = array<i32>} : memref<32768xi32, #tpu.memory_space<vmem>>, vector<16xi32>,
        %gather3A_357 = tpu.vector_load_idx %arg4[%get3A_356] : memref<32768xi32, #tpu.memory_space<vmem>>[vector<16xi32>], vector<16xi32>,
        %shift_right_logical3A_358 = arith.constant 8 : i32
        %shift_right_logical3A_359 = vector.broadcast %shift_right_logical3A_358 : i32 to vector<16xi32>
        %shift_right_logical3A_360 = arith.shrui %gather3A_357, %shift_right_logical3A_359 : vector<16xi32>
        %and3A_361 = arith.constant 255 : i32
        %and3A_362 = vector.broadcast %and3A_361 : i32 to vector<16xi32>
        %and3A_363 = arith.andi %shift_right_logical3A_360, %and3A_362 : vector<16xi32>
        %mul3A_364 = arith.constant 16 : i32
        %mul3A_365 = vector.broadcast %mul3A_364 : i32 to vector<16xi32>
        %mul3A_366 = arith.muli %and3A_363, %mul3A_365 : vector<16xi32>
        %add3A_367 = arith.addi %mul3A_366, %iota3A : vector<16xi32>
        %gather3A_368 = tpu.vector_load_idx %arg10[%add3A_367] : memref<4096xi32, #tpu.memory_space<vmem>>[vector<16xi32>], vector<16xi32>,
        %add3A_369 = arith.constant 1 : i32
        %add3A_370 = vector.broadcast %add3A_369 : i32 to vector<16xi32>
        %add3A_371 = arith.addi %gather3A_368, %add3A_370 : vector<16xi32>
        tpu.vector_store_idx %arg10[%add3A_367], %add3A_371 : memref<4096xi32, #tpu.memory_space<vmem>>[vector<16xi32>], vector<16xi32>,
        %and3A_372 = arith.constant 2047 : i32
        %and3A_373 = vector.broadcast %and3A_372 : i32 to vector<16xi32>
        %and3A_374 = arith.andi %gather3A_368, %and3A_373 : vector<16xi32>
        %mul3A_375 = arith.constant 16 : i32
        %mul3A_376 = vector.broadcast %mul3A_375 : i32 to vector<16xi32>
        %mul3A_377 = arith.muli %and3A_374, %mul3A_376 : vector<16xi32>
        %shift_right_logical3A_378 = arith.constant 11 : i32
        %shift_right_logical3A_379 = vector.broadcast %shift_right_logical3A_378 : i32 to vector<16xi32>
        %shift_right_logical3A_380 = arith.shrui %gather3A_368, %shift_right_logical3A_379 : vector<16xi32>
        %add3A_381 = arith.addi %mul3A_377, %shift_right_logical3A_380 : vector<16xi32>
        tpu.vector_store_idx %arg5[%add3A_381], %get3A_356 : memref<32768xi32, #tpu.memory_space<vmem>>[vector<16xi32>], vector<16xi32>,
        %scan3A_382 = arith.constant 0 : i32
        scf.yield %scan3A_382 : i32
      }
      %scan3A_75 = arith.constant 512 : i32
      %scan3A_76 = arith.constant 0 : i32
      %scan3A_77 = arith.constant 0 : i32
      %scan3A_78 = arith.constant 256 : i32
      %scan3A_79 = arith.addi %scan3A_77, %scan3A_78 : i32
      %scan3A_80 = arith.constant 4 : i32
      %scan3A_81 = scf.for %scan3A_133 = %scan3A_77 to %scan3A_79 step %scan3A_80 iter_args(%scan3A_134 = %scan3A_76) -> (i32)  : i32 {
        %broadcast_in_dim3A_135 = arith.constant 0 : i32
        %broadcast_in_dim3A_136 = vector.broadcast %broadcast_in_dim3A_135 : i32 to vector<16xi32>
        %mul3A_137 = arith.constant 16 : i32
        %mul3A_138 = arith.muli %scan3A_133, %mul3A_137 : i32
        %swap3A = arith.index_cast %mul3A_138 : i32 to index
        %swap3A_139 = tpu.vector_load %arg7[%swap3A] {strides = array<i32>} : memref<4096xi32, #tpu.memory_space<vmem>>, vector<16xi32>,
        tpu.vector_store %arg7[%swap3A], %broadcast_in_dim3A_136 {strides = array<i32>} : memref<4096xi32, #tpu.memory_space<vmem>>, vector<16xi32>,
        %broadcast_in_dim3A_140 = arith.constant 0 : i32
        %broadcast_in_dim3A_141 = vector.broadcast %broadcast_in_dim3A_140 : i32 to vector<16xi32>
        %mul3A_142 = arith.constant 16 : i32
        %mul3A_143 = arith.muli %scan3A_133, %mul3A_142 : i32
        %swap3A_144 = arith.index_cast %mul3A_143 : i32 to index
        %swap3A_145 = tpu.vector_load %arg8[%swap3A_144] {strides = array<i32>} : memref<4096xi32, #tpu.memory_space<vmem>>, vector<16xi32>,
        tpu.vector_store %arg8[%swap3A_144], %broadcast_in_dim3A_141 {strides = array<i32>} : memref<4096xi32, #tpu.memory_space<vmem>>, vector<16xi32>,
        %broadcast_in_dim3A_146 = arith.constant 0 : i32
        %broadcast_in_dim3A_147 = vector.broadcast %broadcast_in_dim3A_146 : i32 to vector<16xi32>
        %mul3A_148 = arith.constant 16 : i32
        %mul3A_149 = arith.muli %scan3A_133, %mul3A_148 : i32
        %swap3A_150 = arith.index_cast %mul3A_149 : i32 to index
        %swap3A_151 = tpu.vector_load %arg9[%swap3A_150] {strides = array<i32>} : memref<4096xi32, #tpu.memory_space<vmem>>, vector<16xi32>,
        tpu.vector_store %arg9[%swap3A_150], %broadcast_in_dim3A_147 {strides = array<i32>} : memref<4096xi32, #tpu.memory_space<vmem>>, vector<16xi32>,
        %broadcast_in_dim3A_152 = arith.constant 0 : i32
        %broadcast_in_dim3A_153 = vector.broadcast %broadcast_in_dim3A_152 : i32 to vector<16xi32>
        %mul3A_154 = arith.constant 16 : i32
        %mul3A_155 = arith.muli %scan3A_133, %mul3A_154 : i32
        %swap3A_156 = arith.index_cast %mul3A_155 : i32 to index
        %swap3A_157 = tpu.vector_load %arg10[%swap3A_156] {strides = array<i32>} : memref<4096xi32, #tpu.memory_space<vmem>>, vector<16xi32>,
        tpu.vector_store %arg10[%swap3A_156], %broadcast_in_dim3A_153 {strides = array<i32>} : memref<4096xi32, #tpu.memory_space<vmem>>, vector<16xi32>,
        %scan3A_158 = arith.constant 0 : i32
        %scan3A_159 = arith.constant 1 : i32
        %scan3A_160 = arith.addi %scan3A_133, %scan3A_159 : i32
        %broadcast_in_dim3A_161 = arith.constant 0 : i32
        %broadcast_in_dim3A_162 = vector.broadcast %broadcast_in_dim3A_161 : i32 to vector<16xi32>
        %mul3A_163 = arith.constant 16 : i32
        %mul3A_164 = arith.muli %scan3A_160, %mul3A_163 : i32
        %swap3A_165 = arith.index_cast %mul3A_164 : i32 to index
        %swap3A_166 = tpu.vector_load %arg7[%swap3A_165] {strides = array<i32>} : memref<4096xi32, #tpu.memory_space<vmem>>, vector<16xi32>,
        tpu.vector_store %arg7[%swap3A_165], %broadcast_in_dim3A_162 {strides = array<i32>} : memref<4096xi32, #tpu.memory_space<vmem>>, vector<16xi32>,
        %broadcast_in_dim3A_167 = arith.constant 0 : i32
        %broadcast_in_dim3A_168 = vector.broadcast %broadcast_in_dim3A_167 : i32 to vector<16xi32>
        %mul3A_169 = arith.constant 16 : i32
        %mul3A_170 = arith.muli %scan3A_160, %mul3A_169 : i32
        %swap3A_171 = arith.index_cast %mul3A_170 : i32 to index
        %swap3A_172 = tpu.vector_load %arg8[%swap3A_171] {strides = array<i32>} : memref<4096xi32, #tpu.memory_space<vmem>>, vector<16xi32>,
        tpu.vector_store %arg8[%swap3A_171], %broadcast_in_dim3A_168 {strides = array<i32>} : memref<4096xi32, #tpu.memory_space<vmem>>, vector<16xi32>,
        %broadcast_in_dim3A_173 = arith.constant 0 : i32
        %broadcast_in_dim3A_174 = vector.broadcast %broadcast_in_dim3A_173 : i32 to vector<16xi32>
        %mul3A_175 = arith.constant 16 : i32
        %mul3A_176 = arith.muli %scan3A_160, %mul3A_175 : i32
        %swap3A_177 = arith.index_cast %mul3A_176 : i32 to index
        %swap3A_178 = tpu.vector_load %arg9[%swap3A_177] {strides = array<i32>} : memref<4096xi32, #tpu.memory_space<vmem>>, vector<16xi32>,
        tpu.vector_store %arg9[%swap3A_177], %broadcast_in_dim3A_174 {strides = array<i32>} : memref<4096xi32, #tpu.memory_space<vmem>>, vector<16xi32>,
        %broadcast_in_dim3A_179 = arith.constant 0 : i32
        %broadcast_in_dim3A_180 = vector.broadcast %broadcast_in_dim3A_179 : i32 to vector<16xi32>
        %mul3A_181 = arith.constant 16 : i32
        %mul3A_182 = arith.muli %scan3A_160, %mul3A_181 : i32
        %swap3A_183 = arith.index_cast %mul3A_182 : i32 to index
        %swap3A_184 = tpu.vector_load %arg10[%swap3A_183] {strides = array<i32>} : memref<4096xi32, #tpu.memory_space<vmem>>, vector<16xi32>,
        tpu.vector_store %arg10[%swap3A_183], %broadcast_in_dim3A_180 {strides = array<i32>} : memref<4096xi32, #tpu.memory_space<vmem>>, vector<16xi32>,
        %scan3A_185 = arith.constant 0 : i32
        %scan3A_186 = arith.constant 2 : i32
        %scan3A_187 = arith.addi %scan3A_133, %scan3A_186 : i32
        %broadcast_in_dim3A_188 = arith.constant 0 : i32
        %broadcast_in_dim3A_189 = vector.broadcast %broadcast_in_dim3A_188 : i32 to vector<16xi32>
        %mul3A_190 = arith.constant 16 : i32
        %mul3A_191 = arith.muli %scan3A_187, %mul3A_190 : i32
        %swap3A_192 = arith.index_cast %mul3A_191 : i32 to index
        %swap3A_193 = tpu.vector_load %arg7[%swap3A_192] {strides = array<i32>} : memref<4096xi32, #tpu.memory_space<vmem>>, vector<16xi32>,
        tpu.vector_store %arg7[%swap3A_192], %broadcast_in_dim3A_189 {strides = array<i32>} : memref<4096xi32, #tpu.memory_space<vmem>>, vector<16xi32>,
        %broadcast_in_dim3A_194 = arith.constant 0 : i32
        %broadcast_in_dim3A_195 = vector.broadcast %broadcast_in_dim3A_194 : i32 to vector<16xi32>
        %mul3A_196 = arith.constant 16 : i32
        %mul3A_197 = arith.muli %scan3A_187, %mul3A_196 : i32
        %swap3A_198 = arith.index_cast %mul3A_197 : i32 to index
        %swap3A_199 = tpu.vector_load %arg8[%swap3A_198] {strides = array<i32>} : memref<4096xi32, #tpu.memory_space<vmem>>, vector<16xi32>,
        tpu.vector_store %arg8[%swap3A_198], %broadcast_in_dim3A_195 {strides = array<i32>} : memref<4096xi32, #tpu.memory_space<vmem>>, vector<16xi32>,
        %broadcast_in_dim3A_200 = arith.constant 0 : i32
        %broadcast_in_dim3A_201 = vector.broadcast %broadcast_in_dim3A_200 : i32 to vector<16xi32>
        %mul3A_202 = arith.constant 16 : i32
        %mul3A_203 = arith.muli %scan3A_187, %mul3A_202 : i32
        %swap3A_204 = arith.index_cast %mul3A_203 : i32 to index
        %swap3A_205 = tpu.vector_load %arg9[%swap3A_204] {strides = array<i32>} : memref<4096xi32, #tpu.memory_space<vmem>>, vector<16xi32>,
        tpu.vector_store %arg9[%swap3A_204], %broadcast_in_dim3A_201 {strides = array<i32>} : memref<4096xi32, #tpu.memory_space<vmem>>, vector<16xi32>,
        %broadcast_in_dim3A_206 = arith.constant 0 : i32
        %broadcast_in_dim3A_207 = vector.broadcast %broadcast_in_dim3A_206 : i32 to vector<16xi32>
        %mul3A_208 = arith.constant 16 : i32
        %mul3A_209 = arith.muli %scan3A_187, %mul3A_208 : i32
        %swap3A_210 = arith.index_cast %mul3A_209 : i32 to index
        %swap3A_211 = tpu.vector_load %arg10[%swap3A_210] {strides = array<i32>} : memref<4096xi32, #tpu.memory_space<vmem>>, vector<16xi32>,
        tpu.vector_store %arg10[%swap3A_210], %broadcast_in_dim3A_207 {strides = array<i32>} : memref<4096xi32, #tpu.memory_space<vmem>>, vector<16xi32>,
        %scan3A_212 = arith.constant 0 : i32
        %scan3A_213 = arith.constant 3 : i32
        %scan3A_214 = arith.addi %scan3A_133, %scan3A_213 : i32
        %broadcast_in_dim3A_215 = arith.constant 0 : i32
        %broadcast_in_dim3A_216 = vector.broadcast %broadcast_in_dim3A_215 : i32 to vector<16xi32>
        %mul3A_217 = arith.constant 16 : i32
        %mul3A_218 = arith.muli %scan3A_214, %mul3A_217 : i32
        %swap3A_219 = arith.index_cast %mul3A_218 : i32 to index
        %swap3A_220 = tpu.vector_load %arg7[%swap3A_219] {strides = array<i32>} : memref<4096xi32, #tpu.memory_space<vmem>>, vector<16xi32>,
        tpu.vector_store %arg7[%swap3A_219], %broadcast_in_dim3A_216 {strides = array<i32>} : memref<4096xi32, #tpu.memory_space<vmem>>, vector<16xi32>,
        %broadcast_in_dim3A_221 = arith.constant 0 : i32
        %broadcast_in_dim3A_222 = vector.broadcast %broadcast_in_dim3A_221 : i32 to vector<16xi32>
        %mul3A_223 = arith.constant 16 : i32
        %mul3A_224 = arith.muli %scan3A_214, %mul3A_223 : i32
        %swap3A_225 = arith.index_cast %mul3A_224 : i32 to index
        %swap3A_226 = tpu.vector_load %arg8[%swap3A_225] {strides = array<i32>} : memref<4096xi32, #tpu.memory_space<vmem>>, vector<16xi32>,
        tpu.vector_store %arg8[%swap3A_225], %broadcast_in_dim3A_222 {strides = array<i32>} : memref<4096xi32, #tpu.memory_space<vmem>>, vector<16xi32>,
        %broadcast_in_dim3A_227 = arith.constant 0 : i32
        %broadcast_in_dim3A_228 = vector.broadcast %broadcast_in_dim3A_227 : i32 to vector<16xi32>
        %mul3A_229 = arith.constant 16 : i32
        %mul3A_230 = arith.muli %scan3A_214, %mul3A_229 : i32
        %swap3A_231 = arith.index_cast %mul3A_230 : i32 to index
        %swap3A_232 = tpu.vector_load %arg9[%swap3A_231] {strides = array<i32>} : memref<4096xi32, #tpu.memory_space<vmem>>, vector<16xi32>,
        tpu.vector_store %arg9[%swap3A_231], %broadcast_in_dim3A_228 {strides = array<i32>} : memref<4096xi32, #tpu.memory_space<vmem>>, vector<16xi32>,
        %broadcast_in_dim3A_233 = arith.constant 0 : i32
        %broadcast_in_dim3A_234 = vector.broadcast %broadcast_in_dim3A_233 : i32 to vector<16xi32>
        %mul3A_235 = arith.constant 16 : i32
        %mul3A_236 = arith.muli %scan3A_214, %mul3A_235 : i32
        %swap3A_237 = arith.index_cast %mul3A_236 : i32 to index
        %swap3A_238 = tpu.vector_load %arg10[%swap3A_237] {strides = array<i32>} : memref<4096xi32, #tpu.memory_space<vmem>>, vector<16xi32>,
        tpu.vector_store %arg10[%swap3A_237], %broadcast_in_dim3A_234 {strides = array<i32>} : memref<4096xi32, #tpu.memory_space<vmem>>, vector<16xi32>,
        %scan3A_239 = arith.constant 0 : i32
        scf.yield %scan3A_239 : i32
      }
      %scan3A_82 = arith.constant 256 : i32
      %scan3A_83 = arith.constant 0 : i32
      %scan3A_84 = arith.constant 0 : i32
      %scan3A_85 = arith.constant 512 : i32
      %scan3A_86 = arith.addi %scan3A_84, %scan3A_85 : i32
      %scan3A_87 = arith.constant 2 : i32
      %scan3A_88 = scf.for %scan3A_133 = %scan3A_84 to %scan3A_86 step %scan3A_87 iter_args(%scan3A_134 = %scan3A_83) -> (i32)  : i32 {
        %add3A_135 = arith.constant 0 : i32
        %add3A_136 = arith.addi %add3A_135, %scan3A_133 : i32
        %mul3A_137 = arith.constant 16 : i32
        %mul3A_138 = arith.muli %add3A_136, %mul3A_137 : i32
        %get3A = arith.index_cast %mul3A_138 : i32 to index
        %get3A_139 = tpu.vector_load %arg5[%get3A] {strides = array<i32>} : memref<32768xi32, #tpu.memory_space<vmem>>, vector<16xi32>,
        %gather3A = tpu.vector_load_idx %arg4[%get3A_139] : memref<32768xi32, #tpu.memory_space<vmem>>[vector<16xi32>], vector<16xi32>,
        %shift_right_logical3A = arith.constant 16 : i32
        %shift_right_logical3A_140 = vector.broadcast %shift_right_logical3A : i32 to vector<16xi32>
        %shift_right_logical3A_141 = arith.shrui %gather3A, %shift_right_logical3A_140 : vector<16xi32>
        %and3A = arith.constant 255 : i32
        %and3A_142 = vector.broadcast %and3A : i32 to vector<16xi32>
        %and3A_143 = arith.andi %shift_right_logical3A_141, %and3A_142 : vector<16xi32>
        %mul3A_144 = arith.constant 16 : i32
        %mul3A_145 = vector.broadcast %mul3A_144 : i32 to vector<16xi32>
        %mul3A_146 = arith.muli %and3A_143, %mul3A_145 : vector<16xi32>
        %add3A_147 = arith.addi %mul3A_146, %iota3A : vector<16xi32>
        tpu.vector_store_idx %arg7[%add3A_147], %broadcast_in_dim3A_1 {add = true} : memref<4096xi32, #tpu.memory_space<vmem>>[vector<16xi32>], vector<16xi32>,
        %add3A_148 = arith.constant 512 : i32
        %add3A_149 = arith.addi %add3A_148, %scan3A_133 : i32
        %mul3A_150 = arith.constant 16 : i32
        %mul3A_151 = arith.muli %add3A_149, %mul3A_150 : i32
        %get3A_152 = arith.index_cast %mul3A_151 : i32 to index
        %get3A_153 = tpu.vector_load %arg5[%get3A_152] {strides = array<i32>} : memref<32768xi32, #tpu.memory_space<vmem>>, vector<16xi32>,
        %gather3A_154 = tpu.vector_load_idx %arg4[%get3A_153] : memref<32768xi32, #tpu.memory_space<vmem>>[vector<16xi32>], vector<16xi32>,
        %shift_right_logical3A_155 = arith.constant 16 : i32
        %shift_right_logical3A_156 = vector.broadcast %shift_right_logical3A_155 : i32 to vector<16xi32>
        %shift_right_logical3A_157 = arith.shrui %gather3A_154, %shift_right_logical3A_156 : vector<16xi32>
        %and3A_158 = arith.constant 255 : i32
        %and3A_159 = vector.broadcast %and3A_158 : i32 to vector<16xi32>
        %and3A_160 = arith.andi %shift_right_logical3A_157, %and3A_159 : vector<16xi32>
        %mul3A_161 = arith.constant 16 : i32
        %mul3A_162 = vector.broadcast %mul3A_161 : i32 to vector<16xi32>
        %mul3A_163 = arith.muli %and3A_160, %mul3A_162 : vector<16xi32>
        %add3A_164 = arith.addi %mul3A_163, %iota3A : vector<16xi32>
        tpu.vector_store_idx %arg8[%add3A_164], %broadcast_in_dim3A_1 {add = true} : memref<4096xi32, #tpu.memory_space<vmem>>[vector<16xi32>], vector<16xi32>,
        %add3A_165 = arith.constant 1024 : i32
        %add3A_166 = arith.addi %add3A_165, %scan3A_133 : i32
        %mul3A_167 = arith.constant 16 : i32
        %mul3A_168 = arith.muli %add3A_166, %mul3A_167 : i32
        %get3A_169 = arith.index_cast %mul3A_168 : i32 to index
        %get3A_170 = tpu.vector_load %arg5[%get3A_169] {strides = array<i32>} : memref<32768xi32, #tpu.memory_space<vmem>>, vector<16xi32>,
        %gather3A_171 = tpu.vector_load_idx %arg4[%get3A_170] : memref<32768xi32, #tpu.memory_space<vmem>>[vector<16xi32>], vector<16xi32>,
        %shift_right_logical3A_172 = arith.constant 16 : i32
        %shift_right_logical3A_173 = vector.broadcast %shift_right_logical3A_172 : i32 to vector<16xi32>
        %shift_right_logical3A_174 = arith.shrui %gather3A_171, %shift_right_logical3A_173 : vector<16xi32>
        %and3A_175 = arith.constant 255 : i32
        %and3A_176 = vector.broadcast %and3A_175 : i32 to vector<16xi32>
        %and3A_177 = arith.andi %shift_right_logical3A_174, %and3A_176 : vector<16xi32>
        %mul3A_178 = arith.constant 16 : i32
        %mul3A_179 = vector.broadcast %mul3A_178 : i32 to vector<16xi32>
        %mul3A_180 = arith.muli %and3A_177, %mul3A_179 : vector<16xi32>
        %add3A_181 = arith.addi %mul3A_180, %iota3A : vector<16xi32>
        tpu.vector_store_idx %arg9[%add3A_181], %broadcast_in_dim3A_1 {add = true} : memref<4096xi32, #tpu.memory_space<vmem>>[vector<16xi32>], vector<16xi32>,
        %add3A_182 = arith.constant 1536 : i32
        %add3A_183 = arith.addi %add3A_182, %scan3A_133 : i32
        %mul3A_184 = arith.constant 16 : i32
        %mul3A_185 = arith.muli %add3A_183, %mul3A_184 : i32
        %get3A_186 = arith.index_cast %mul3A_185 : i32 to index
        %get3A_187 = tpu.vector_load %arg5[%get3A_186] {strides = array<i32>} : memref<32768xi32, #tpu.memory_space<vmem>>, vector<16xi32>,
        %gather3A_188 = tpu.vector_load_idx %arg4[%get3A_187] : memref<32768xi32, #tpu.memory_space<vmem>>[vector<16xi32>], vector<16xi32>,
        %shift_right_logical3A_189 = arith.constant 16 : i32
        %shift_right_logical3A_190 = vector.broadcast %shift_right_logical3A_189 : i32 to vector<16xi32>
        %shift_right_logical3A_191 = arith.shrui %gather3A_188, %shift_right_logical3A_190 : vector<16xi32>
        %and3A_192 = arith.constant 255 : i32
        %and3A_193 = vector.broadcast %and3A_192 : i32 to vector<16xi32>
        %and3A_194 = arith.andi %shift_right_logical3A_191, %and3A_193 : vector<16xi32>
        %mul3A_195 = arith.constant 16 : i32
        %mul3A_196 = vector.broadcast %mul3A_195 : i32 to vector<16xi32>
        %mul3A_197 = arith.muli %and3A_194, %mul3A_196 : vector<16xi32>
        %add3A_198 = arith.addi %mul3A_197, %iota3A : vector<16xi32>
        tpu.vector_store_idx %arg10[%add3A_198], %broadcast_in_dim3A_1 {add = true} : memref<4096xi32, #tpu.memory_space<vmem>>[vector<16xi32>], vector<16xi32>,
        %scan3A_199 = arith.constant 0 : i32
        %scan3A_200 = arith.constant 1 : i32
        %scan3A_201 = arith.addi %scan3A_133, %scan3A_200 : i32
        %add3A_202 = arith.constant 0 : i32
        %add3A_203 = arith.addi %add3A_202, %scan3A_201 : i32
        %mul3A_204 = arith.constant 16 : i32
        %mul3A_205 = arith.muli %add3A_203, %mul3A_204 : i32
        %get3A_206 = arith.index_cast %mul3A_205 : i32 to index
        %get3A_207 = tpu.vector_load %arg5[%get3A_206] {strides = array<i32>} : memref<32768xi32, #tpu.memory_space<vmem>>, vector<16xi32>,
        %gather3A_208 = tpu.vector_load_idx %arg4[%get3A_207] : memref<32768xi32, #tpu.memory_space<vmem>>[vector<16xi32>], vector<16xi32>,
        %shift_right_logical3A_209 = arith.constant 16 : i32
        %shift_right_logical3A_210 = vector.broadcast %shift_right_logical3A_209 : i32 to vector<16xi32>
        %shift_right_logical3A_211 = arith.shrui %gather3A_208, %shift_right_logical3A_210 : vector<16xi32>
        %and3A_212 = arith.constant 255 : i32
        %and3A_213 = vector.broadcast %and3A_212 : i32 to vector<16xi32>
        %and3A_214 = arith.andi %shift_right_logical3A_211, %and3A_213 : vector<16xi32>
        %mul3A_215 = arith.constant 16 : i32
        %mul3A_216 = vector.broadcast %mul3A_215 : i32 to vector<16xi32>
        %mul3A_217 = arith.muli %and3A_214, %mul3A_216 : vector<16xi32>
        %add3A_218 = arith.addi %mul3A_217, %iota3A : vector<16xi32>
        tpu.vector_store_idx %arg7[%add3A_218], %broadcast_in_dim3A_1 {add = true} : memref<4096xi32, #tpu.memory_space<vmem>>[vector<16xi32>], vector<16xi32>,
        %add3A_219 = arith.constant 512 : i32
        %add3A_220 = arith.addi %add3A_219, %scan3A_201 : i32
        %mul3A_221 = arith.constant 16 : i32
        %mul3A_222 = arith.muli %add3A_220, %mul3A_221 : i32
        %get3A_223 = arith.index_cast %mul3A_222 : i32 to index
        %get3A_224 = tpu.vector_load %arg5[%get3A_223] {strides = array<i32>} : memref<32768xi32, #tpu.memory_space<vmem>>, vector<16xi32>,
        %gather3A_225 = tpu.vector_load_idx %arg4[%get3A_224] : memref<32768xi32, #tpu.memory_space<vmem>>[vector<16xi32>], vector<16xi32>,
        %shift_right_logical3A_226 = arith.constant 16 : i32
        %shift_right_logical3A_227 = vector.broadcast %shift_right_logical3A_226 : i32 to vector<16xi32>
        %shift_right_logical3A_228 = arith.shrui %gather3A_225, %shift_right_logical3A_227 : vector<16xi32>
        %and3A_229 = arith.constant 255 : i32
        %and3A_230 = vector.broadcast %and3A_229 : i32 to vector<16xi32>
        %and3A_231 = arith.andi %shift_right_logical3A_228, %and3A_230 : vector<16xi32>
        %mul3A_232 = arith.constant 16 : i32
        %mul3A_233 = vector.broadcast %mul3A_232 : i32 to vector<16xi32>
        %mul3A_234 = arith.muli %and3A_231, %mul3A_233 : vector<16xi32>
        %add3A_235 = arith.addi %mul3A_234, %iota3A : vector<16xi32>
        tpu.vector_store_idx %arg8[%add3A_235], %broadcast_in_dim3A_1 {add = true} : memref<4096xi32, #tpu.memory_space<vmem>>[vector<16xi32>], vector<16xi32>,
        %add3A_236 = arith.constant 1024 : i32
        %add3A_237 = arith.addi %add3A_236, %scan3A_201 : i32
        %mul3A_238 = arith.constant 16 : i32
        %mul3A_239 = arith.muli %add3A_237, %mul3A_238 : i32
        %get3A_240 = arith.index_cast %mul3A_239 : i32 to index
        %get3A_241 = tpu.vector_load %arg5[%get3A_240] {strides = array<i32>} : memref<32768xi32, #tpu.memory_space<vmem>>, vector<16xi32>,
        %gather3A_242 = tpu.vector_load_idx %arg4[%get3A_241] : memref<32768xi32, #tpu.memory_space<vmem>>[vector<16xi32>], vector<16xi32>,
        %shift_right_logical3A_243 = arith.constant 16 : i32
        %shift_right_logical3A_244 = vector.broadcast %shift_right_logical3A_243 : i32 to vector<16xi32>
        %shift_right_logical3A_245 = arith.shrui %gather3A_242, %shift_right_logical3A_244 : vector<16xi32>
        %and3A_246 = arith.constant 255 : i32
        %and3A_247 = vector.broadcast %and3A_246 : i32 to vector<16xi32>
        %and3A_248 = arith.andi %shift_right_logical3A_245, %and3A_247 : vector<16xi32>
        %mul3A_249 = arith.constant 16 : i32
        %mul3A_250 = vector.broadcast %mul3A_249 : i32 to vector<16xi32>
        %mul3A_251 = arith.muli %and3A_248, %mul3A_250 : vector<16xi32>
        %add3A_252 = arith.addi %mul3A_251, %iota3A : vector<16xi32>
        tpu.vector_store_idx %arg9[%add3A_252], %broadcast_in_dim3A_1 {add = true} : memref<4096xi32, #tpu.memory_space<vmem>>[vector<16xi32>], vector<16xi32>,
        %add3A_253 = arith.constant 1536 : i32
        %add3A_254 = arith.addi %add3A_253, %scan3A_201 : i32
        %mul3A_255 = arith.constant 16 : i32
        %mul3A_256 = arith.muli %add3A_254, %mul3A_255 : i32
        %get3A_257 = arith.index_cast %mul3A_256 : i32 to index
        %get3A_258 = tpu.vector_load %arg5[%get3A_257] {strides = array<i32>} : memref<32768xi32, #tpu.memory_space<vmem>>, vector<16xi32>,
        %gather3A_259 = tpu.vector_load_idx %arg4[%get3A_258] : memref<32768xi32, #tpu.memory_space<vmem>>[vector<16xi32>], vector<16xi32>,
        %shift_right_logical3A_260 = arith.constant 16 : i32
        %shift_right_logical3A_261 = vector.broadcast %shift_right_logical3A_260 : i32 to vector<16xi32>
        %shift_right_logical3A_262 = arith.shrui %gather3A_259, %shift_right_logical3A_261 : vector<16xi32>
        %and3A_263 = arith.constant 255 : i32
        %and3A_264 = vector.broadcast %and3A_263 : i32 to vector<16xi32>
        %and3A_265 = arith.andi %shift_right_logical3A_262, %and3A_264 : vector<16xi32>
        %mul3A_266 = arith.constant 16 : i32
        %mul3A_267 = vector.broadcast %mul3A_266 : i32 to vector<16xi32>
        %mul3A_268 = arith.muli %and3A_265, %mul3A_267 : vector<16xi32>
        %add3A_269 = arith.addi %mul3A_268, %iota3A : vector<16xi32>
        tpu.vector_store_idx %arg10[%add3A_269], %broadcast_in_dim3A_1 {add = true} : memref<4096xi32, #tpu.memory_space<vmem>>[vector<16xi32>], vector<16xi32>,
        %scan3A_270 = arith.constant 0 : i32
        scf.yield %scan3A_270 : i32
      }
      %scan3A_89 = arith.constant 512 : i32
      %scan3A_90 = arith.constant 0 : i32
      %scan3A_91 = arith.constant 0 : i32
      %scan3A_92 = arith.constant 256 : i32
      %scan3A_93 = arith.addi %scan3A_91, %scan3A_92 : i32
      %scan3A_94 = arith.constant 1 : i32
      %scan3A_95 = scf.for %scan3A_133 = %scan3A_91 to %scan3A_93 step %scan3A_94 iter_args(%scan3A_134 = %scan3A_90) -> (i32)  : i32 {
        %mul3A_135 = arith.constant 16 : i32
        %mul3A_136 = arith.muli %scan3A_133, %mul3A_135 : i32
        %get3A = arith.index_cast %mul3A_136 : i32 to index
        %get3A_137 = tpu.vector_load %arg7[%get3A] {strides = array<i32>} : memref<4096xi32, #tpu.memory_space<vmem>>, vector<16xi32>,
        %get3A_138 = arith.index_cast %mul3A_136 : i32 to index
        %get3A_139 = tpu.vector_load %arg8[%get3A_138] {strides = array<i32>} : memref<4096xi32, #tpu.memory_space<vmem>>, vector<16xi32>,
        %get3A_140 = arith.index_cast %mul3A_136 : i32 to index
        %get3A_141 = tpu.vector_load %arg9[%get3A_140] {strides = array<i32>} : memref<4096xi32, #tpu.memory_space<vmem>>, vector<16xi32>,
        %get3A_142 = arith.index_cast %mul3A_136 : i32 to index
        %get3A_143 = tpu.vector_load %arg10[%get3A_142] {strides = array<i32>} : memref<4096xi32, #tpu.memory_space<vmem>>, vector<16xi32>,
        %add3A_144 = arith.addi %get3A_137, %get3A_139 : vector<16xi32>
        %add3A_145 = arith.addi %add3A_144, %get3A_141 : vector<16xi32>
        %add3A_146 = arith.addi %add3A_145, %get3A_143 : vector<16xi32>
        %broadcast_in_dim3A_147 = arith.constant true
        %broadcast_in_dim3A_148 = vector.broadcast %broadcast_in_dim3A_147 : i1 to vector<16xi1>
        %masked_cumsum3A = tpu.scan <sum>, %add3A_146 masked %broadcast_in_dim3A_148 : vector<16xi32>, vector<16xi1> -> vector<16xi32>
        %sub3A = arith.subi %masked_cumsum3A, %add3A_146 : vector<16xi32>
        %add3A_149 = vector.broadcast %scan3A_134 : i32 to vector<16xi32>
        %add3A_150 = arith.addi %sub3A, %add3A_149 : vector<16xi32>
        %swap3A = arith.index_cast %mul3A_136 : i32 to index
        %swap3A_151 = tpu.vector_load %arg7[%swap3A] {strides = array<i32>} : memref<4096xi32, #tpu.memory_space<vmem>>, vector<16xi32>,
        tpu.vector_store %arg7[%swap3A], %add3A_150 {strides = array<i32>} : memref<4096xi32, #tpu.memory_space<vmem>>, vector<16xi32>,
        %add3A_152 = arith.addi %add3A_150, %get3A_137 : vector<16xi32>
        %swap3A_153 = arith.index_cast %mul3A_136 : i32 to index
        %swap3A_154 = tpu.vector_load %arg8[%swap3A_153] {strides = array<i32>} : memref<4096xi32, #tpu.memory_space<vmem>>, vector<16xi32>,
        tpu.vector_store %arg8[%swap3A_153], %add3A_152 {strides = array<i32>} : memref<4096xi32, #tpu.memory_space<vmem>>, vector<16xi32>,
        %add3A_155 = arith.addi %add3A_152, %get3A_139 : vector<16xi32>
        %swap3A_156 = arith.index_cast %mul3A_136 : i32 to index
        %swap3A_157 = tpu.vector_load %arg9[%swap3A_156] {strides = array<i32>} : memref<4096xi32, #tpu.memory_space<vmem>>, vector<16xi32>,
        tpu.vector_store %arg9[%swap3A_156], %add3A_155 {strides = array<i32>} : memref<4096xi32, #tpu.memory_space<vmem>>, vector<16xi32>,
        %add3A_158 = arith.addi %add3A_155, %get3A_141 : vector<16xi32>
        %swap3A_159 = arith.index_cast %mul3A_136 : i32 to index
        %swap3A_160 = tpu.vector_load %arg10[%swap3A_159] {strides = array<i32>} : memref<4096xi32, #tpu.memory_space<vmem>>, vector<16xi32>,
        tpu.vector_store %arg10[%swap3A_159], %add3A_158 {strides = array<i32>} : memref<4096xi32, #tpu.memory_space<vmem>>, vector<16xi32>,
        %add3A_161 = arith.addi %add3A_158, %get3A_143 : vector<16xi32>
        %reduce_sum3A = arith.constant true
        %reduce_sum3A_162 = vector.broadcast %reduce_sum3A : i1 to vector<16xi1>
        %reduce_sum3A_163 = tpu.scan <sum>, %add3A_146 masked %reduce_sum3A_162 : vector<16xi32>, vector<16xi1> -> vector<16xi32>
        %reduce_sum3A_164 = vector.extract %reduce_sum3A_163[15] : i32 from vector<16xi32>
        %add3A_165 = arith.addi %scan3A_134, %reduce_sum3A_164 : i32
        scf.yield %add3A_165 : i32
      }
      %scan3A_96 = arith.constant 256 : i32
      %scan3A_97 = arith.constant 0 : i32
      %scan3A_98 = arith.constant 0 : i32
      %scan3A_99 = arith.constant 512 : i32
      %scan3A_100 = arith.addi %scan3A_98, %scan3A_99 : i32
      %scan3A_101 = arith.constant 2 : i32
      %scan3A_102 = scf.for %scan3A_133 = %scan3A_98 to %scan3A_100 step %scan3A_101 iter_args(%scan3A_134 = %scan3A_97) -> (i32)  : i32 {
        %add3A_135 = arith.constant 0 : i32
        %add3A_136 = arith.addi %add3A_135, %scan3A_133 : i32
        %mul3A_137 = arith.constant 16 : i32
        %mul3A_138 = arith.muli %add3A_136, %mul3A_137 : i32
        %get3A = arith.index_cast %mul3A_138 : i32 to index
        %get3A_139 = tpu.vector_load %arg5[%get3A] {strides = array<i32>} : memref<32768xi32, #tpu.memory_space<vmem>>, vector<16xi32>,
        %gather3A = tpu.vector_load_idx %arg4[%get3A_139] : memref<32768xi32, #tpu.memory_space<vmem>>[vector<16xi32>], vector<16xi32>,
        %shift_right_logical3A = arith.constant 16 : i32
        %shift_right_logical3A_140 = vector.broadcast %shift_right_logical3A : i32 to vector<16xi32>
        %shift_right_logical3A_141 = arith.shrui %gather3A, %shift_right_logical3A_140 : vector<16xi32>
        %and3A = arith.constant 255 : i32
        %and3A_142 = vector.broadcast %and3A : i32 to vector<16xi32>
        %and3A_143 = arith.andi %shift_right_logical3A_141, %and3A_142 : vector<16xi32>
        %mul3A_144 = arith.constant 16 : i32
        %mul3A_145 = vector.broadcast %mul3A_144 : i32 to vector<16xi32>
        %mul3A_146 = arith.muli %and3A_143, %mul3A_145 : vector<16xi32>
        %add3A_147 = arith.addi %mul3A_146, %iota3A : vector<16xi32>
        %gather3A_148 = tpu.vector_load_idx %arg7[%add3A_147] : memref<4096xi32, #tpu.memory_space<vmem>>[vector<16xi32>], vector<16xi32>,
        %add3A_149 = arith.constant 1 : i32
        %add3A_150 = vector.broadcast %add3A_149 : i32 to vector<16xi32>
        %add3A_151 = arith.addi %gather3A_148, %add3A_150 : vector<16xi32>
        tpu.vector_store_idx %arg7[%add3A_147], %add3A_151 : memref<4096xi32, #tpu.memory_space<vmem>>[vector<16xi32>], vector<16xi32>,
        %and3A_152 = arith.constant 2047 : i32
        %and3A_153 = vector.broadcast %and3A_152 : i32 to vector<16xi32>
        %and3A_154 = arith.andi %gather3A_148, %and3A_153 : vector<16xi32>
        %mul3A_155 = arith.constant 16 : i32
        %mul3A_156 = vector.broadcast %mul3A_155 : i32 to vector<16xi32>
        %mul3A_157 = arith.muli %and3A_154, %mul3A_156 : vector<16xi32>
        %shift_right_logical3A_158 = arith.constant 11 : i32
        %shift_right_logical3A_159 = vector.broadcast %shift_right_logical3A_158 : i32 to vector<16xi32>
        %shift_right_logical3A_160 = arith.shrui %gather3A_148, %shift_right_logical3A_159 : vector<16xi32>
        %add3A_161 = arith.addi %mul3A_157, %shift_right_logical3A_160 : vector<16xi32>
        tpu.vector_store_idx %arg6[%add3A_161], %get3A_139 : memref<32768xi32, #tpu.memory_space<vmem>>[vector<16xi32>], vector<16xi32>,
        %add3A_162 = arith.constant 512 : i32
        %add3A_163 = arith.addi %add3A_162, %scan3A_133 : i32
        %mul3A_164 = arith.constant 16 : i32
        %mul3A_165 = arith.muli %add3A_163, %mul3A_164 : i32
        %get3A_166 = arith.index_cast %mul3A_165 : i32 to index
        %get3A_167 = tpu.vector_load %arg5[%get3A_166] {strides = array<i32>} : memref<32768xi32, #tpu.memory_space<vmem>>, vector<16xi32>,
        %gather3A_168 = tpu.vector_load_idx %arg4[%get3A_167] : memref<32768xi32, #tpu.memory_space<vmem>>[vector<16xi32>], vector<16xi32>,
        %shift_right_logical3A_169 = arith.constant 16 : i32
        %shift_right_logical3A_170 = vector.broadcast %shift_right_logical3A_169 : i32 to vector<16xi32>
        %shift_right_logical3A_171 = arith.shrui %gather3A_168, %shift_right_logical3A_170 : vector<16xi32>
        %and3A_172 = arith.constant 255 : i32
        %and3A_173 = vector.broadcast %and3A_172 : i32 to vector<16xi32>
        %and3A_174 = arith.andi %shift_right_logical3A_171, %and3A_173 : vector<16xi32>
        %mul3A_175 = arith.constant 16 : i32
        %mul3A_176 = vector.broadcast %mul3A_175 : i32 to vector<16xi32>
        %mul3A_177 = arith.muli %and3A_174, %mul3A_176 : vector<16xi32>
        %add3A_178 = arith.addi %mul3A_177, %iota3A : vector<16xi32>
        %gather3A_179 = tpu.vector_load_idx %arg8[%add3A_178] : memref<4096xi32, #tpu.memory_space<vmem>>[vector<16xi32>], vector<16xi32>,
        %add3A_180 = arith.constant 1 : i32
        %add3A_181 = vector.broadcast %add3A_180 : i32 to vector<16xi32>
        %add3A_182 = arith.addi %gather3A_179, %add3A_181 : vector<16xi32>
        tpu.vector_store_idx %arg8[%add3A_178], %add3A_182 : memref<4096xi32, #tpu.memory_space<vmem>>[vector<16xi32>], vector<16xi32>,
        %and3A_183 = arith.constant 2047 : i32
        %and3A_184 = vector.broadcast %and3A_183 : i32 to vector<16xi32>
        %and3A_185 = arith.andi %gather3A_179, %and3A_184 : vector<16xi32>
        %mul3A_186 = arith.constant 16 : i32
        %mul3A_187 = vector.broadcast %mul3A_186 : i32 to vector<16xi32>
        %mul3A_188 = arith.muli %and3A_185, %mul3A_187 : vector<16xi32>
        %shift_right_logical3A_189 = arith.constant 11 : i32
        %shift_right_logical3A_190 = vector.broadcast %shift_right_logical3A_189 : i32 to vector<16xi32>
        %shift_right_logical3A_191 = arith.shrui %gather3A_179, %shift_right_logical3A_190 : vector<16xi32>
        %add3A_192 = arith.addi %mul3A_188, %shift_right_logical3A_191 : vector<16xi32>
        tpu.vector_store_idx %arg6[%add3A_192], %get3A_167 : memref<32768xi32, #tpu.memory_space<vmem>>[vector<16xi32>], vector<16xi32>,
        %add3A_193 = arith.constant 1024 : i32
        %add3A_194 = arith.addi %add3A_193, %scan3A_133 : i32
        %mul3A_195 = arith.constant 16 : i32
        %mul3A_196 = arith.muli %add3A_194, %mul3A_195 : i32
        %get3A_197 = arith.index_cast %mul3A_196 : i32 to index
        %get3A_198 = tpu.vector_load %arg5[%get3A_197] {strides = array<i32>} : memref<32768xi32, #tpu.memory_space<vmem>>, vector<16xi32>,
        %gather3A_199 = tpu.vector_load_idx %arg4[%get3A_198] : memref<32768xi32, #tpu.memory_space<vmem>>[vector<16xi32>], vector<16xi32>,
        %shift_right_logical3A_200 = arith.constant 16 : i32
        %shift_right_logical3A_201 = vector.broadcast %shift_right_logical3A_200 : i32 to vector<16xi32>
        %shift_right_logical3A_202 = arith.shrui %gather3A_199, %shift_right_logical3A_201 : vector<16xi32>
        %and3A_203 = arith.constant 255 : i32
        %and3A_204 = vector.broadcast %and3A_203 : i32 to vector<16xi32>
        %and3A_205 = arith.andi %shift_right_logical3A_202, %and3A_204 : vector<16xi32>
        %mul3A_206 = arith.constant 16 : i32
        %mul3A_207 = vector.broadcast %mul3A_206 : i32 to vector<16xi32>
        %mul3A_208 = arith.muli %and3A_205, %mul3A_207 : vector<16xi32>
        %add3A_209 = arith.addi %mul3A_208, %iota3A : vector<16xi32>
        %gather3A_210 = tpu.vector_load_idx %arg9[%add3A_209] : memref<4096xi32, #tpu.memory_space<vmem>>[vector<16xi32>], vector<16xi32>,
        %add3A_211 = arith.constant 1 : i32
        %add3A_212 = vector.broadcast %add3A_211 : i32 to vector<16xi32>
        %add3A_213 = arith.addi %gather3A_210, %add3A_212 : vector<16xi32>
        tpu.vector_store_idx %arg9[%add3A_209], %add3A_213 : memref<4096xi32, #tpu.memory_space<vmem>>[vector<16xi32>], vector<16xi32>,
        %and3A_214 = arith.constant 2047 : i32
        %and3A_215 = vector.broadcast %and3A_214 : i32 to vector<16xi32>
        %and3A_216 = arith.andi %gather3A_210, %and3A_215 : vector<16xi32>
        %mul3A_217 = arith.constant 16 : i32
        %mul3A_218 = vector.broadcast %mul3A_217 : i32 to vector<16xi32>
        %mul3A_219 = arith.muli %and3A_216, %mul3A_218 : vector<16xi32>
        %shift_right_logical3A_220 = arith.constant 11 : i32
        %shift_right_logical3A_221 = vector.broadcast %shift_right_logical3A_220 : i32 to vector<16xi32>
        %shift_right_logical3A_222 = arith.shrui %gather3A_210, %shift_right_logical3A_221 : vector<16xi32>
        %add3A_223 = arith.addi %mul3A_219, %shift_right_logical3A_222 : vector<16xi32>
        tpu.vector_store_idx %arg6[%add3A_223], %get3A_198 : memref<32768xi32, #tpu.memory_space<vmem>>[vector<16xi32>], vector<16xi32>,
        %add3A_224 = arith.constant 1536 : i32
        %add3A_225 = arith.addi %add3A_224, %scan3A_133 : i32
        %mul3A_226 = arith.constant 16 : i32
        %mul3A_227 = arith.muli %add3A_225, %mul3A_226 : i32
        %get3A_228 = arith.index_cast %mul3A_227 : i32 to index
        %get3A_229 = tpu.vector_load %arg5[%get3A_228] {strides = array<i32>} : memref<32768xi32, #tpu.memory_space<vmem>>, vector<16xi32>,
        %gather3A_230 = tpu.vector_load_idx %arg4[%get3A_229] : memref<32768xi32, #tpu.memory_space<vmem>>[vector<16xi32>], vector<16xi32>,
        %shift_right_logical3A_231 = arith.constant 16 : i32
        %shift_right_logical3A_232 = vector.broadcast %shift_right_logical3A_231 : i32 to vector<16xi32>
        %shift_right_logical3A_233 = arith.shrui %gather3A_230, %shift_right_logical3A_232 : vector<16xi32>
        %and3A_234 = arith.constant 255 : i32
        %and3A_235 = vector.broadcast %and3A_234 : i32 to vector<16xi32>
        %and3A_236 = arith.andi %shift_right_logical3A_233, %and3A_235 : vector<16xi32>
        %mul3A_237 = arith.constant 16 : i32
        %mul3A_238 = vector.broadcast %mul3A_237 : i32 to vector<16xi32>
        %mul3A_239 = arith.muli %and3A_236, %mul3A_238 : vector<16xi32>
        %add3A_240 = arith.addi %mul3A_239, %iota3A : vector<16xi32>
        %gather3A_241 = tpu.vector_load_idx %arg10[%add3A_240] : memref<4096xi32, #tpu.memory_space<vmem>>[vector<16xi32>], vector<16xi32>,
        %add3A_242 = arith.constant 1 : i32
        %add3A_243 = vector.broadcast %add3A_242 : i32 to vector<16xi32>
        %add3A_244 = arith.addi %gather3A_241, %add3A_243 : vector<16xi32>
        tpu.vector_store_idx %arg10[%add3A_240], %add3A_244 : memref<4096xi32, #tpu.memory_space<vmem>>[vector<16xi32>], vector<16xi32>,
        %and3A_245 = arith.constant 2047 : i32
        %and3A_246 = vector.broadcast %and3A_245 : i32 to vector<16xi32>
        %and3A_247 = arith.andi %gather3A_241, %and3A_246 : vector<16xi32>
        %mul3A_248 = arith.constant 16 : i32
        %mul3A_249 = vector.broadcast %mul3A_248 : i32 to vector<16xi32>
        %mul3A_250 = arith.muli %and3A_247, %mul3A_249 : vector<16xi32>
        %shift_right_logical3A_251 = arith.constant 11 : i32
        %shift_right_logical3A_252 = vector.broadcast %shift_right_logical3A_251 : i32 to vector<16xi32>
        %shift_right_logical3A_253 = arith.shrui %gather3A_241, %shift_right_logical3A_252 : vector<16xi32>
        %add3A_254 = arith.addi %mul3A_250, %shift_right_logical3A_253 : vector<16xi32>
        tpu.vector_store_idx %arg6[%add3A_254], %get3A_229 : memref<32768xi32, #tpu.memory_space<vmem>>[vector<16xi32>], vector<16xi32>,
        %scan3A_255 = arith.constant 0 : i32
        %scan3A_256 = arith.constant 1 : i32
        %scan3A_257 = arith.addi %scan3A_133, %scan3A_256 : i32
        %add3A_258 = arith.constant 0 : i32
        %add3A_259 = arith.addi %add3A_258, %scan3A_257 : i32
        %mul3A_260 = arith.constant 16 : i32
        %mul3A_261 = arith.muli %add3A_259, %mul3A_260 : i32
        %get3A_262 = arith.index_cast %mul3A_261 : i32 to index
        %get3A_263 = tpu.vector_load %arg5[%get3A_262] {strides = array<i32>} : memref<32768xi32, #tpu.memory_space<vmem>>, vector<16xi32>,
        %gather3A_264 = tpu.vector_load_idx %arg4[%get3A_263] : memref<32768xi32, #tpu.memory_space<vmem>>[vector<16xi32>], vector<16xi32>,
        %shift_right_logical3A_265 = arith.constant 16 : i32
        %shift_right_logical3A_266 = vector.broadcast %shift_right_logical3A_265 : i32 to vector<16xi32>
        %shift_right_logical3A_267 = arith.shrui %gather3A_264, %shift_right_logical3A_266 : vector<16xi32>
        %and3A_268 = arith.constant 255 : i32
        %and3A_269 = vector.broadcast %and3A_268 : i32 to vector<16xi32>
        %and3A_270 = arith.andi %shift_right_logical3A_267, %and3A_269 : vector<16xi32>
        %mul3A_271 = arith.constant 16 : i32
        %mul3A_272 = vector.broadcast %mul3A_271 : i32 to vector<16xi32>
        %mul3A_273 = arith.muli %and3A_270, %mul3A_272 : vector<16xi32>
        %add3A_274 = arith.addi %mul3A_273, %iota3A : vector<16xi32>
        %gather3A_275 = tpu.vector_load_idx %arg7[%add3A_274] : memref<4096xi32, #tpu.memory_space<vmem>>[vector<16xi32>], vector<16xi32>,
        %add3A_276 = arith.constant 1 : i32
        %add3A_277 = vector.broadcast %add3A_276 : i32 to vector<16xi32>
        %add3A_278 = arith.addi %gather3A_275, %add3A_277 : vector<16xi32>
        tpu.vector_store_idx %arg7[%add3A_274], %add3A_278 : memref<4096xi32, #tpu.memory_space<vmem>>[vector<16xi32>], vector<16xi32>,
        %and3A_279 = arith.constant 2047 : i32
        %and3A_280 = vector.broadcast %and3A_279 : i32 to vector<16xi32>
        %and3A_281 = arith.andi %gather3A_275, %and3A_280 : vector<16xi32>
        %mul3A_282 = arith.constant 16 : i32
        %mul3A_283 = vector.broadcast %mul3A_282 : i32 to vector<16xi32>
        %mul3A_284 = arith.muli %and3A_281, %mul3A_283 : vector<16xi32>
        %shift_right_logical3A_285 = arith.constant 11 : i32
        %shift_right_logical3A_286 = vector.broadcast %shift_right_logical3A_285 : i32 to vector<16xi32>
        %shift_right_logical3A_287 = arith.shrui %gather3A_275, %shift_right_logical3A_286 : vector<16xi32>
        %add3A_288 = arith.addi %mul3A_284, %shift_right_logical3A_287 : vector<16xi32>
        tpu.vector_store_idx %arg6[%add3A_288], %get3A_263 : memref<32768xi32, #tpu.memory_space<vmem>>[vector<16xi32>], vector<16xi32>,
        %add3A_289 = arith.constant 512 : i32
        %add3A_290 = arith.addi %add3A_289, %scan3A_257 : i32
        %mul3A_291 = arith.constant 16 : i32
        %mul3A_292 = arith.muli %add3A_290, %mul3A_291 : i32
        %get3A_293 = arith.index_cast %mul3A_292 : i32 to index
        %get3A_294 = tpu.vector_load %arg5[%get3A_293] {strides = array<i32>} : memref<32768xi32, #tpu.memory_space<vmem>>, vector<16xi32>,
        %gather3A_295 = tpu.vector_load_idx %arg4[%get3A_294] : memref<32768xi32, #tpu.memory_space<vmem>>[vector<16xi32>], vector<16xi32>,
        %shift_right_logical3A_296 = arith.constant 16 : i32
        %shift_right_logical3A_297 = vector.broadcast %shift_right_logical3A_296 : i32 to vector<16xi32>
        %shift_right_logical3A_298 = arith.shrui %gather3A_295, %shift_right_logical3A_297 : vector<16xi32>
        %and3A_299 = arith.constant 255 : i32
        %and3A_300 = vector.broadcast %and3A_299 : i32 to vector<16xi32>
        %and3A_301 = arith.andi %shift_right_logical3A_298, %and3A_300 : vector<16xi32>
        %mul3A_302 = arith.constant 16 : i32
        %mul3A_303 = vector.broadcast %mul3A_302 : i32 to vector<16xi32>
        %mul3A_304 = arith.muli %and3A_301, %mul3A_303 : vector<16xi32>
        %add3A_305 = arith.addi %mul3A_304, %iota3A : vector<16xi32>
        %gather3A_306 = tpu.vector_load_idx %arg8[%add3A_305] : memref<4096xi32, #tpu.memory_space<vmem>>[vector<16xi32>], vector<16xi32>,
        %add3A_307 = arith.constant 1 : i32
        %add3A_308 = vector.broadcast %add3A_307 : i32 to vector<16xi32>
        %add3A_309 = arith.addi %gather3A_306, %add3A_308 : vector<16xi32>
        tpu.vector_store_idx %arg8[%add3A_305], %add3A_309 : memref<4096xi32, #tpu.memory_space<vmem>>[vector<16xi32>], vector<16xi32>,
        %and3A_310 = arith.constant 2047 : i32
        %and3A_311 = vector.broadcast %and3A_310 : i32 to vector<16xi32>
        %and3A_312 = arith.andi %gather3A_306, %and3A_311 : vector<16xi32>
        %mul3A_313 = arith.constant 16 : i32
        %mul3A_314 = vector.broadcast %mul3A_313 : i32 to vector<16xi32>
        %mul3A_315 = arith.muli %and3A_312, %mul3A_314 : vector<16xi32>
        %shift_right_logical3A_316 = arith.constant 11 : i32
        %shift_right_logical3A_317 = vector.broadcast %shift_right_logical3A_316 : i32 to vector<16xi32>
        %shift_right_logical3A_318 = arith.shrui %gather3A_306, %shift_right_logical3A_317 : vector<16xi32>
        %add3A_319 = arith.addi %mul3A_315, %shift_right_logical3A_318 : vector<16xi32>
        tpu.vector_store_idx %arg6[%add3A_319], %get3A_294 : memref<32768xi32, #tpu.memory_space<vmem>>[vector<16xi32>], vector<16xi32>,
        %add3A_320 = arith.constant 1024 : i32
        %add3A_321 = arith.addi %add3A_320, %scan3A_257 : i32
        %mul3A_322 = arith.constant 16 : i32
        %mul3A_323 = arith.muli %add3A_321, %mul3A_322 : i32
        %get3A_324 = arith.index_cast %mul3A_323 : i32 to index
        %get3A_325 = tpu.vector_load %arg5[%get3A_324] {strides = array<i32>} : memref<32768xi32, #tpu.memory_space<vmem>>, vector<16xi32>,
        %gather3A_326 = tpu.vector_load_idx %arg4[%get3A_325] : memref<32768xi32, #tpu.memory_space<vmem>>[vector<16xi32>], vector<16xi32>,
        %shift_right_logical3A_327 = arith.constant 16 : i32
        %shift_right_logical3A_328 = vector.broadcast %shift_right_logical3A_327 : i32 to vector<16xi32>
        %shift_right_logical3A_329 = arith.shrui %gather3A_326, %shift_right_logical3A_328 : vector<16xi32>
        %and3A_330 = arith.constant 255 : i32
        %and3A_331 = vector.broadcast %and3A_330 : i32 to vector<16xi32>
        %and3A_332 = arith.andi %shift_right_logical3A_329, %and3A_331 : vector<16xi32>
        %mul3A_333 = arith.constant 16 : i32
        %mul3A_334 = vector.broadcast %mul3A_333 : i32 to vector<16xi32>
        %mul3A_335 = arith.muli %and3A_332, %mul3A_334 : vector<16xi32>
        %add3A_336 = arith.addi %mul3A_335, %iota3A : vector<16xi32>
        %gather3A_337 = tpu.vector_load_idx %arg9[%add3A_336] : memref<4096xi32, #tpu.memory_space<vmem>>[vector<16xi32>], vector<16xi32>,
        %add3A_338 = arith.constant 1 : i32
        %add3A_339 = vector.broadcast %add3A_338 : i32 to vector<16xi32>
        %add3A_340 = arith.addi %gather3A_337, %add3A_339 : vector<16xi32>
        tpu.vector_store_idx %arg9[%add3A_336], %add3A_340 : memref<4096xi32, #tpu.memory_space<vmem>>[vector<16xi32>], vector<16xi32>,
        %and3A_341 = arith.constant 2047 : i32
        %and3A_342 = vector.broadcast %and3A_341 : i32 to vector<16xi32>
        %and3A_343 = arith.andi %gather3A_337, %and3A_342 : vector<16xi32>
        %mul3A_344 = arith.constant 16 : i32
        %mul3A_345 = vector.broadcast %mul3A_344 : i32 to vector<16xi32>
        %mul3A_346 = arith.muli %and3A_343, %mul3A_345 : vector<16xi32>
        %shift_right_logical3A_347 = arith.constant 11 : i32
        %shift_right_logical3A_348 = vector.broadcast %shift_right_logical3A_347 : i32 to vector<16xi32>
        %shift_right_logical3A_349 = arith.shrui %gather3A_337, %shift_right_logical3A_348 : vector<16xi32>
        %add3A_350 = arith.addi %mul3A_346, %shift_right_logical3A_349 : vector<16xi32>
        tpu.vector_store_idx %arg6[%add3A_350], %get3A_325 : memref<32768xi32, #tpu.memory_space<vmem>>[vector<16xi32>], vector<16xi32>,
        %add3A_351 = arith.constant 1536 : i32
        %add3A_352 = arith.addi %add3A_351, %scan3A_257 : i32
        %mul3A_353 = arith.constant 16 : i32
        %mul3A_354 = arith.muli %add3A_352, %mul3A_353 : i32
        %get3A_355 = arith.index_cast %mul3A_354 : i32 to index
        %get3A_356 = tpu.vector_load %arg5[%get3A_355] {strides = array<i32>} : memref<32768xi32, #tpu.memory_space<vmem>>, vector<16xi32>,
        %gather3A_357 = tpu.vector_load_idx %arg4[%get3A_356] : memref<32768xi32, #tpu.memory_space<vmem>>[vector<16xi32>], vector<16xi32>,
        %shift_right_logical3A_358 = arith.constant 16 : i32
        %shift_right_logical3A_359 = vector.broadcast %shift_right_logical3A_358 : i32 to vector<16xi32>
        %shift_right_logical3A_360 = arith.shrui %gather3A_357, %shift_right_logical3A_359 : vector<16xi32>
        %and3A_361 = arith.constant 255 : i32
        %and3A_362 = vector.broadcast %and3A_361 : i32 to vector<16xi32>
        %and3A_363 = arith.andi %shift_right_logical3A_360, %and3A_362 : vector<16xi32>
        %mul3A_364 = arith.constant 16 : i32
        %mul3A_365 = vector.broadcast %mul3A_364 : i32 to vector<16xi32>
        %mul3A_366 = arith.muli %and3A_363, %mul3A_365 : vector<16xi32>
        %add3A_367 = arith.addi %mul3A_366, %iota3A : vector<16xi32>
        %gather3A_368 = tpu.vector_load_idx %arg10[%add3A_367] : memref<4096xi32, #tpu.memory_space<vmem>>[vector<16xi32>], vector<16xi32>,
        %add3A_369 = arith.constant 1 : i32
        %add3A_370 = vector.broadcast %add3A_369 : i32 to vector<16xi32>
        %add3A_371 = arith.addi %gather3A_368, %add3A_370 : vector<16xi32>
        tpu.vector_store_idx %arg10[%add3A_367], %add3A_371 : memref<4096xi32, #tpu.memory_space<vmem>>[vector<16xi32>], vector<16xi32>,
        %and3A_372 = arith.constant 2047 : i32
        %and3A_373 = vector.broadcast %and3A_372 : i32 to vector<16xi32>
        %and3A_374 = arith.andi %gather3A_368, %and3A_373 : vector<16xi32>
        %mul3A_375 = arith.constant 16 : i32
        %mul3A_376 = vector.broadcast %mul3A_375 : i32 to vector<16xi32>
        %mul3A_377 = arith.muli %and3A_374, %mul3A_376 : vector<16xi32>
        %shift_right_logical3A_378 = arith.constant 11 : i32
        %shift_right_logical3A_379 = vector.broadcast %shift_right_logical3A_378 : i32 to vector<16xi32>
        %shift_right_logical3A_380 = arith.shrui %gather3A_368, %shift_right_logical3A_379 : vector<16xi32>
        %add3A_381 = arith.addi %mul3A_377, %shift_right_logical3A_380 : vector<16xi32>
        tpu.vector_store_idx %arg6[%add3A_381], %get3A_356 : memref<32768xi32, #tpu.memory_space<vmem>>[vector<16xi32>], vector<16xi32>,
        %scan3A_382 = arith.constant 0 : i32
        scf.yield %scan3A_382 : i32
      }
      %scan3A_103 = arith.constant 512 : i32
      %scan3A_104 = arith.constant 0 : i32
      %scan3A_105 = arith.constant 0 : i32
      %scan3A_106 = arith.constant 256 : i32
      %scan3A_107 = arith.addi %scan3A_105, %scan3A_106 : i32
      %scan3A_108 = arith.constant 4 : i32
      %scan3A_109 = scf.for %scan3A_133 = %scan3A_105 to %scan3A_107 step %scan3A_108 iter_args(%scan3A_134 = %scan3A_104) -> (i32)  : i32 {
        %broadcast_in_dim3A_135 = arith.constant 0 : i32
        %broadcast_in_dim3A_136 = vector.broadcast %broadcast_in_dim3A_135 : i32 to vector<16xi32>
        %mul3A_137 = arith.constant 16 : i32
        %mul3A_138 = arith.muli %scan3A_133, %mul3A_137 : i32
        %swap3A = arith.index_cast %mul3A_138 : i32 to index
        %swap3A_139 = tpu.vector_load %arg7[%swap3A] {strides = array<i32>} : memref<4096xi32, #tpu.memory_space<vmem>>, vector<16xi32>,
        tpu.vector_store %arg7[%swap3A], %broadcast_in_dim3A_136 {strides = array<i32>} : memref<4096xi32, #tpu.memory_space<vmem>>, vector<16xi32>,
        %broadcast_in_dim3A_140 = arith.constant 0 : i32
        %broadcast_in_dim3A_141 = vector.broadcast %broadcast_in_dim3A_140 : i32 to vector<16xi32>
        %mul3A_142 = arith.constant 16 : i32
        %mul3A_143 = arith.muli %scan3A_133, %mul3A_142 : i32
        %swap3A_144 = arith.index_cast %mul3A_143 : i32 to index
        %swap3A_145 = tpu.vector_load %arg8[%swap3A_144] {strides = array<i32>} : memref<4096xi32, #tpu.memory_space<vmem>>, vector<16xi32>,
        tpu.vector_store %arg8[%swap3A_144], %broadcast_in_dim3A_141 {strides = array<i32>} : memref<4096xi32, #tpu.memory_space<vmem>>, vector<16xi32>,
        %broadcast_in_dim3A_146 = arith.constant 0 : i32
        %broadcast_in_dim3A_147 = vector.broadcast %broadcast_in_dim3A_146 : i32 to vector<16xi32>
        %mul3A_148 = arith.constant 16 : i32
        %mul3A_149 = arith.muli %scan3A_133, %mul3A_148 : i32
        %swap3A_150 = arith.index_cast %mul3A_149 : i32 to index
        %swap3A_151 = tpu.vector_load %arg9[%swap3A_150] {strides = array<i32>} : memref<4096xi32, #tpu.memory_space<vmem>>, vector<16xi32>,
        tpu.vector_store %arg9[%swap3A_150], %broadcast_in_dim3A_147 {strides = array<i32>} : memref<4096xi32, #tpu.memory_space<vmem>>, vector<16xi32>,
        %broadcast_in_dim3A_152 = arith.constant 0 : i32
        %broadcast_in_dim3A_153 = vector.broadcast %broadcast_in_dim3A_152 : i32 to vector<16xi32>
        %mul3A_154 = arith.constant 16 : i32
        %mul3A_155 = arith.muli %scan3A_133, %mul3A_154 : i32
        %swap3A_156 = arith.index_cast %mul3A_155 : i32 to index
        %swap3A_157 = tpu.vector_load %arg10[%swap3A_156] {strides = array<i32>} : memref<4096xi32, #tpu.memory_space<vmem>>, vector<16xi32>,
        tpu.vector_store %arg10[%swap3A_156], %broadcast_in_dim3A_153 {strides = array<i32>} : memref<4096xi32, #tpu.memory_space<vmem>>, vector<16xi32>,
        %scan3A_158 = arith.constant 0 : i32
        %scan3A_159 = arith.constant 1 : i32
        %scan3A_160 = arith.addi %scan3A_133, %scan3A_159 : i32
        %broadcast_in_dim3A_161 = arith.constant 0 : i32
        %broadcast_in_dim3A_162 = vector.broadcast %broadcast_in_dim3A_161 : i32 to vector<16xi32>
        %mul3A_163 = arith.constant 16 : i32
        %mul3A_164 = arith.muli %scan3A_160, %mul3A_163 : i32
        %swap3A_165 = arith.index_cast %mul3A_164 : i32 to index
        %swap3A_166 = tpu.vector_load %arg7[%swap3A_165] {strides = array<i32>} : memref<4096xi32, #tpu.memory_space<vmem>>, vector<16xi32>,
        tpu.vector_store %arg7[%swap3A_165], %broadcast_in_dim3A_162 {strides = array<i32>} : memref<4096xi32, #tpu.memory_space<vmem>>, vector<16xi32>,
        %broadcast_in_dim3A_167 = arith.constant 0 : i32
        %broadcast_in_dim3A_168 = vector.broadcast %broadcast_in_dim3A_167 : i32 to vector<16xi32>
        %mul3A_169 = arith.constant 16 : i32
        %mul3A_170 = arith.muli %scan3A_160, %mul3A_169 : i32
        %swap3A_171 = arith.index_cast %mul3A_170 : i32 to index
        %swap3A_172 = tpu.vector_load %arg8[%swap3A_171] {strides = array<i32>} : memref<4096xi32, #tpu.memory_space<vmem>>, vector<16xi32>,
        tpu.vector_store %arg8[%swap3A_171], %broadcast_in_dim3A_168 {strides = array<i32>} : memref<4096xi32, #tpu.memory_space<vmem>>, vector<16xi32>,
        %broadcast_in_dim3A_173 = arith.constant 0 : i32
        %broadcast_in_dim3A_174 = vector.broadcast %broadcast_in_dim3A_173 : i32 to vector<16xi32>
        %mul3A_175 = arith.constant 16 : i32
        %mul3A_176 = arith.muli %scan3A_160, %mul3A_175 : i32
        %swap3A_177 = arith.index_cast %mul3A_176 : i32 to index
        %swap3A_178 = tpu.vector_load %arg9[%swap3A_177] {strides = array<i32>} : memref<4096xi32, #tpu.memory_space<vmem>>, vector<16xi32>,
        tpu.vector_store %arg9[%swap3A_177], %broadcast_in_dim3A_174 {strides = array<i32>} : memref<4096xi32, #tpu.memory_space<vmem>>, vector<16xi32>,
        %broadcast_in_dim3A_179 = arith.constant 0 : i32
        %broadcast_in_dim3A_180 = vector.broadcast %broadcast_in_dim3A_179 : i32 to vector<16xi32>
        %mul3A_181 = arith.constant 16 : i32
        %mul3A_182 = arith.muli %scan3A_160, %mul3A_181 : i32
        %swap3A_183 = arith.index_cast %mul3A_182 : i32 to index
        %swap3A_184 = tpu.vector_load %arg10[%swap3A_183] {strides = array<i32>} : memref<4096xi32, #tpu.memory_space<vmem>>, vector<16xi32>,
        tpu.vector_store %arg10[%swap3A_183], %broadcast_in_dim3A_180 {strides = array<i32>} : memref<4096xi32, #tpu.memory_space<vmem>>, vector<16xi32>,
        %scan3A_185 = arith.constant 0 : i32
        %scan3A_186 = arith.constant 2 : i32
        %scan3A_187 = arith.addi %scan3A_133, %scan3A_186 : i32
        %broadcast_in_dim3A_188 = arith.constant 0 : i32
        %broadcast_in_dim3A_189 = vector.broadcast %broadcast_in_dim3A_188 : i32 to vector<16xi32>
        %mul3A_190 = arith.constant 16 : i32
        %mul3A_191 = arith.muli %scan3A_187, %mul3A_190 : i32
        %swap3A_192 = arith.index_cast %mul3A_191 : i32 to index
        %swap3A_193 = tpu.vector_load %arg7[%swap3A_192] {strides = array<i32>} : memref<4096xi32, #tpu.memory_space<vmem>>, vector<16xi32>,
        tpu.vector_store %arg7[%swap3A_192], %broadcast_in_dim3A_189 {strides = array<i32>} : memref<4096xi32, #tpu.memory_space<vmem>>, vector<16xi32>,
        %broadcast_in_dim3A_194 = arith.constant 0 : i32
        %broadcast_in_dim3A_195 = vector.broadcast %broadcast_in_dim3A_194 : i32 to vector<16xi32>
        %mul3A_196 = arith.constant 16 : i32
        %mul3A_197 = arith.muli %scan3A_187, %mul3A_196 : i32
        %swap3A_198 = arith.index_cast %mul3A_197 : i32 to index
        %swap3A_199 = tpu.vector_load %arg8[%swap3A_198] {strides = array<i32>} : memref<4096xi32, #tpu.memory_space<vmem>>, vector<16xi32>,
        tpu.vector_store %arg8[%swap3A_198], %broadcast_in_dim3A_195 {strides = array<i32>} : memref<4096xi32, #tpu.memory_space<vmem>>, vector<16xi32>,
        %broadcast_in_dim3A_200 = arith.constant 0 : i32
        %broadcast_in_dim3A_201 = vector.broadcast %broadcast_in_dim3A_200 : i32 to vector<16xi32>
        %mul3A_202 = arith.constant 16 : i32
        %mul3A_203 = arith.muli %scan3A_187, %mul3A_202 : i32
        %swap3A_204 = arith.index_cast %mul3A_203 : i32 to index
        %swap3A_205 = tpu.vector_load %arg9[%swap3A_204] {strides = array<i32>} : memref<4096xi32, #tpu.memory_space<vmem>>, vector<16xi32>,
        tpu.vector_store %arg9[%swap3A_204], %broadcast_in_dim3A_201 {strides = array<i32>} : memref<4096xi32, #tpu.memory_space<vmem>>, vector<16xi32>,
        %broadcast_in_dim3A_206 = arith.constant 0 : i32
        %broadcast_in_dim3A_207 = vector.broadcast %broadcast_in_dim3A_206 : i32 to vector<16xi32>
        %mul3A_208 = arith.constant 16 : i32
        %mul3A_209 = arith.muli %scan3A_187, %mul3A_208 : i32
        %swap3A_210 = arith.index_cast %mul3A_209 : i32 to index
        %swap3A_211 = tpu.vector_load %arg10[%swap3A_210] {strides = array<i32>} : memref<4096xi32, #tpu.memory_space<vmem>>, vector<16xi32>,
        tpu.vector_store %arg10[%swap3A_210], %broadcast_in_dim3A_207 {strides = array<i32>} : memref<4096xi32, #tpu.memory_space<vmem>>, vector<16xi32>,
        %scan3A_212 = arith.constant 0 : i32
        %scan3A_213 = arith.constant 3 : i32
        %scan3A_214 = arith.addi %scan3A_133, %scan3A_213 : i32
        %broadcast_in_dim3A_215 = arith.constant 0 : i32
        %broadcast_in_dim3A_216 = vector.broadcast %broadcast_in_dim3A_215 : i32 to vector<16xi32>
        %mul3A_217 = arith.constant 16 : i32
        %mul3A_218 = arith.muli %scan3A_214, %mul3A_217 : i32
        %swap3A_219 = arith.index_cast %mul3A_218 : i32 to index
        %swap3A_220 = tpu.vector_load %arg7[%swap3A_219] {strides = array<i32>} : memref<4096xi32, #tpu.memory_space<vmem>>, vector<16xi32>,
        tpu.vector_store %arg7[%swap3A_219], %broadcast_in_dim3A_216 {strides = array<i32>} : memref<4096xi32, #tpu.memory_space<vmem>>, vector<16xi32>,
        %broadcast_in_dim3A_221 = arith.constant 0 : i32
        %broadcast_in_dim3A_222 = vector.broadcast %broadcast_in_dim3A_221 : i32 to vector<16xi32>
        %mul3A_223 = arith.constant 16 : i32
        %mul3A_224 = arith.muli %scan3A_214, %mul3A_223 : i32
        %swap3A_225 = arith.index_cast %mul3A_224 : i32 to index
        %swap3A_226 = tpu.vector_load %arg8[%swap3A_225] {strides = array<i32>} : memref<4096xi32, #tpu.memory_space<vmem>>, vector<16xi32>,
        tpu.vector_store %arg8[%swap3A_225], %broadcast_in_dim3A_222 {strides = array<i32>} : memref<4096xi32, #tpu.memory_space<vmem>>, vector<16xi32>,
        %broadcast_in_dim3A_227 = arith.constant 0 : i32
        %broadcast_in_dim3A_228 = vector.broadcast %broadcast_in_dim3A_227 : i32 to vector<16xi32>
        %mul3A_229 = arith.constant 16 : i32
        %mul3A_230 = arith.muli %scan3A_214, %mul3A_229 : i32
        %swap3A_231 = arith.index_cast %mul3A_230 : i32 to index
        %swap3A_232 = tpu.vector_load %arg9[%swap3A_231] {strides = array<i32>} : memref<4096xi32, #tpu.memory_space<vmem>>, vector<16xi32>,
        tpu.vector_store %arg9[%swap3A_231], %broadcast_in_dim3A_228 {strides = array<i32>} : memref<4096xi32, #tpu.memory_space<vmem>>, vector<16xi32>,
        %broadcast_in_dim3A_233 = arith.constant 0 : i32
        %broadcast_in_dim3A_234 = vector.broadcast %broadcast_in_dim3A_233 : i32 to vector<16xi32>
        %mul3A_235 = arith.constant 16 : i32
        %mul3A_236 = arith.muli %scan3A_214, %mul3A_235 : i32
        %swap3A_237 = arith.index_cast %mul3A_236 : i32 to index
        %swap3A_238 = tpu.vector_load %arg10[%swap3A_237] {strides = array<i32>} : memref<4096xi32, #tpu.memory_space<vmem>>, vector<16xi32>,
        tpu.vector_store %arg10[%swap3A_237], %broadcast_in_dim3A_234 {strides = array<i32>} : memref<4096xi32, #tpu.memory_space<vmem>>, vector<16xi32>,
        %scan3A_239 = arith.constant 0 : i32
        scf.yield %scan3A_239 : i32
      }
      %scan3A_110 = arith.constant 256 : i32
      %scan3A_111 = arith.constant 0 : i32
      %scan3A_112 = arith.constant 0 : i32
      %scan3A_113 = arith.constant 512 : i32
      %scan3A_114 = arith.addi %scan3A_112, %scan3A_113 : i32
      %scan3A_115 = arith.constant 2 : i32
      %scan3A_116 = scf.for %scan3A_133 = %scan3A_112 to %scan3A_114 step %scan3A_115 iter_args(%scan3A_134 = %scan3A_111) -> (i32)  : i32 {
        %add3A_135 = arith.constant 0 : i32
        %add3A_136 = arith.addi %add3A_135, %scan3A_133 : i32
        %mul3A_137 = arith.constant 16 : i32
        %mul3A_138 = arith.muli %add3A_136, %mul3A_137 : i32
        %get3A = arith.index_cast %mul3A_138 : i32 to index
        %get3A_139 = tpu.vector_load %arg6[%get3A] {strides = array<i32>} : memref<32768xi32, #tpu.memory_space<vmem>>, vector<16xi32>,
        %gather3A = tpu.vector_load_idx %arg4[%get3A_139] : memref<32768xi32, #tpu.memory_space<vmem>>[vector<16xi32>], vector<16xi32>,
        %shift_right_logical3A = arith.constant 24 : i32
        %shift_right_logical3A_140 = vector.broadcast %shift_right_logical3A : i32 to vector<16xi32>
        %shift_right_logical3A_141 = arith.shrui %gather3A, %shift_right_logical3A_140 : vector<16xi32>
        %and3A = arith.constant 255 : i32
        %and3A_142 = vector.broadcast %and3A : i32 to vector<16xi32>
        %and3A_143 = arith.andi %shift_right_logical3A_141, %and3A_142 : vector<16xi32>
        %mul3A_144 = arith.constant 16 : i32
        %mul3A_145 = vector.broadcast %mul3A_144 : i32 to vector<16xi32>
        %mul3A_146 = arith.muli %and3A_143, %mul3A_145 : vector<16xi32>
        %add3A_147 = arith.addi %mul3A_146, %iota3A : vector<16xi32>
        tpu.vector_store_idx %arg7[%add3A_147], %broadcast_in_dim3A_1 {add = true} : memref<4096xi32, #tpu.memory_space<vmem>>[vector<16xi32>], vector<16xi32>,
        %add3A_148 = arith.constant 512 : i32
        %add3A_149 = arith.addi %add3A_148, %scan3A_133 : i32
        %mul3A_150 = arith.constant 16 : i32
        %mul3A_151 = arith.muli %add3A_149, %mul3A_150 : i32
        %get3A_152 = arith.index_cast %mul3A_151 : i32 to index
        %get3A_153 = tpu.vector_load %arg6[%get3A_152] {strides = array<i32>} : memref<32768xi32, #tpu.memory_space<vmem>>, vector<16xi32>,
        %gather3A_154 = tpu.vector_load_idx %arg4[%get3A_153] : memref<32768xi32, #tpu.memory_space<vmem>>[vector<16xi32>], vector<16xi32>,
        %shift_right_logical3A_155 = arith.constant 24 : i32
        %shift_right_logical3A_156 = vector.broadcast %shift_right_logical3A_155 : i32 to vector<16xi32>
        %shift_right_logical3A_157 = arith.shrui %gather3A_154, %shift_right_logical3A_156 : vector<16xi32>
        %and3A_158 = arith.constant 255 : i32
        %and3A_159 = vector.broadcast %and3A_158 : i32 to vector<16xi32>
        %and3A_160 = arith.andi %shift_right_logical3A_157, %and3A_159 : vector<16xi32>
        %mul3A_161 = arith.constant 16 : i32
        %mul3A_162 = vector.broadcast %mul3A_161 : i32 to vector<16xi32>
        %mul3A_163 = arith.muli %and3A_160, %mul3A_162 : vector<16xi32>
        %add3A_164 = arith.addi %mul3A_163, %iota3A : vector<16xi32>
        tpu.vector_store_idx %arg8[%add3A_164], %broadcast_in_dim3A_1 {add = true} : memref<4096xi32, #tpu.memory_space<vmem>>[vector<16xi32>], vector<16xi32>,
        %add3A_165 = arith.constant 1024 : i32
        %add3A_166 = arith.addi %add3A_165, %scan3A_133 : i32
        %mul3A_167 = arith.constant 16 : i32
        %mul3A_168 = arith.muli %add3A_166, %mul3A_167 : i32
        %get3A_169 = arith.index_cast %mul3A_168 : i32 to index
        %get3A_170 = tpu.vector_load %arg6[%get3A_169] {strides = array<i32>} : memref<32768xi32, #tpu.memory_space<vmem>>, vector<16xi32>,
        %gather3A_171 = tpu.vector_load_idx %arg4[%get3A_170] : memref<32768xi32, #tpu.memory_space<vmem>>[vector<16xi32>], vector<16xi32>,
        %shift_right_logical3A_172 = arith.constant 24 : i32
        %shift_right_logical3A_173 = vector.broadcast %shift_right_logical3A_172 : i32 to vector<16xi32>
        %shift_right_logical3A_174 = arith.shrui %gather3A_171, %shift_right_logical3A_173 : vector<16xi32>
        %and3A_175 = arith.constant 255 : i32
        %and3A_176 = vector.broadcast %and3A_175 : i32 to vector<16xi32>
        %and3A_177 = arith.andi %shift_right_logical3A_174, %and3A_176 : vector<16xi32>
        %mul3A_178 = arith.constant 16 : i32
        %mul3A_179 = vector.broadcast %mul3A_178 : i32 to vector<16xi32>
        %mul3A_180 = arith.muli %and3A_177, %mul3A_179 : vector<16xi32>
        %add3A_181 = arith.addi %mul3A_180, %iota3A : vector<16xi32>
        tpu.vector_store_idx %arg9[%add3A_181], %broadcast_in_dim3A_1 {add = true} : memref<4096xi32, #tpu.memory_space<vmem>>[vector<16xi32>], vector<16xi32>,
        %add3A_182 = arith.constant 1536 : i32
        %add3A_183 = arith.addi %add3A_182, %scan3A_133 : i32
        %mul3A_184 = arith.constant 16 : i32
        %mul3A_185 = arith.muli %add3A_183, %mul3A_184 : i32
        %get3A_186 = arith.index_cast %mul3A_185 : i32 to index
        %get3A_187 = tpu.vector_load %arg6[%get3A_186] {strides = array<i32>} : memref<32768xi32, #tpu.memory_space<vmem>>, vector<16xi32>,
        %gather3A_188 = tpu.vector_load_idx %arg4[%get3A_187] : memref<32768xi32, #tpu.memory_space<vmem>>[vector<16xi32>], vector<16xi32>,
        %shift_right_logical3A_189 = arith.constant 24 : i32
        %shift_right_logical3A_190 = vector.broadcast %shift_right_logical3A_189 : i32 to vector<16xi32>
        %shift_right_logical3A_191 = arith.shrui %gather3A_188, %shift_right_logical3A_190 : vector<16xi32>
        %and3A_192 = arith.constant 255 : i32
        %and3A_193 = vector.broadcast %and3A_192 : i32 to vector<16xi32>
        %and3A_194 = arith.andi %shift_right_logical3A_191, %and3A_193 : vector<16xi32>
        %mul3A_195 = arith.constant 16 : i32
        %mul3A_196 = vector.broadcast %mul3A_195 : i32 to vector<16xi32>
        %mul3A_197 = arith.muli %and3A_194, %mul3A_196 : vector<16xi32>
        %add3A_198 = arith.addi %mul3A_197, %iota3A : vector<16xi32>
        tpu.vector_store_idx %arg10[%add3A_198], %broadcast_in_dim3A_1 {add = true} : memref<4096xi32, #tpu.memory_space<vmem>>[vector<16xi32>], vector<16xi32>,
        %scan3A_199 = arith.constant 0 : i32
        %scan3A_200 = arith.constant 1 : i32
        %scan3A_201 = arith.addi %scan3A_133, %scan3A_200 : i32
        %add3A_202 = arith.constant 0 : i32
        %add3A_203 = arith.addi %add3A_202, %scan3A_201 : i32
        %mul3A_204 = arith.constant 16 : i32
        %mul3A_205 = arith.muli %add3A_203, %mul3A_204 : i32
        %get3A_206 = arith.index_cast %mul3A_205 : i32 to index
        %get3A_207 = tpu.vector_load %arg6[%get3A_206] {strides = array<i32>} : memref<32768xi32, #tpu.memory_space<vmem>>, vector<16xi32>,
        %gather3A_208 = tpu.vector_load_idx %arg4[%get3A_207] : memref<32768xi32, #tpu.memory_space<vmem>>[vector<16xi32>], vector<16xi32>,
        %shift_right_logical3A_209 = arith.constant 24 : i32
        %shift_right_logical3A_210 = vector.broadcast %shift_right_logical3A_209 : i32 to vector<16xi32>
        %shift_right_logical3A_211 = arith.shrui %gather3A_208, %shift_right_logical3A_210 : vector<16xi32>
        %and3A_212 = arith.constant 255 : i32
        %and3A_213 = vector.broadcast %and3A_212 : i32 to vector<16xi32>
        %and3A_214 = arith.andi %shift_right_logical3A_211, %and3A_213 : vector<16xi32>
        %mul3A_215 = arith.constant 16 : i32
        %mul3A_216 = vector.broadcast %mul3A_215 : i32 to vector<16xi32>
        %mul3A_217 = arith.muli %and3A_214, %mul3A_216 : vector<16xi32>
        %add3A_218 = arith.addi %mul3A_217, %iota3A : vector<16xi32>
        tpu.vector_store_idx %arg7[%add3A_218], %broadcast_in_dim3A_1 {add = true} : memref<4096xi32, #tpu.memory_space<vmem>>[vector<16xi32>], vector<16xi32>,
        %add3A_219 = arith.constant 512 : i32
        %add3A_220 = arith.addi %add3A_219, %scan3A_201 : i32
        %mul3A_221 = arith.constant 16 : i32
        %mul3A_222 = arith.muli %add3A_220, %mul3A_221 : i32
        %get3A_223 = arith.index_cast %mul3A_222 : i32 to index
        %get3A_224 = tpu.vector_load %arg6[%get3A_223] {strides = array<i32>} : memref<32768xi32, #tpu.memory_space<vmem>>, vector<16xi32>,
        %gather3A_225 = tpu.vector_load_idx %arg4[%get3A_224] : memref<32768xi32, #tpu.memory_space<vmem>>[vector<16xi32>], vector<16xi32>,
        %shift_right_logical3A_226 = arith.constant 24 : i32
        %shift_right_logical3A_227 = vector.broadcast %shift_right_logical3A_226 : i32 to vector<16xi32>
        %shift_right_logical3A_228 = arith.shrui %gather3A_225, %shift_right_logical3A_227 : vector<16xi32>
        %and3A_229 = arith.constant 255 : i32
        %and3A_230 = vector.broadcast %and3A_229 : i32 to vector<16xi32>
        %and3A_231 = arith.andi %shift_right_logical3A_228, %and3A_230 : vector<16xi32>
        %mul3A_232 = arith.constant 16 : i32
        %mul3A_233 = vector.broadcast %mul3A_232 : i32 to vector<16xi32>
        %mul3A_234 = arith.muli %and3A_231, %mul3A_233 : vector<16xi32>
        %add3A_235 = arith.addi %mul3A_234, %iota3A : vector<16xi32>
        tpu.vector_store_idx %arg8[%add3A_235], %broadcast_in_dim3A_1 {add = true} : memref<4096xi32, #tpu.memory_space<vmem>>[vector<16xi32>], vector<16xi32>,
        %add3A_236 = arith.constant 1024 : i32
        %add3A_237 = arith.addi %add3A_236, %scan3A_201 : i32
        %mul3A_238 = arith.constant 16 : i32
        %mul3A_239 = arith.muli %add3A_237, %mul3A_238 : i32
        %get3A_240 = arith.index_cast %mul3A_239 : i32 to index
        %get3A_241 = tpu.vector_load %arg6[%get3A_240] {strides = array<i32>} : memref<32768xi32, #tpu.memory_space<vmem>>, vector<16xi32>,
        %gather3A_242 = tpu.vector_load_idx %arg4[%get3A_241] : memref<32768xi32, #tpu.memory_space<vmem>>[vector<16xi32>], vector<16xi32>,
        %shift_right_logical3A_243 = arith.constant 24 : i32
        %shift_right_logical3A_244 = vector.broadcast %shift_right_logical3A_243 : i32 to vector<16xi32>
        %shift_right_logical3A_245 = arith.shrui %gather3A_242, %shift_right_logical3A_244 : vector<16xi32>
        %and3A_246 = arith.constant 255 : i32
        %and3A_247 = vector.broadcast %and3A_246 : i32 to vector<16xi32>
        %and3A_248 = arith.andi %shift_right_logical3A_245, %and3A_247 : vector<16xi32>
        %mul3A_249 = arith.constant 16 : i32
        %mul3A_250 = vector.broadcast %mul3A_249 : i32 to vector<16xi32>
        %mul3A_251 = arith.muli %and3A_248, %mul3A_250 : vector<16xi32>
        %add3A_252 = arith.addi %mul3A_251, %iota3A : vector<16xi32>
        tpu.vector_store_idx %arg9[%add3A_252], %broadcast_in_dim3A_1 {add = true} : memref<4096xi32, #tpu.memory_space<vmem>>[vector<16xi32>], vector<16xi32>,
        %add3A_253 = arith.constant 1536 : i32
        %add3A_254 = arith.addi %add3A_253, %scan3A_201 : i32
        %mul3A_255 = arith.constant 16 : i32
        %mul3A_256 = arith.muli %add3A_254, %mul3A_255 : i32
        %get3A_257 = arith.index_cast %mul3A_256 : i32 to index
        %get3A_258 = tpu.vector_load %arg6[%get3A_257] {strides = array<i32>} : memref<32768xi32, #tpu.memory_space<vmem>>, vector<16xi32>,
        %gather3A_259 = tpu.vector_load_idx %arg4[%get3A_258] : memref<32768xi32, #tpu.memory_space<vmem>>[vector<16xi32>], vector<16xi32>,
        %shift_right_logical3A_260 = arith.constant 24 : i32
        %shift_right_logical3A_261 = vector.broadcast %shift_right_logical3A_260 : i32 to vector<16xi32>
        %shift_right_logical3A_262 = arith.shrui %gather3A_259, %shift_right_logical3A_261 : vector<16xi32>
        %and3A_263 = arith.constant 255 : i32
        %and3A_264 = vector.broadcast %and3A_263 : i32 to vector<16xi32>
        %and3A_265 = arith.andi %shift_right_logical3A_262, %and3A_264 : vector<16xi32>
        %mul3A_266 = arith.constant 16 : i32
        %mul3A_267 = vector.broadcast %mul3A_266 : i32 to vector<16xi32>
        %mul3A_268 = arith.muli %and3A_265, %mul3A_267 : vector<16xi32>
        %add3A_269 = arith.addi %mul3A_268, %iota3A : vector<16xi32>
        tpu.vector_store_idx %arg10[%add3A_269], %broadcast_in_dim3A_1 {add = true} : memref<4096xi32, #tpu.memory_space<vmem>>[vector<16xi32>], vector<16xi32>,
        %scan3A_270 = arith.constant 0 : i32
        scf.yield %scan3A_270 : i32
      }
      %scan3A_117 = arith.constant 512 : i32
      %scan3A_118 = arith.constant 0 : i32
      %scan3A_119 = arith.constant 0 : i32
      %scan3A_120 = arith.constant 256 : i32
      %scan3A_121 = arith.addi %scan3A_119, %scan3A_120 : i32
      %scan3A_122 = arith.constant 1 : i32
      %scan3A_123 = scf.for %scan3A_133 = %scan3A_119 to %scan3A_121 step %scan3A_122 iter_args(%scan3A_134 = %scan3A_118) -> (i32)  : i32 {
        %mul3A_135 = arith.constant 16 : i32
        %mul3A_136 = arith.muli %scan3A_133, %mul3A_135 : i32
        %get3A = arith.index_cast %mul3A_136 : i32 to index
        %get3A_137 = tpu.vector_load %arg7[%get3A] {strides = array<i32>} : memref<4096xi32, #tpu.memory_space<vmem>>, vector<16xi32>,
        %get3A_138 = arith.index_cast %mul3A_136 : i32 to index
        %get3A_139 = tpu.vector_load %arg8[%get3A_138] {strides = array<i32>} : memref<4096xi32, #tpu.memory_space<vmem>>, vector<16xi32>,
        %get3A_140 = arith.index_cast %mul3A_136 : i32 to index
        %get3A_141 = tpu.vector_load %arg9[%get3A_140] {strides = array<i32>} : memref<4096xi32, #tpu.memory_space<vmem>>, vector<16xi32>,
        %get3A_142 = arith.index_cast %mul3A_136 : i32 to index
        %get3A_143 = tpu.vector_load %arg10[%get3A_142] {strides = array<i32>} : memref<4096xi32, #tpu.memory_space<vmem>>, vector<16xi32>,
        %add3A_144 = arith.addi %get3A_137, %get3A_139 : vector<16xi32>
        %add3A_145 = arith.addi %add3A_144, %get3A_141 : vector<16xi32>
        %add3A_146 = arith.addi %add3A_145, %get3A_143 : vector<16xi32>
        %broadcast_in_dim3A_147 = arith.constant true
        %broadcast_in_dim3A_148 = vector.broadcast %broadcast_in_dim3A_147 : i1 to vector<16xi1>
        %masked_cumsum3A = tpu.scan <sum>, %add3A_146 masked %broadcast_in_dim3A_148 : vector<16xi32>, vector<16xi1> -> vector<16xi32>
        %sub3A = arith.subi %masked_cumsum3A, %add3A_146 : vector<16xi32>
        %add3A_149 = vector.broadcast %scan3A_134 : i32 to vector<16xi32>
        %add3A_150 = arith.addi %sub3A, %add3A_149 : vector<16xi32>
        %swap3A = arith.index_cast %mul3A_136 : i32 to index
        %swap3A_151 = tpu.vector_load %arg7[%swap3A] {strides = array<i32>} : memref<4096xi32, #tpu.memory_space<vmem>>, vector<16xi32>,
        tpu.vector_store %arg7[%swap3A], %add3A_150 {strides = array<i32>} : memref<4096xi32, #tpu.memory_space<vmem>>, vector<16xi32>,
        %add3A_152 = arith.addi %add3A_150, %get3A_137 : vector<16xi32>
        %swap3A_153 = arith.index_cast %mul3A_136 : i32 to index
        %swap3A_154 = tpu.vector_load %arg8[%swap3A_153] {strides = array<i32>} : memref<4096xi32, #tpu.memory_space<vmem>>, vector<16xi32>,
        tpu.vector_store %arg8[%swap3A_153], %add3A_152 {strides = array<i32>} : memref<4096xi32, #tpu.memory_space<vmem>>, vector<16xi32>,
        %add3A_155 = arith.addi %add3A_152, %get3A_139 : vector<16xi32>
        %swap3A_156 = arith.index_cast %mul3A_136 : i32 to index
        %swap3A_157 = tpu.vector_load %arg9[%swap3A_156] {strides = array<i32>} : memref<4096xi32, #tpu.memory_space<vmem>>, vector<16xi32>,
        tpu.vector_store %arg9[%swap3A_156], %add3A_155 {strides = array<i32>} : memref<4096xi32, #tpu.memory_space<vmem>>, vector<16xi32>,
        %add3A_158 = arith.addi %add3A_155, %get3A_141 : vector<16xi32>
        %swap3A_159 = arith.index_cast %mul3A_136 : i32 to index
        %swap3A_160 = tpu.vector_load %arg10[%swap3A_159] {strides = array<i32>} : memref<4096xi32, #tpu.memory_space<vmem>>, vector<16xi32>,
        tpu.vector_store %arg10[%swap3A_159], %add3A_158 {strides = array<i32>} : memref<4096xi32, #tpu.memory_space<vmem>>, vector<16xi32>,
        %add3A_161 = arith.addi %add3A_158, %get3A_143 : vector<16xi32>
        %reduce_sum3A = arith.constant true
        %reduce_sum3A_162 = vector.broadcast %reduce_sum3A : i1 to vector<16xi1>
        %reduce_sum3A_163 = tpu.scan <sum>, %add3A_146 masked %reduce_sum3A_162 : vector<16xi32>, vector<16xi1> -> vector<16xi32>
        %reduce_sum3A_164 = vector.extract %reduce_sum3A_163[15] : i32 from vector<16xi32>
        %add3A_165 = arith.addi %scan3A_134, %reduce_sum3A_164 : i32
        scf.yield %add3A_165 : i32
      }
      %scan3A_124 = arith.constant 256 : i32
      %scan3A_125 = arith.constant 0 : i32
      %scan3A_126 = arith.constant 0 : i32
      %scan3A_127 = arith.constant 512 : i32
      %scan3A_128 = arith.addi %scan3A_126, %scan3A_127 : i32
      %scan3A_129 = arith.constant 2 : i32
      %scan3A_130 = scf.for %scan3A_133 = %scan3A_126 to %scan3A_128 step %scan3A_129 iter_args(%scan3A_134 = %scan3A_125) -> (i32)  : i32 {
        %add3A_135 = arith.constant 0 : i32
        %add3A_136 = arith.addi %add3A_135, %scan3A_133 : i32
        %mul3A_137 = arith.constant 16 : i32
        %mul3A_138 = arith.muli %add3A_136, %mul3A_137 : i32
        %get3A = arith.index_cast %mul3A_138 : i32 to index
        %get3A_139 = tpu.vector_load %arg6[%get3A] {strides = array<i32>} : memref<32768xi32, #tpu.memory_space<vmem>>, vector<16xi32>,
        %gather3A = tpu.vector_load_idx %arg4[%get3A_139] : memref<32768xi32, #tpu.memory_space<vmem>>[vector<16xi32>], vector<16xi32>,
        %shift_right_logical3A = arith.constant 24 : i32
        %shift_right_logical3A_140 = vector.broadcast %shift_right_logical3A : i32 to vector<16xi32>
        %shift_right_logical3A_141 = arith.shrui %gather3A, %shift_right_logical3A_140 : vector<16xi32>
        %and3A = arith.constant 255 : i32
        %and3A_142 = vector.broadcast %and3A : i32 to vector<16xi32>
        %and3A_143 = arith.andi %shift_right_logical3A_141, %and3A_142 : vector<16xi32>
        %mul3A_144 = arith.constant 16 : i32
        %mul3A_145 = vector.broadcast %mul3A_144 : i32 to vector<16xi32>
        %mul3A_146 = arith.muli %and3A_143, %mul3A_145 : vector<16xi32>
        %add3A_147 = arith.addi %mul3A_146, %iota3A : vector<16xi32>
        %gather3A_148 = tpu.vector_load_idx %arg7[%add3A_147] : memref<4096xi32, #tpu.memory_space<vmem>>[vector<16xi32>], vector<16xi32>,
        %add3A_149 = arith.constant 1 : i32
        %add3A_150 = vector.broadcast %add3A_149 : i32 to vector<16xi32>
        %add3A_151 = arith.addi %gather3A_148, %add3A_150 : vector<16xi32>
        tpu.vector_store_idx %arg7[%add3A_147], %add3A_151 : memref<4096xi32, #tpu.memory_space<vmem>>[vector<16xi32>], vector<16xi32>,
        tpu.vector_store_idx %arg5[%gather3A_148], %get3A_139 : memref<32768xi32, #tpu.memory_space<vmem>>[vector<16xi32>], vector<16xi32>,
        %add3A_152 = arith.constant 512 : i32
        %add3A_153 = arith.addi %add3A_152, %scan3A_133 : i32
        %mul3A_154 = arith.constant 16 : i32
        %mul3A_155 = arith.muli %add3A_153, %mul3A_154 : i32
        %get3A_156 = arith.index_cast %mul3A_155 : i32 to index
        %get3A_157 = tpu.vector_load %arg6[%get3A_156] {strides = array<i32>} : memref<32768xi32, #tpu.memory_space<vmem>>, vector<16xi32>,
        %gather3A_158 = tpu.vector_load_idx %arg4[%get3A_157] : memref<32768xi32, #tpu.memory_space<vmem>>[vector<16xi32>], vector<16xi32>,
        %shift_right_logical3A_159 = arith.constant 24 : i32
        %shift_right_logical3A_160 = vector.broadcast %shift_right_logical3A_159 : i32 to vector<16xi32>
        %shift_right_logical3A_161 = arith.shrui %gather3A_158, %shift_right_logical3A_160 : vector<16xi32>
        %and3A_162 = arith.constant 255 : i32
        %and3A_163 = vector.broadcast %and3A_162 : i32 to vector<16xi32>
        %and3A_164 = arith.andi %shift_right_logical3A_161, %and3A_163 : vector<16xi32>
        %mul3A_165 = arith.constant 16 : i32
        %mul3A_166 = vector.broadcast %mul3A_165 : i32 to vector<16xi32>
        %mul3A_167 = arith.muli %and3A_164, %mul3A_166 : vector<16xi32>
        %add3A_168 = arith.addi %mul3A_167, %iota3A : vector<16xi32>
        %gather3A_169 = tpu.vector_load_idx %arg8[%add3A_168] : memref<4096xi32, #tpu.memory_space<vmem>>[vector<16xi32>], vector<16xi32>,
        %add3A_170 = arith.constant 1 : i32
        %add3A_171 = vector.broadcast %add3A_170 : i32 to vector<16xi32>
        %add3A_172 = arith.addi %gather3A_169, %add3A_171 : vector<16xi32>
        tpu.vector_store_idx %arg8[%add3A_168], %add3A_172 : memref<4096xi32, #tpu.memory_space<vmem>>[vector<16xi32>], vector<16xi32>,
        tpu.vector_store_idx %arg5[%gather3A_169], %get3A_157 : memref<32768xi32, #tpu.memory_space<vmem>>[vector<16xi32>], vector<16xi32>,
        %add3A_173 = arith.constant 1024 : i32
        %add3A_174 = arith.addi %add3A_173, %scan3A_133 : i32
        %mul3A_175 = arith.constant 16 : i32
        %mul3A_176 = arith.muli %add3A_174, %mul3A_175 : i32
        %get3A_177 = arith.index_cast %mul3A_176 : i32 to index
        %get3A_178 = tpu.vector_load %arg6[%get3A_177] {strides = array<i32>} : memref<32768xi32, #tpu.memory_space<vmem>>, vector<16xi32>,
        %gather3A_179 = tpu.vector_load_idx %arg4[%get3A_178] : memref<32768xi32, #tpu.memory_space<vmem>>[vector<16xi32>], vector<16xi32>,
        %shift_right_logical3A_180 = arith.constant 24 : i32
        %shift_right_logical3A_181 = vector.broadcast %shift_right_logical3A_180 : i32 to vector<16xi32>
        %shift_right_logical3A_182 = arith.shrui %gather3A_179, %shift_right_logical3A_181 : vector<16xi32>
        %and3A_183 = arith.constant 255 : i32
        %and3A_184 = vector.broadcast %and3A_183 : i32 to vector<16xi32>
        %and3A_185 = arith.andi %shift_right_logical3A_182, %and3A_184 : vector<16xi32>
        %mul3A_186 = arith.constant 16 : i32
        %mul3A_187 = vector.broadcast %mul3A_186 : i32 to vector<16xi32>
        %mul3A_188 = arith.muli %and3A_185, %mul3A_187 : vector<16xi32>
        %add3A_189 = arith.addi %mul3A_188, %iota3A : vector<16xi32>
        %gather3A_190 = tpu.vector_load_idx %arg9[%add3A_189] : memref<4096xi32, #tpu.memory_space<vmem>>[vector<16xi32>], vector<16xi32>,
        %add3A_191 = arith.constant 1 : i32
        %add3A_192 = vector.broadcast %add3A_191 : i32 to vector<16xi32>
        %add3A_193 = arith.addi %gather3A_190, %add3A_192 : vector<16xi32>
        tpu.vector_store_idx %arg9[%add3A_189], %add3A_193 : memref<4096xi32, #tpu.memory_space<vmem>>[vector<16xi32>], vector<16xi32>,
        tpu.vector_store_idx %arg5[%gather3A_190], %get3A_178 : memref<32768xi32, #tpu.memory_space<vmem>>[vector<16xi32>], vector<16xi32>,
        %add3A_194 = arith.constant 1536 : i32
        %add3A_195 = arith.addi %add3A_194, %scan3A_133 : i32
        %mul3A_196 = arith.constant 16 : i32
        %mul3A_197 = arith.muli %add3A_195, %mul3A_196 : i32
        %get3A_198 = arith.index_cast %mul3A_197 : i32 to index
        %get3A_199 = tpu.vector_load %arg6[%get3A_198] {strides = array<i32>} : memref<32768xi32, #tpu.memory_space<vmem>>, vector<16xi32>,
        %gather3A_200 = tpu.vector_load_idx %arg4[%get3A_199] : memref<32768xi32, #tpu.memory_space<vmem>>[vector<16xi32>], vector<16xi32>,
        %shift_right_logical3A_201 = arith.constant 24 : i32
        %shift_right_logical3A_202 = vector.broadcast %shift_right_logical3A_201 : i32 to vector<16xi32>
        %shift_right_logical3A_203 = arith.shrui %gather3A_200, %shift_right_logical3A_202 : vector<16xi32>
        %and3A_204 = arith.constant 255 : i32
        %and3A_205 = vector.broadcast %and3A_204 : i32 to vector<16xi32>
        %and3A_206 = arith.andi %shift_right_logical3A_203, %and3A_205 : vector<16xi32>
        %mul3A_207 = arith.constant 16 : i32
        %mul3A_208 = vector.broadcast %mul3A_207 : i32 to vector<16xi32>
        %mul3A_209 = arith.muli %and3A_206, %mul3A_208 : vector<16xi32>
        %add3A_210 = arith.addi %mul3A_209, %iota3A : vector<16xi32>
        %gather3A_211 = tpu.vector_load_idx %arg10[%add3A_210] : memref<4096xi32, #tpu.memory_space<vmem>>[vector<16xi32>], vector<16xi32>,
        %add3A_212 = arith.constant 1 : i32
        %add3A_213 = vector.broadcast %add3A_212 : i32 to vector<16xi32>
        %add3A_214 = arith.addi %gather3A_211, %add3A_213 : vector<16xi32>
        tpu.vector_store_idx %arg10[%add3A_210], %add3A_214 : memref<4096xi32, #tpu.memory_space<vmem>>[vector<16xi32>], vector<16xi32>,
        tpu.vector_store_idx %arg5[%gather3A_211], %get3A_199 : memref<32768xi32, #tpu.memory_space<vmem>>[vector<16xi32>], vector<16xi32>,
        %scan3A_215 = arith.constant 0 : i32
        %scan3A_216 = arith.constant 1 : i32
        %scan3A_217 = arith.addi %scan3A_133, %scan3A_216 : i32
        %add3A_218 = arith.constant 0 : i32
        %add3A_219 = arith.addi %add3A_218, %scan3A_217 : i32
        %mul3A_220 = arith.constant 16 : i32
        %mul3A_221 = arith.muli %add3A_219, %mul3A_220 : i32
        %get3A_222 = arith.index_cast %mul3A_221 : i32 to index
        %get3A_223 = tpu.vector_load %arg6[%get3A_222] {strides = array<i32>} : memref<32768xi32, #tpu.memory_space<vmem>>, vector<16xi32>,
        %gather3A_224 = tpu.vector_load_idx %arg4[%get3A_223] : memref<32768xi32, #tpu.memory_space<vmem>>[vector<16xi32>], vector<16xi32>,
        %shift_right_logical3A_225 = arith.constant 24 : i32
        %shift_right_logical3A_226 = vector.broadcast %shift_right_logical3A_225 : i32 to vector<16xi32>
        %shift_right_logical3A_227 = arith.shrui %gather3A_224, %shift_right_logical3A_226 : vector<16xi32>
        %and3A_228 = arith.constant 255 : i32
        %and3A_229 = vector.broadcast %and3A_228 : i32 to vector<16xi32>
        %and3A_230 = arith.andi %shift_right_logical3A_227, %and3A_229 : vector<16xi32>
        %mul3A_231 = arith.constant 16 : i32
        %mul3A_232 = vector.broadcast %mul3A_231 : i32 to vector<16xi32>
        %mul3A_233 = arith.muli %and3A_230, %mul3A_232 : vector<16xi32>
        %add3A_234 = arith.addi %mul3A_233, %iota3A : vector<16xi32>
        %gather3A_235 = tpu.vector_load_idx %arg7[%add3A_234] : memref<4096xi32, #tpu.memory_space<vmem>>[vector<16xi32>], vector<16xi32>,
        %add3A_236 = arith.constant 1 : i32
        %add3A_237 = vector.broadcast %add3A_236 : i32 to vector<16xi32>
        %add3A_238 = arith.addi %gather3A_235, %add3A_237 : vector<16xi32>
        tpu.vector_store_idx %arg7[%add3A_234], %add3A_238 : memref<4096xi32, #tpu.memory_space<vmem>>[vector<16xi32>], vector<16xi32>,
        tpu.vector_store_idx %arg5[%gather3A_235], %get3A_223 : memref<32768xi32, #tpu.memory_space<vmem>>[vector<16xi32>], vector<16xi32>,
        %add3A_239 = arith.constant 512 : i32
        %add3A_240 = arith.addi %add3A_239, %scan3A_217 : i32
        %mul3A_241 = arith.constant 16 : i32
        %mul3A_242 = arith.muli %add3A_240, %mul3A_241 : i32
        %get3A_243 = arith.index_cast %mul3A_242 : i32 to index
        %get3A_244 = tpu.vector_load %arg6[%get3A_243] {strides = array<i32>} : memref<32768xi32, #tpu.memory_space<vmem>>, vector<16xi32>,
        %gather3A_245 = tpu.vector_load_idx %arg4[%get3A_244] : memref<32768xi32, #tpu.memory_space<vmem>>[vector<16xi32>], vector<16xi32>,
        %shift_right_logical3A_246 = arith.constant 24 : i32
        %shift_right_logical3A_247 = vector.broadcast %shift_right_logical3A_246 : i32 to vector<16xi32>
        %shift_right_logical3A_248 = arith.shrui %gather3A_245, %shift_right_logical3A_247 : vector<16xi32>
        %and3A_249 = arith.constant 255 : i32
        %and3A_250 = vector.broadcast %and3A_249 : i32 to vector<16xi32>
        %and3A_251 = arith.andi %shift_right_logical3A_248, %and3A_250 : vector<16xi32>
        %mul3A_252 = arith.constant 16 : i32
        %mul3A_253 = vector.broadcast %mul3A_252 : i32 to vector<16xi32>
        %mul3A_254 = arith.muli %and3A_251, %mul3A_253 : vector<16xi32>
        %add3A_255 = arith.addi %mul3A_254, %iota3A : vector<16xi32>
        %gather3A_256 = tpu.vector_load_idx %arg8[%add3A_255] : memref<4096xi32, #tpu.memory_space<vmem>>[vector<16xi32>], vector<16xi32>,
        %add3A_257 = arith.constant 1 : i32
        %add3A_258 = vector.broadcast %add3A_257 : i32 to vector<16xi32>
        %add3A_259 = arith.addi %gather3A_256, %add3A_258 : vector<16xi32>
        tpu.vector_store_idx %arg8[%add3A_255], %add3A_259 : memref<4096xi32, #tpu.memory_space<vmem>>[vector<16xi32>], vector<16xi32>,
        tpu.vector_store_idx %arg5[%gather3A_256], %get3A_244 : memref<32768xi32, #tpu.memory_space<vmem>>[vector<16xi32>], vector<16xi32>,
        %add3A_260 = arith.constant 1024 : i32
        %add3A_261 = arith.addi %add3A_260, %scan3A_217 : i32
        %mul3A_262 = arith.constant 16 : i32
        %mul3A_263 = arith.muli %add3A_261, %mul3A_262 : i32
        %get3A_264 = arith.index_cast %mul3A_263 : i32 to index
        %get3A_265 = tpu.vector_load %arg6[%get3A_264] {strides = array<i32>} : memref<32768xi32, #tpu.memory_space<vmem>>, vector<16xi32>,
        %gather3A_266 = tpu.vector_load_idx %arg4[%get3A_265] : memref<32768xi32, #tpu.memory_space<vmem>>[vector<16xi32>], vector<16xi32>,
        %shift_right_logical3A_267 = arith.constant 24 : i32
        %shift_right_logical3A_268 = vector.broadcast %shift_right_logical3A_267 : i32 to vector<16xi32>
        %shift_right_logical3A_269 = arith.shrui %gather3A_266, %shift_right_logical3A_268 : vector<16xi32>
        %and3A_270 = arith.constant 255 : i32
        %and3A_271 = vector.broadcast %and3A_270 : i32 to vector<16xi32>
        %and3A_272 = arith.andi %shift_right_logical3A_269, %and3A_271 : vector<16xi32>
        %mul3A_273 = arith.constant 16 : i32
        %mul3A_274 = vector.broadcast %mul3A_273 : i32 to vector<16xi32>
        %mul3A_275 = arith.muli %and3A_272, %mul3A_274 : vector<16xi32>
        %add3A_276 = arith.addi %mul3A_275, %iota3A : vector<16xi32>
        %gather3A_277 = tpu.vector_load_idx %arg9[%add3A_276] : memref<4096xi32, #tpu.memory_space<vmem>>[vector<16xi32>], vector<16xi32>,
        %add3A_278 = arith.constant 1 : i32
        %add3A_279 = vector.broadcast %add3A_278 : i32 to vector<16xi32>
        %add3A_280 = arith.addi %gather3A_277, %add3A_279 : vector<16xi32>
        tpu.vector_store_idx %arg9[%add3A_276], %add3A_280 : memref<4096xi32, #tpu.memory_space<vmem>>[vector<16xi32>], vector<16xi32>,
        tpu.vector_store_idx %arg5[%gather3A_277], %get3A_265 : memref<32768xi32, #tpu.memory_space<vmem>>[vector<16xi32>], vector<16xi32>,
        %add3A_281 = arith.constant 1536 : i32
        %add3A_282 = arith.addi %add3A_281, %scan3A_217 : i32
        %mul3A_283 = arith.constant 16 : i32
        %mul3A_284 = arith.muli %add3A_282, %mul3A_283 : i32
        %get3A_285 = arith.index_cast %mul3A_284 : i32 to index
        %get3A_286 = tpu.vector_load %arg6[%get3A_285] {strides = array<i32>} : memref<32768xi32, #tpu.memory_space<vmem>>, vector<16xi32>,
        %gather3A_287 = tpu.vector_load_idx %arg4[%get3A_286] : memref<32768xi32, #tpu.memory_space<vmem>>[vector<16xi32>], vector<16xi32>,
        %shift_right_logical3A_288 = arith.constant 24 : i32
        %shift_right_logical3A_289 = vector.broadcast %shift_right_logical3A_288 : i32 to vector<16xi32>
        %shift_right_logical3A_290 = arith.shrui %gather3A_287, %shift_right_logical3A_289 : vector<16xi32>
        %and3A_291 = arith.constant 255 : i32
        %and3A_292 = vector.broadcast %and3A_291 : i32 to vector<16xi32>
        %and3A_293 = arith.andi %shift_right_logical3A_290, %and3A_292 : vector<16xi32>
        %mul3A_294 = arith.constant 16 : i32
        %mul3A_295 = vector.broadcast %mul3A_294 : i32 to vector<16xi32>
        %mul3A_296 = arith.muli %and3A_293, %mul3A_295 : vector<16xi32>
        %add3A_297 = arith.addi %mul3A_296, %iota3A : vector<16xi32>
        %gather3A_298 = tpu.vector_load_idx %arg10[%add3A_297] : memref<4096xi32, #tpu.memory_space<vmem>>[vector<16xi32>], vector<16xi32>,
        %add3A_299 = arith.constant 1 : i32
        %add3A_300 = vector.broadcast %add3A_299 : i32 to vector<16xi32>
        %add3A_301 = arith.addi %gather3A_298, %add3A_300 : vector<16xi32>
        tpu.vector_store_idx %arg10[%add3A_297], %add3A_301 : memref<4096xi32, #tpu.memory_space<vmem>>[vector<16xi32>], vector<16xi32>,
        tpu.vector_store_idx %arg5[%gather3A_298], %get3A_286 : memref<32768xi32, #tpu.memory_space<vmem>>[vector<16xi32>], vector<16xi32>,
        %scan3A_302 = arith.constant 0 : i32
        scf.yield %scan3A_302 : i32
      }
      %scan3A_131 = arith.constant 512 : i32
      "tpu.region"() ({
        %run_scoped3A = tpu.sem_alloc : memref<!tpu.dma_semaphore, #tpu.memory_space<semaphore_mem>>
        %dma_start3A = arith.constant 0 : i32
        %dma_start3A_133 = tpu.memref_slice %arg3[%add3A_12, %dma_start3A] : memref<128x32768xi32, #tpu.memory_space<hbm>> -> memref<1x32768xi32, #tpu.memory_space<hbm>>
        %dma_start3A_134 = tpu.memref_squeeze %dma_start3A_133 : memref<1x32768xi32, #tpu.memory_space<hbm>> -> memref<32768xi32, #tpu.memory_space<hbm>>
        %dma_start3A_135 = arith.constant 0 : i32
        %dma_start3A_136 = tpu.memref_slice %arg3[%add3A_12, %dma_start3A_135] : memref<128x32768xi32, #tpu.memory_space<hbm>> -> memref<1x32768xi32, #tpu.memory_space<hbm>>
        %dma_start3A_137 = tpu.memref_squeeze %dma_start3A_136 : memref<1x32768xi32, #tpu.memory_space<hbm>> -> memref<32768xi32, #tpu.memory_space<hbm>>
        tpu.enqueue_dma source(%arg5 : memref<32768xi32, #tpu.memory_space<vmem>>) target(%dma_start3A_137 : memref<32768xi32, #tpu.memory_space<hbm>>) target_semaphore(%run_scoped3A : memref<!tpu.dma_semaphore, #tpu.memory_space<semaphore_mem>>)
        %dma_wait3A = arith.constant 0 : i32
        %dma_wait3A_138 = tpu.memref_slice %arg3[%add3A_12, %dma_wait3A] : memref<128x32768xi32, #tpu.memory_space<hbm>> -> memref<1x32768xi32, #tpu.memory_space<hbm>>
        %dma_wait3A_139 = tpu.memref_squeeze %dma_wait3A_138 : memref<1x32768xi32, #tpu.memory_space<hbm>> -> memref<32768xi32, #tpu.memory_space<hbm>>
        %dma_wait3A_140 = arith.constant 0 : i32
        %dma_wait3A_141 = tpu.memref_slice %arg3[%add3A_12, %dma_wait3A_140] : memref<128x32768xi32, #tpu.memory_space<hbm>> -> memref<1x32768xi32, #tpu.memory_space<hbm>>
        %dma_wait3A_142 = tpu.memref_squeeze %dma_wait3A_141 : memref<1x32768xi32, #tpu.memory_space<hbm>> -> memref<32768xi32, #tpu.memory_space<hbm>>
        tpu.wait_dma2 semaphore(%run_scoped3A : memref<!tpu.dma_semaphore, #tpu.memory_space<semaphore_mem>>) src(%arg5 : memref<32768xi32, #tpu.memory_space<vmem>>) dst(%dma_wait3A_142 : memref<32768xi32, #tpu.memory_space<hbm>>)
        tpu.yield
      }) : () -> ()
      %scan3A_132 = arith.constant 0 : i32
      scf.yield %scan3A_132 : i32
    }
    %scan3A_7 = arith.constant 4 : i32
    return
  }
}

</mosaic_0001>

<sc_bundles>
// kernel: kernel.3.cloned.1.call-start
scs
__scs_entry_jumppad:
0x0: {  	(pc) =	sbr.rel $0x88, $3  }
0x1: {  	(tag) =	ssettag $0x0;
	lr =	simm.s32 $0x1  }
0x2: {  	[smem:$0x3FA0] =	sst lr;
	_ =	strace $0xD0000000  }
0x3: {  	_ = 	snop  }
0x4: {  	_ = 	snop  }
0x5: {  	_ = 	snop  }
0x6: {  	_ = 	snop  }
0x7: {  	_ = 	snop  }
__scs_overlays_trampoline_lowered:
0x8: {  	[smem:$0x3FAF] =	sst s0  }
0x9: {  	[smem:$0x3FB0] =	sst s1  }
0xa: {  	[smem:$0x3FB1] =	sst s2  }
0xb: {  	[smem:$0x3FB2] =	sst s3  }
0xc: {  	[smem:$0x3FB3] =	sst s4  }
0xd: {  	[smem:$0x3FB4] =	sst s5  }
0xe: {  	[smem:$0x3FB5] =	sst s6  }
0xf: {  	[smem:$0x3FB6] =	sst s7  }
0x10: {  	[smem:$0x3FB7] =	sst s8  }
0x11: {  	[smem:$0x3FB8] =	sst s9;
	s0 =	simm.s32 @!p0 $0x0  }
0x12: {  	s1 =	sld [smem:$0x3F9E];
	s0 =	simm.s32 @p0 $0x1  }
0x13: {  	[smem:$0x3FB9] =	sst s0;
	s0 =	simm.s32 @!p1 $0x0  }
0x14: {  	s2 =	sld [smem:$0x3F9D];
	s0 =	simm.s32 @p1 $0x1  }
0x15: {  	[smem:$0x3FBA] =	sst s0;
	s0 =	simm.s32 @!p2 $0x0  }
0x16: {  	s3 =	sld [smem:$0x3FDB];
	s0 =	simm.s32 @p2 $0x1  }
0x17: {  	s4 =	simm.s32 $0x1BF5;
	[smem:$0x3FBC] =	sst s0  }
0x18: {  	s0 =	sld [smem:$0x3F9F];
	_ =	swait.ge [sflag:s4], $0x0  }
0x19: {  	s7 =	sld [smem:$0x3FA0]  }
0x1a: {  	s8 =	sadd.s32 $0xFFFFE003, lr  }
0x1b: {  	s9 =	sadd.s32 $0xFFFFFEF7, lr;
	s5 =	simm.s32 $0xFFFFFFFF;
	p2 =	slt.u32 s8, $0xFFFFF086  }
0x1c: {  	p1 =	slt.u32 s9, $0xF7A;
	s5 =	simm.s32 @!p2 $0x0  }
0x1d: {  	s5 =	simm.s32 @p1 $0x1;
	p0 =	seq.s32 s7, s2  }
0x1e: {  	s7 =	smul.u32 @!p0 $0xF7A, s2;
	p2 =	seq.s32 @!p0 s5, $0x0  }
0x1f: {  	s9 =	smul.u32 $0xF7A, s1;
	s8 =	simm.s32 @!p0 $0x1BF5;
	p2 =	por !p2, p0  }
0x20: {  	[sflag:s8] =	ssyncset.s32 @!p0 $0xFFFFF086;
	s6 =	sadd.s32 @!p0 s3, s7;
	s7 =	simm.s32 @!p0 $0x108  }
0x21: {  	s3 =	sadd.s32 s3, s9;
	s6 =	sadd.s32 @!p0 $0x88, s6;
	s7 =	simm.s32 @p2 $0x1082  }
0x22: {  	[simem:s7], [sflag:s8] =	dma.local @!p0 [hbm:s6], $0xF7A  }
0x23: {  	s9 =	sor.u32 $0xD0000000, s2;
	s6 =	simm.s32 $0x108;
	_ =	swait.ge @!p0 [sflag:s8], $0x0  }
0x24: {  	s3 =	sadd.s32 $0x88, s3;
	s6 =	simm.s32 @!p1 $0x1082;
	[sflag:s4] =	ssyncset.s32 $0xFFFFF086  }
0x25: {  	[simem:s6], [sflag:s4] =	dma.local [hbm:s3], $0xF7A  }
0x26: {  	[smem:$0x3FA0] =	sst s1;
	(tag) =	ssettag s2;
	_ =	strace s9  }
0x27: {  	s1 =	sld [smem:$0x3FB0]  }
0x28: {  	s2 =	sld [smem:$0x3FB1]  }
0x29: {  	s4 =	sld [smem:$0x3FB3]  }
0x2a: {  	p0 =	seq.s32 s5, $0x0;
	s5 =	sld [smem:$0x3FB4]  }
0x2b: {  	s6 =	sld [smem:$0x3FB5]  }
0x2c: {  	s7 =	sld [smem:$0x3FB6]  }
0x2d: {  	s3 =	simm.s32 $0x108;
	s8 =	sld [smem:$0x3FB7]  }
0x2e: {  	s3 =	simm.s32 @!p0 $0x1082;
	s9 =	sld [smem:$0x3FB8]  }
0x2f: {  	lr =	sadd.s32 s0, s3;
	s0 =	sld [smem:$0x3FAF]  }
0x30: {  	s3 =	sld [smem:$0x3FB2]  }
0x31: {  	[smem:$0x3FBB] =	sst s10  }
0x32: {  	s10 =	sld [smem:$0x3FB9];
	_ =	sdelay $0x3  }
0x33: {  	p0 =	seq.s32 s10, $0x1;
	s10 =	sld [smem:$0x3FBB];
	_ =	sdelay $0x3  }
0x34: {  	[smem:$0x3FBB] =	sst s10  }
0x35: {  	s10 =	sld [smem:$0x3FBA];
	_ =	sdelay $0x3  }
0x36: {  	p1 =	seq.s32 s10, $0x1;
	s10 =	sld [smem:$0x3FBB];
	_ =	sdelay $0x3  }
0x37: {  	[smem:$0x3FBB] =	sst s10  }
0x38: {  	s10 =	sld [smem:$0x3FBC]  }
0x39: {  	_ = 	snop;
	(pc) =	sbr.ind lr, $3  }
0x3a: {  	_ = 	snop  }
0x3b: {  	_ = 	snop  }
0x3c: {  	p2 =	seq.s32 s10, $0x1;
	s10 =	sld [smem:$0x3FBB]  }
0x3d: {  	_ =	shalt  }
0x3e: {  	_ =	shalt  }
0x3f: {  	_ =	shalt  }
0x40: {  	_ =	shalt  }
0x41: {  	_ =	shalt  }
0x42: {  	_ =	shalt  }
0x43: {  	_ =	shalt  }
0x44: {  	_ =	shalt  }
0x45: {  	_ =	shalt  }
0x46: {  	_ =	shalt  }
0x47: {  	_ =	shalt  }
0x48: {  	_ =	shalt  }
0x49: {  	_ =	shalt  }
0x4a: {  	_ =	shalt  }
0x4b: {  	_ =	shalt  }
0x4c: {  	_ =	shalt  }
0x4d: {  	_ =	shalt  }
0x4e: {  	_ =	shalt  }
0x4f: {  	_ =	shalt  }
0x50: {  	_ =	shalt  }
0x51: {  	_ =	shalt  }
0x52: {  	_ =	shalt  }
0x53: {  	_ =	shalt  }
0x54: {  	_ =	shalt  }
0x55: {  	_ =	shalt  }
0x56: {  	_ =	shalt  }
0x57: {  	_ =	shalt  }
0x58: {  	_ =	shalt  }
0x59: {  	_ =	shalt  }
0x5a: {  	_ =	shalt  }
0x5b: {  	_ =	shalt  }
0x5c: {  	_ =	shalt  }
0x5d: {  	_ =	shalt  }
0x5e: {  	_ =	shalt  }
0x5f: {  	_ =	shalt  }
0x60: {  	_ =	shalt  }
0x61: {  	_ =	shalt  }
0x62: {  	_ =	shalt  }
0x63: {  	_ =	shalt  }
0x64: {  	_ =	shalt  }
0x65: {  	_ =	shalt  }
0x66: {  	_ =	shalt  }
0x67: {  	_ =	shalt  }
0x68: {  	_ =	shalt  }
0x69: {  	_ =	shalt  }
0x6a: {  	_ =	shalt  }
0x6b: {  	_ =	shalt  }
0x6c: {  	_ =	shalt  }
0x6d: {  	_ =	shalt  }
0x6e: {  	_ =	shalt  }
0x6f: {  	_ =	shalt  }
0x70: {  	_ =	shalt  }
0x71: {  	_ =	shalt  }
0x72: {  	_ =	shalt  }
0x73: {  	_ =	shalt  }
0x74: {  	_ =	shalt  }
0x75: {  	_ =	shalt  }
0x76: {  	_ =	shalt  }
0x77: {  	_ =	shalt  }
0x78: {  	_ =	shalt  }
0x79: {  	_ =	shalt  }
0x7a: {  	_ =	shalt  }
0x7b: {  	_ =	shalt  }
0x7c: {  	_ =	shalt  }
0x7d: {  	_ =	shalt  }
0x7e: {  	_ =	shalt  }
0x7f: {  	_ =	shalt  }
0x80: {  	_ =	shalt  }
0x81: {  	_ =	shalt  }
0x82: {  	_ =	shalt  }
0x83: {  	_ =	shalt  }
0x84: {  	_ =	shalt  }
0x85: {  	_ =	shalt  }
0x86: {  	_ =	shalt  }
0x87: {  	_ =	shalt  }
.Lfunc_end0:
.L_simem_size_0:
called_computation_lowered:
.L_overlay_start_0:
0x88: {  	s2 =	sld [smem:$0x3FD9]  }
0x89: {  	s3 =	sld [smem:$0x3FFE];
	_ =	sdelay $0x1  }
0x8a: {  	s1 =	srdreg.scid  }
0x8b: {  	s0 =	sand.u32 $0x1, s1  }
0x8c: {  	s17 =	sshll.u32 s0, $0xA;
	s2 =	sadd.s32 s3, s2  }
0x8d: {  	s2 =	sadd.s32 s2, s17  }
0x8e: {  	[smem:$0x3FC7] =	sst s2  }
0x8f: {  	_ = 	snop  }
0x90: {  	s2 =	sld [smem:$0x3FD0];
	(tm) =	ssettm $0x1  }
0x91: {  	s18 =	sld [smem:$0x3FFB];
	_ =	sdelay $0x3  }
0x92: {  	_ =	strace s18  }
0x93: {  	s3 =	sld [smem:$0x3FFC];
	_ =	sdelay $0x3  }
0x94: {  	_ =	strace s3  }
0x95: {  	s3 =	sld [smem:$0x3FFD];
	_ =	sdelay $0x3  }
0x96: {  	_ =	strace s3  }
0x97: {  	_ =	strace $0x8FFFFFFF  }
0x98: {  	s19 =	sld [smem:$0x3FDB];
	_ =	sdelay $0x1  }
0x99: {  	s4 =	simm.s32 $_scs_section_size  }
0x9a: {  	s5 =	simm.s32 $_size__tile_overlayer_lowered;
	s6 =	simm.s32 $_tile_overlayer_lowered  }
0x9b: {  	s22 =	simm.s32 $0x1BFF;
	s21 =	sshll.u32 s6, $0x1;
	s3 =	sadd.s32 s4, s19  }
0x9c: {  	s7 =	simm.s32 $0x0;
	s20 =	sshll.u32 s5, $0x1;
	s5 =	sadd.s32 s21, s3  }
0x9d: {  	[timem:s7], [sflag:s22] =	dma.local [hbm:s5], s20  }
0x9e: {  	_ =	swait.ge [sflag:s22], s20  }
0x9f: {  	s4 =	ssub.s32 $0x0, s20;
	[sflag:s22] =	ssyncset.done $0x0  }
0xa0: {  	[sflag:s22] =	ssyncadd.s32 s4;
	_ =	sdelay $0x1  }
0xa1: {  	s23 =	simm.s32 $0x1B8B  }
0xa2: {  	_ =	swait.ge [sflag:s23], $0x1  }
0xa3: {  	[sflag:s23] =	ssyncset.done $0x0  }
0xa4: {  	s25 =	simm.s32 $0x1B8E;
	s24 =	sld [smem:$0x3FFE];
	[sflag:s23] =	ssyncadd.s32 $0xFFFFFFFF  }
0xa5: {  	s26 =	simm.s32 $execute0_lowered;
	[smem:$0x3FD2] =	sst s25  }
0xa6: {  	s5 =	sshll.u32 s26, $0x1;
	_ =	strace $0x80000046;
	[dreg:$0x1] =	wrdreg $0xFFFFFFFF  }
0xa7: {  	s28 =	simm.s32 $_size_execute0_lowered;
	s3 =	sadd.s32 s3, s5;
	[dreg:$0x0] =	wrdreg $0x0  }
0xa8: {  	s5 =	sshll.u32 s28, $0x1;
	[dreg:$0x2] =	wrdreg s3  }
0xa9: {  	[dreg:$0x3] =	wrdreg s5  }
0xaa: {  	[dreg:$0x4] =	wrdreg $0xC0  }
0xab: {  	_ =	task [dreg:s7], $0x5FFFF  }
0xac: {  	[dreg:$0x1] =	wrdreg $0xFFFFFFFF  }
0xad: {  	[dreg:$0x0] =	wrdreg $0x60  }
0xae: {  	[dreg:$0x2] =	wrdreg s24  }
0xaf: {  	[dreg:$0x3] =	wrdreg s2  }
0xb0: {  	[dreg:$0x4] =	wrdreg $0x9  }
0xb1: {  	_ =	task.clear_ibuf [dreg:s7], $0x5FFFF;
	_ =	strace $0x90000046  }
0xb2: {  	s29 =	simm.s32 $0x9;
	_ =	strace $0x80000048  }
0xb3: {  	_ =	swait.ge [sflag:s29], $0x1  }
0xb4: {  	[sflag:s29] =	ssyncadd.s32 $0xFFFFFFFF  }
0xb5: {  	_ =	strace $0x90000048  }
0xb6: {  	_ =	sfence  }
0xb7: {  	s30 =	sld [smem:$0x0];
	_ =	sdelay $0x2  }
0xb8: {  	s31 =	sshll.u32 s1, $0xD;
	s1 =	sshrl.u32 s1, $0x2  }
0xb9: {  	s3 =	sand.u32 $0x4000, s31;
	s1 =	sadd.s32 s1, s30  }
0xba: {  	s0 =	sor.u32 s3, s0;
	s1 =	sshll.u32 s1, $0x11  }
0xbb: {  	s0 =	sor.u32 s1, s0  }
0xbc: {  	s0 =	sadd.s32 $0x8F2B, s0  }
0xbd: {  	[sflag:s0] =	ssyncadd.remote.s32 $0x1  }
0xbe: {  	_ =	sfence.sel $0xFFFF  }
0xbf: {  	[dreg:$0x0] =	wrdreg $0xFFFFFFFF;
	(pc) =	sbr.abs _section_cstart, $3  }
0xc0: {  	[dreg:$0x1] =	wrdreg $0xFFFFFFFF  }
0xc1: {  	_ =	task.clear_ibuf [dreg:s7], $0x2FFFF;
	_ =	strace $0x9FFFFFFF  }
0xc2: {  	(tm) =	ssettm $0x7FFFFFFF  }
0xc3: {  	_ =	shalt  }
tec
execute0_lowered:
.L_overlay_start_1:
0x0: {  	(tag) =	ssettag $0x1  }
0x1: {  	s4 =	rddreg [dreg:$0x0]  }
0x2: {  	s1 =	rddreg [dreg:$0x1]  }
0x3: {  	s0 =	rddreg [dreg:$0x2];
	s2 =	simm.s32 $0x0  }
0x4: {  	s3 =	srdreg.scid;
	s10 =	simm.s32 $0x18000;
	s11 =	simm.s32 $0x19000  }
0x5: {  	s12 =	simm.s32 $0x1A000;
	s13 =	simm.s32 $0x1B000;
	s14 =	simm.s32 $0x10000  }
0x6: {  	s15 =	simm.s32 $0x8000;
	s16 =	simm.s32 $0x0;
	[smem:$0x7FF] =	sst s2  }
0x7: {  	s5 =	sand.u32 $0x1, s3;
	s3 =	stileid.u32;
	s4 =	sadd.s32 $0x400, s4  }
0x8: {  	_ =	strace $0x80000047;
	s6 =	ssub.s32 $0x2, s5;
	s8 =	sshll.u32 s3, $0xE  }
0x9: {  	s5 =	sshll.u32 s5, $0x12;
	s9 =	sshll.u32 s3, $0x6;
	s7 =	sshrl.u32 s6, $0x1  }
0xa: {  	s8 =	sand.u32 $0x38000, s8;
	s31 =	sand.u32 $0x40, s9;
	s9 =	simm.s32 $0x1  }
0xb: {  	v0 =	vlaneseq.u32;
	s6 =	ssub.s32 s6, s7;
	s5 =	sor.u32 s5, s8;
	s7 =	simm.s32 $0x80  }
0xc: {  	v2 =	vimm.s32 $0x0;
	v3 =	vimm.s32 $0x1;
	v1 =	vmul.u32 $0x800, v0;
	s8 =	simm.s32 $0x400;
	s5 =	sor.u32 s5, s31;
	s6 =	smax.u32 s6, $0x1  }
.LBB2_1:
0xd: {  	s17 =	simm.s32 $0x0  }
.LBB2_2:
0xe: {  	s18 =	sshll.u32 s17, $0x4  }
0xf: {  	s18 =	sadd.s32 s5, s18  }
0x10: {  	s20 =	simm.s32 $0x0;
	s19 =	sadd.s32 s4, s18  }
0x11: {  	[tilespmem:s20], [sflag:$0x1] =	stream.strided.gather [hbm4b:s19+s7], $0x8000, s8, s7, $0x38;
	[tilespmem:$0x1C000] =	vst v63  }
0x12: {  	_ =	swait.ge [sflag:s9], $0x8000  }
0x13: {  	[sflag:s9] =	ssyncset.done $0x0  }
0x14: {  	s19 =	simm.s32 $0x40;
	[sflag:s9] =	ssyncadd.s32 $0xFFFF8000  }
0x15: {  	v4 =	vld [tilespmem:s19+$0xFFFFFFC0];
	_ =	sdelay $0x4  }
0x16: {  	vm0 =	vlt.s32 v4, $0x0;
	v5 =	vxor.u32 $0x7FFFFFFF, v4  }
0x17: {  	v4 =	vsel vm0, v4, v5  }
0x18: {  	s21 =	simm.s32 $0x8040;
	[tilespmem:s19+$0xFFFFFFC0] =	vst v4;
	v4 =	vor.u32 s20, v1  }
0x19: {  	[tilespmem:s21+$0xFFFFFFC0] =	vst v4  }
0x1a: {  	v4 =	vld [tilespmem:s19+$0xFFFFFFD0];
	_ =	sdelay $0x4  }
0x1b: {  	vm9 =	vlt.s32 v4, $0x0;
	v5 =	vxor.u32 $0x7FFFFFFF, v4  }
0x1c: {  	s24 =	simm.s32 $0x1;
	v4 =	vsel vm9, v4, v5  }
0x1d: {  	[tilespmem:s19+$0xFFFFFFD0] =	vst v4;
	v4 =	vor.u32 s24, v1  }
0x1e: {  	[tilespmem:s21+$0xFFFFFFD0] =	vst v4  }
0x1f: {  	v4 =	vld [tilespmem:s19+$0xFFFFFFE0];
	_ =	sdelay $0x4  }
0x20: {  	vm10 =	vlt.s32 v4, $0x0;
	v5 =	vxor.u32 $0x7FFFFFFF, v4  }
0x21: {  	s25 =	simm.s32 $0x2;
	v4 =	vsel vm10, v4, v5  }
0x22: {  	[tilespmem:s19+$0xFFFFFFE0] =	vst v4;
	v4 =	vor.u32 s25, v1  }
0x23: {  	[tilespmem:s21+$0xFFFFFFE0] =	vst v4  }
0x24: {  	v4 =	vld [tilespmem:s19+$0xFFFFFFF0];
	_ =	sdelay $0x4  }
0x25: {  	vm11 =	vlt.s32 v4, $0x0;
	v5 =	vxor.u32 $0x7FFFFFFF, v4  }
0x26: {  	s26 =	simm.s32 $0x3;
	v4 =	vsel vm11, v4, v5  }
0x27: {  	[tilespmem:s19+$0xFFFFFFF0] =	vst v4;
	v4 =	vor.u32 s26, v1  }
0x28: {  	[tilespmem:s21+$0xFFFFFFF0] =	vst v4  }
0x29: {  	v4 =	vld [tilespmem:s19+$0x0];
	_ =	sdelay $0x4  }
0x2a: {  	vm12 =	vlt.s32 v4, $0x0;
	v5 =	vxor.u32 $0x7FFFFFFF, v4  }
0x2b: {  	s28 =	simm.s32 $0x4;
	v4 =	vsel vm12, v4, v5  }
0x2c: {  	[tilespmem:s19+$0x0] =	vst v4;
	v4 =	vor.u32 s28, v1  }
0x2d: {  	[tilespmem:s21+$0x0] =	vst v4  }
0x2e: {  	v4 =	vld [tilespmem:s19+$0x10];
	_ =	sdelay $0x4  }
0x2f: {  	vm13 =	vlt.s32 v4, $0x0;
	v5 =	vxor.u32 $0x7FFFFFFF, v4  }
0x30: {  	s29 =	simm.s32 $0x5;
	v4 =	vsel vm13, v4, v5  }
0x31: {  	[tilespmem:s19+$0x10] =	vst v4;
	v4 =	vor.u32 s29, v1  }
0x32: {  	[tilespmem:s21+$0x10] =	vst v4  }
0x33: {  	v4 =	vld [tilespmem:s19+$0x20];
	_ =	sdelay $0x4  }
0x34: {  	vm14 =	vlt.s32 v4, $0x0;
	v5 =	vxor.u32 $0x7FFFFFFF, v4  }
0x35: {  	s30 =	simm.s32 $0x6;
	v4 =	vsel vm14, v4, v5  }
0x36: {  	[tilespmem:s19+$0x20] =	vst v4;
	v4 =	vor.u32 s30, v1  }
0x37: {  	[tilespmem:s21+$0x20] =	vst v4  }
0x38: {  	v4 =	vld [tilespmem:s19+$0x30];
	_ =	sdelay $0x4  }
0x39: {  	vm15 =	vlt.s32 v4, $0x0;
	v5 =	vxor.u32 $0x7FFFFFFF, v4  }
0x3a: {  	s31 =	simm.s32 $0x7;
	s23 =	simm.s32 $0x19020;
	s22 =	simm.s32 $0x1A020;
	v4 =	vsel vm15, v4, v5  }
0x3b: {  	s20 =	simm.s32 $0x1B020;
	s24 =	simm.s32 $0x18020;
	s25 =	simm.s32 $0x8;
	[tilespmem:s19+$0x30] =	vst v4;
	v4 =	vor.u32 s31, v1  }
.LBB2_3:
0x3c: {  	p0 =	slt.u32 s25, $0x7F8;
	[tilespmem:s21+$0x30] =	vst v4;
	s19 =	sadd.s32 $0x80, s19;
	s21 =	sadd.s32 $0x80, s21  }
0x3d: {  	s26 =	smov.u32 s25;
	s25 =	sadd.s32 $0x8, s25;
	v4 =	vld [tilespmem:s19+$0xFFFFFFC0];
	_ =	sdelay $0x4  }
0x3e: {  	vm0 =	vlt.s32 v4, $0x0;
	v5 =	vxor.u32 $0x7FFFFFFF, v4  }
0x3f: {  	v4 =	vsel vm0, v4, v5  }
0x40: {  	[tilespmem:s19+$0xFFFFFFC0] =	vst v4;
	v4 =	vor.u32 s26, v1  }
0x41: {  	[tilespmem:s21+$0xFFFFFFC0] =	vst v4  }
0x42: {  	v4 =	vld [tilespmem:s19+$0xFFFFFFD0];
	_ =	sdelay $0x4  }
0x43: {  	vm0 =	vlt.s32 v4, $0x0;
	v5 =	vxor.u32 $0x7FFFFFFF, v4  }
0x44: {  	s28 =	sadd.s32 $0x1, s26;
	v4 =	vsel vm0, v4, v5  }
0x45: {  	[tilespmem:s19+$0xFFFFFFD0] =	vst v4;
	v4 =	vor.u32 s28, v1  }
0x46: {  	[tilespmem:s21+$0xFFFFFFD0] =	vst v4  }
0x47: {  	v4 =	vld [tilespmem:s19+$0xFFFFFFE0];
	_ =	sdelay $0x4  }
0x48: {  	vm0 =	vlt.s32 v4, $0x0;
	v5 =	vxor.u32 $0x7FFFFFFF, v4  }
0x49: {  	s28 =	sadd.s32 $0x2, s26;
	v4 =	vsel vm0, v4, v5  }
0x4a: {  	[tilespmem:s19+$0xFFFFFFE0] =	vst v4;
	v4 =	vor.u32 s28, v1  }
0x4b: {  	[tilespmem:s21+$0xFFFFFFE0] =	vst v4  }
0x4c: {  	v4 =	vld [tilespmem:s19+$0xFFFFFFF0];
	_ =	sdelay $0x4  }
0x4d: {  	vm0 =	vlt.s32 v4, $0x0;
	v5 =	vxor.u32 $0x7FFFFFFF, v4  }
0x4e: {  	s28 =	sadd.s32 $0x3, s26;
	v4 =	vsel vm0, v4, v5  }
0x4f: {  	[tilespmem:s19+$0xFFFFFFF0] =	vst v4;
	v4 =	vor.u32 s28, v1  }
0x50: {  	[tilespmem:s21+$0xFFFFFFF0] =	vst v4  }
0x51: {  	v4 =	vld [tilespmem:s19+$0x0];
	_ =	sdelay $0x4  }
0x52: {  	vm0 =	vlt.s32 v4, $0x0;
	v5 =	vxor.u32 $0x7FFFFFFF, v4  }
0x53: {  	s28 =	sadd.s32 $0x4, s26;
	v4 =	vsel vm0, v4, v5  }
0x54: {  	[tilespmem:s19+$0x0] =	vst v4;
	v4 =	vor.u32 s28, v1  }
0x55: {  	[tilespmem:s21+$0x0] =	vst v4  }
0x56: {  	v4 =	vld [tilespmem:s19+$0x10];
	_ =	sdelay $0x4  }
0x57: {  	vm0 =	vlt.s32 v4, $0x0;
	v5 =	vxor.u32 $0x7FFFFFFF, v4  }
0x58: {  	s28 =	sadd.s32 $0x5, s26;
	v4 =	vsel vm0, v4, v5  }
0x59: {  	[tilespmem:s19+$0x10] =	vst v4;
	v4 =	vor.u32 s28, v1  }
0x5a: {  	[tilespmem:s21+$0x10] =	vst v4  }
0x5b: {  	v4 =	vld [tilespmem:s19+$0x20];
	_ =	sdelay $0x4  }
0x5c: {  	vm0 =	vlt.s32 v4, $0x0;
	v5 =	vxor.u32 $0x7FFFFFFF, v4  }
0x5d: {  	s28 =	sadd.s32 $0x6, s26;
	v4 =	vsel vm0, v4, v5  }
0x5e: {  	[tilespmem:s19+$0x20] =	vst v4;
	v4 =	vor.u32 s28, v1  }
0x5f: {  	[tilespmem:s21+$0x20] =	vst v4  }
0x60: {  	v4 =	vld [tilespmem:s19+$0x30];
	_ =	sdelay $0x2  }
.Ltmp0:
0x61: {  	(pc) =	sbr.rel @p0 .LBB2_3-.Ltmp0, $4  }
0x62: {  	_ = 	snop  }
0x63: {  	vm0 =	vlt.s32 v4, $0x0;
	v5 =	vxor.u32 $0x7FFFFFFF, v4  }
0x64: {  	s26 =	sadd.s32 $0x7, s26;
	v4 =	vsel vm0, v4, v5  }
0x65: {  	[tilespmem:s19+$0x30] =	vst v4;
	v4 =	vor.u32 s26, v1  }
0x66: {  	[tilespmem:s21+$0x30] =	vst v4  }
0x67: {  	[tilespmem:s24+$0xFFFFFFE0] =	vst v2  }
0x68: {  	[tilespmem:s23+$0xFFFFFFE0] =	vst v2  }
0x69: {  	[tilespmem:s22+$0xFFFFFFE0] =	vst v2  }
0x6a: {  	[tilespmem:s20+$0xFFFFFFE0] =	vst v2  }
0x6b: {  	[tilespmem:s24+$0xFFFFFFF0] =	vst v2  }
0x6c: {  	[tilespmem:s23+$0xFFFFFFF0] =	vst v2  }
0x6d: {  	[tilespmem:s22+$0xFFFFFFF0] =	vst v2  }
0x6e: {  	[tilespmem:s20+$0xFFFFFFF0] =	vst v2  }
0x6f: {  	[tilespmem:s24+$0x0] =	vst v2  }
0x70: {  	[tilespmem:s23+$0x0] =	vst v2  }
0x71: {  	[tilespmem:s22+$0x0] =	vst v2  }
0x72: {  	[tilespmem:s20+$0x0] =	vst v2  }
0x73: {  	[tilespmem:s24+$0x10] =	vst v2  }
0x74: {  	s25 =	simm.s32 $0x19060;
	[tilespmem:s23+$0x10] =	vst v2  }
0x75: {  	s26 =	simm.s32 $0x18060;
	s21 =	simm.s32 $0xFFFFFFFE;
	s24 =	simm.s32 $0x0;
	[tilespmem:s22+$0x10] =	vst v2  }
.LBB2_5:
0x76: {  	s24 =	sadd.s32 $0x4, s24;
	[tilespmem:s20+$0x10] =	vst v2;
	s20 =	sadd.s32 $0x40, s20;
	s22 =	sadd.s32 $0x40, s22  }
0x77: {  	[tilespmem:s26+$0xFFFFFFE0] =	vst v2;
	p0 =	slt.u32 s24, $0xFC  }
0x78: {  	[tilespmem:s25+$0xFFFFFFE0] =	vst v2  }
0x79: {  	[tilespmem:s22+$0xFFFFFFE0] =	vst v2  }
0x7a: {  	[tilespmem:s20+$0xFFFFFFE0] =	vst v2  }
0x7b: {  	[tilespmem:s26+$0xFFFFFFF0] =	vst v2  }
0x7c: {  	[tilespmem:s25+$0xFFFFFFF0] =	vst v2  }
0x7d: {  	[tilespmem:s22+$0xFFFFFFF0] =	vst v2  }
0x7e: {  	[tilespmem:s20+$0xFFFFFFF0] =	vst v2  }
0x7f: {  	[tilespmem:s26+$0x0] =	vst v2  }
0x80: {  	[tilespmem:s25+$0x0] =	vst v2  }
.Ltmp1:
0x81: {  	[tilespmem:s22+$0x0] =	vst v2;
	(pc) =	sbr.rel @p0 .LBB2_5-.Ltmp1, $4  }
0x82: {  	[tilespmem:s20+$0x0] =	vst v2  }
0x83: {  	[tilespmem:s26+$0x10] =	vst v2  }
0x84: {  	s19 =	simm.s32 $0x0;
	s23 =	simm.s32 $0x8000;
	[tilespmem:s25+$0x10] =	vst v2  }
0x85: {  	s26 =	sadd.s32 $0x40, s26;
	s25 =	sadd.s32 $0x40, s25;
	[tilespmem:s22+$0x10] =	vst v2  }
0x86: {  	[tilespmem:s20+$0x10] =	vst v2;
	s20 =	simm.s32 $0x0  }
.LBB2_7:
0x87: {  	v4 =	vld [tilespmem:s23+$0x0];
	_ =	sdelay $0x7  }
0x88: {  	v4 =	vld.idx.msk [tilespmem:v4+s19+$0x0], $0xffff;
	_ =	sdelay $0x4  }
0x89: {  	v4 =	vshll.u32 v4, $0x4  }
0x8a: {  	v4 =	vor.u32 v0, v4  }
0x8b: {  	v4 =	vand.u32 $0xFFF, v4;
	_ =	sdelay $0x4  }
0x8c: {  	s22 =	sand.u32 $0x1FE0, s20;
	[tilespmem:v4+s10+$0x0] =	vst.idx.add.s32.msk $0xffff, v3  }
0x8d: {  	v4 =	vld [tilespmem:s22+$0xA000];
	_ =	sdelay $0x7  }
0x8e: {  	v4 =	vld.idx.msk [tilespmem:v4+s19+$0x0], $0xffff;
	_ =	sdelay $0x4  }
0x8f: {  	v4 =	vshll.u32 v4, $0x4  }
0x90: {  	v4 =	vor.u32 v0, v4  }
0x91: {  	v4 =	vand.u32 $0xFFF, v4;
	_ =	sdelay $0x4  }
0x92: {  	[tilespmem:v4+s11+$0x0] =	vst.idx.add.s32.msk $0xffff, v3  }
0x93: {  	v4 =	vld [tilespmem:s22+$0xC000];
	_ =	sdelay $0x7  }
0x94: {  	v4 =	vld.idx.msk [tilespmem:v4+s19+$0x0], $0xffff;
	_ =	sdelay $0x4  }
0x95: {  	v4 =	vshll.u32 v4, $0x4  }
0x96: {  	v4 =	vor.u32 v0, v4  }
0x97: {  	v4 =	vand.u32 $0xFFF, v4;
	_ =	sdelay $0x4  }
0x98: {  	[tilespmem:v4+s12+$0x0] =	vst.idx.add.s32.msk $0xffff, v3  }
0x99: {  	v4 =	vld [tilespmem:s22+$0xE000];
	_ =	sdelay $0x7  }
0x9a: {  	v4 =	vld.idx.msk [tilespmem:v4+s19+$0x0], $0xffff;
	_ =	sdelay $0x4  }
0x9b: {  	v4 =	vshll.u32 v4, $0x4  }
0x9c: {  	v4 =	vor.u32 v0, v4  }
0x9d: {  	v4 =	vand.u32 $0xFFF, v4;
	_ =	sdelay $0x4  }
0x9e: {  	[tilespmem:v4+s13+$0x0] =	vst.idx.add.s32.msk $0xffff, v3  }
0x9f: {  	v4 =	vld [tilespmem:s23+$0x10];
	_ =	sdelay $0x7  }
0xa0: {  	v4 =	vld.idx.msk [tilespmem:v4+s19+$0x0], $0xffff;
	_ =	sdelay $0x4  }
0xa1: {  	v4 =	vshll.u32 v4, $0x4  }
0xa2: {  	v4 =	vor.u32 v0, v4  }
0xa3: {  	v4 =	vand.u32 $0xFFF, v4;
	_ =	sdelay $0x4  }
0xa4: {  	[tilespmem:v4+s10+$0x0] =	vst.idx.add.s32.msk $0xffff, v3  }
0xa5: {  	v4 =	vld [tilespmem:s23+$0x2010];
	_ =	sdelay $0x7  }
0xa6: {  	v4 =	vld.idx.msk [tilespmem:v4+s19+$0x0], $0xffff;
	_ =	sdelay $0x4  }
0xa7: {  	v4 =	vshll.u32 v4, $0x4  }
0xa8: {  	v4 =	vor.u32 v0, v4  }
0xa9: {  	v4 =	vand.u32 $0xFFF, v4;
	_ =	sdelay $0x4  }
0xaa: {  	[tilespmem:v4+s11+$0x0] =	vst.idx.add.s32.msk $0xffff, v3  }
0xab: {  	v4 =	vld [tilespmem:s23+$0x4010];
	_ =	sdelay $0x7  }
0xac: {  	v4 =	vld.idx.msk [tilespmem:v4+s19+$0x0], $0xffff;
	_ =	sdelay $0x4  }
0xad: {  	v4 =	vshll.u32 v4, $0x4  }
0xae: {  	v4 =	vor.u32 v0, v4  }
0xaf: {  	v4 =	vand.u32 $0xFFF, v4;
	_ =	sdelay $0x4  }
0xb0: {  	[tilespmem:v4+s12+$0x0] =	vst.idx.add.s32.msk $0xffff, v3  }
0xb1: {  	v4 =	vld [tilespmem:s23+$0x6010];
	_ =	sdelay $0x7  }
0xb2: {  	v4 =	vld.idx.msk [tilespmem:v4+s19+$0x0], $0xffff;
	_ =	sdelay $0x4  }
0xb3: {  	v4 =	vshll.u32 v4, $0x4  }
0xb4: {  	s21 =	sadd.s32 $0x2, s21;
	v4 =	vor.u32 v0, v4  }
0xb5: {  	p0 =	slt.u32 s21, $0x1FE;
	v4 =	vand.u32 $0xFFF, v4  }
.Ltmp2:
0xb6: {  	_ = 	snop;
	(pc) =	sbr.rel @p0 .LBB2_7-.Ltmp2, $2  }
0xb7: {  	_ =	sdelay $0x2  }
0xb8: {  	s20 =	sadd.s32 $0x20, s20;
	s23 =	sadd.s32 $0x20, s23;
	[tilespmem:v4+s13+$0x0] =	vst.idx.add.s32.msk $0xffff, v3  }
0xb9: {  	s21 =	simm.s32 $0x0  }
0xba: {  	v4 =	vld [tilespmem:s21+$0x18000]  }
0xbb: {  	v5 =	vld [tilespmem:s21+$0x19000]  }
0xbc: {  	v6 =	vld [tilespmem:s21+$0x1A000]  }
0xbd: {  	v7 =	vld [tilespmem:s21+$0x1B000];
	_ =	sdelay $0x2  }
0xbe: {  	v8 =	vadd.s32 v4, v5  }
0xbf: {  	v8 =	vadd.s32 v6, v8  }
0xc0: {  	v7 =	vadd.s32 v7, v8  }
0xc1: {  	(xrf0) =	vadd.scan.msk.s32 $0xffff, v7;
	_ =	sdelay $0x5  }
0xc2: {  	v8, _, _ =	vpop (xrf0)  }
0xc3: {  	v7 =	vsub.s32 v8, v7;
	(v2sf) =	vpush v8, $0xF  }
0xc4: {  	v7 =	vadd.s32 s19, v7  }
0xc5: {  	s20 =	simm.s32 $0x10;
	[tilespmem:s21+$0x18000] =	vst v7;
	v7 =	vadd.s32 v4, v7  }
0xc6: {  	v4 =	vld [tilespmem:s20+$0x18000];
	[tilespmem:s21+$0x19000] =	vst v7;
	v7 =	vadd.s32 v5, v7  }
0xc7: {  	v5 =	vld [tilespmem:s20+$0x19000];
	[tilespmem:s21+$0x1A000] =	vst v7;
	v7 =	vadd.s32 v6, v7  }
0xc8: {  	v6 =	vld [tilespmem:s20+$0x1A000];
	[tilespmem:s21+$0x1B000] =	vst v7  }
0xc9: {  	v7 =	vld [tilespmem:s20+$0x1B000];
	_ =	sdelay $0x2  }
0xca: {  	v9 =	vadd.s32 v4, v5  }
0xcb: {  	v9 =	vadd.s32 v6, v9  }
0xcc: {  	v7 =	vadd.s32 v7, v9  }
0xcd: {  	s21 =	simm.s32 $0x80;
	(xrf0) =	vadd.scan.msk.s32 $0xffff, v7  }
.LBB2_9:
0xce: {  	_ = 	snop  }
0xcf: {  	p0 =	sne.s32 s21, $0x3FC0  }
0xd0: {  	s23 =	smov.u32 s21;
	s21 =	sadd.s32 $0x40, s21;
	s22 =	spop (v2sf)  }
0xd1: {  	s19 =	sadd.s32 s19, s22;
	_ =	sdelay $0x1  }
0xd2: {  	v8, _, _ =	vpop (xrf0)  }
0xd3: {  	v7 =	vsub.s32 v8, v7;
	(v2sf) =	vpush v8, $0xF  }
0xd4: {  	v7 =	vadd.s32 s19, v7  }
0xd5: {  	s22 =	sshra.s32 s23, $0x2;
	[tilespmem:s20+$0x18000] =	vst v7;
	v7 =	vadd.s32 v4, v7  }
0xd6: {  	v4 =	vld [tilespmem:s22+$0x18000];
	[tilespmem:s20+$0x19000] =	vst v7;
	v7 =	vadd.s32 v5, v7  }
0xd7: {  	v5 =	vld [tilespmem:s22+$0x19000];
	[tilespmem:s20+$0x1A000] =	vst v7;
	v7 =	vadd.s32 v6, v7  }
0xd8: {  	v6 =	vld [tilespmem:s22+$0x1A000];
	[tilespmem:s20+$0x1B000] =	vst v7;
	s20 =	smov.u32 s22  }
0xd9: {  	v7 =	vld [tilespmem:s20+$0x1B000];
	_ =	sdelay $0x1  }
.Ltmp3:
0xda: {  	(pc) =	sbr.rel @p0 .LBB2_9-.Ltmp3, $4  }
0xdb: {  	v8 =	vadd.s32 v4, v5  }
0xdc: {  	v8 =	vadd.s32 v6, v8  }
0xdd: {  	v7 =	vadd.s32 v7, v8  }
0xde: {  	(xrf0) =	vadd.scan.msk.s32 $0xffff, v7  }
0xdf: {  	_ =	sdelay $0x4  }
0xe0: {  	v8, _, _ =	vpop (xrf0)  }
0xe1: {  	(v2sf) =	vpush v8, $0xF;
	_ =	sdelay $0x8  }
0xe2: {  	s21 =	spop (v2sf)  }
0xe3: {  	s19 =	sadd.s32 s19, s21;
	v7 =	vsub.s32 v8, v7  }
0xe4: {  	v7 =	vadd.s32 s19, v7  }
0xe5: {  	[tilespmem:s20+$0x18000] =	vst v7;
	v4 =	vadd.s32 v4, v7  }
0xe6: {  	[tilespmem:s20+$0x19000] =	vst v4;
	v4 =	vadd.s32 v5, v4  }
0xe7: {  	s21 =	simm.s32 $0x8000;
	[tilespmem:s20+$0x1A000] =	vst v4;
	v4 =	vadd.s32 v6, v4  }
0xe8: {  	s19 =	simm.s32 $0xFFFFFFFE;
	[tilespmem:s20+$0x1B000] =	vst v4;
	s20 =	simm.s32 $0x0;
	s31 =	spop (v2sf)  }
.LBB2_11:
0xe9: {  	v4 =	vld [tilespmem:s21+$0x0];
	_ =	sdelay $0x7  }
0xea: {  	v5 =	vld.idx.msk [tilespmem:v4+s2+$0x0], $0xffff;
	_ =	sdelay $0x4  }
0xeb: {  	v5 =	vshll.u32 v5, $0x4  }
0xec: {  	v5 =	vor.u32 v0, v5  }
0xed: {  	v5 =	vand.u32 $0xFFF, v5;
	_ =	sdelay $0x4  }
0xee: {  	v6 =	vld.idx.msk [tilespmem:v5+s10+$0x0], $0xffff;
	_ =	sdelay $0x4  }
0xef: {  	v7 =	vshll.u32 v6, $0x4  }
0xf0: {  	v8 =	vshrl.u32 v6, $0xB;
	v7 =	vand.u32 $0x7FF0, v7  }
0xf1: {  	v7 =	vadd.s32 v8, v7;
	_ =	sdelay $0x2  }
0xf2: {  	v6 =	vadd.s32 $0x1, v6  }
0xf3: {  	[tilespmem:v5+s10+$0x0] =	vst.idx.msk $0xffff, v6  }
0xf4: {  	s22 =	sand.u32 $0x1FE0, s20;
	[tilespmem:v7+s14+$0x0] =	vst.idx.msk $0xffff, v4  }
0xf5: {  	v4 =	vld [tilespmem:s22+$0xA000];
	_ =	sdelay $0x7  }
0xf6: {  	v5 =	vld.idx.msk [tilespmem:v4+s2+$0x0], $0xffff;
	_ =	sdelay $0x4  }
0xf7: {  	v5 =	vshll.u32 v5, $0x4  }
0xf8: {  	v5 =	vor.u32 v0, v5  }
0xf9: {  	v5 =	vand.u32 $0xFFF, v5;
	_ =	sdelay $0x4  }
0xfa: {  	v6 =	vld.idx.msk [tilespmem:v5+s11+$0x0], $0xffff;
	_ =	sdelay $0x4  }
0xfb: {  	v50 =	vshll.u32 v6, $0x4  }
0xfc: {  	v51 =	vshrl.u32 v6, $0xB;
	v7 =	vand.u32 $0x7FF0, v50  }
0xfd: {  	v7 =	vadd.s32 v51, v7;
	_ =	sdelay $0x2  }
0xfe: {  	v6 =	vadd.s32 $0x1, v6  }
0xff: {  	[tilespmem:v5+s11+$0x0] =	vst.idx.msk $0xffff, v6  }
0x100: {  	[tilespmem:v7+s14+$0x0] =	vst.idx.msk $0xffff, v4  }
0x101: {  	v4 =	vld [tilespmem:s22+$0xC000];
	_ =	sdelay $0x7  }
0x102: {  	v5 =	vld.idx.msk [tilespmem:v4+s2+$0x0], $0xffff;
	_ =	sdelay $0x4  }
0x103: {  	v5 =	vshll.u32 v5, $0x4  }
0x104: {  	v5 =	vor.u32 v0, v5  }
0x105: {  	v5 =	vand.u32 $0xFFF, v5;
	_ =	sdelay $0x4  }
0x106: {  	v6 =	vld.idx.msk [tilespmem:v5+s12+$0x0], $0xffff;
	_ =	sdelay $0x4  }
0x107: {  	v52 =	vshll.u32 v6, $0x4  }
0x108: {  	v53 =	vshrl.u32 v6, $0xB;
	v7 =	vand.u32 $0x7FF0, v52  }
0x109: {  	v7 =	vadd.s32 v53, v7;
	_ =	sdelay $0x2  }
0x10a: {  	v6 =	vadd.s32 $0x1, v6  }
0x10b: {  	[tilespmem:v5+s12+$0x0] =	vst.idx.msk $0xffff, v6  }
0x10c: {  	[tilespmem:v7+s14+$0x0] =	vst.idx.msk $0xffff, v4  }
0x10d: {  	v4 =	vld [tilespmem:s22+$0xE000];
	_ =	sdelay $0x7  }
0x10e: {  	v5 =	vld.idx.msk [tilespmem:v4+s2+$0x0], $0xffff;
	_ =	sdelay $0x4  }
0x10f: {  	v5 =	vshll.u32 v5, $0x4  }
0x110: {  	v5 =	vor.u32 v0, v5  }
0x111: {  	v5 =	vand.u32 $0xFFF, v5;
	_ =	sdelay $0x4  }
0x112: {  	v6 =	vld.idx.msk [tilespmem:v5+s13+$0x0], $0xffff;
	_ =	sdelay $0x4  }
0x113: {  	v54 =	vshll.u32 v6, $0x4  }
0x114: {  	v55 =	vshrl.u32 v6, $0xB;
	v7 =	vand.u32 $0x7FF0, v54  }
0x115: {  	v7 =	vadd.s32 v55, v7;
	_ =	sdelay $0x2  }
0x116: {  	v6 =	vadd.s32 $0x1, v6  }
0x117: {  	[tilespmem:v5+s13+$0x0] =	vst.idx.msk $0xffff, v6  }
0x118: {  	[tilespmem:v7+s14+$0x0] =	vst.idx.msk $0xffff, v4  }
0x119: {  	v4 =	vld [tilespmem:s21+$0x10];
	_ =	sdelay $0x7  }
0x11a: {  	v5 =	vld.idx.msk [tilespmem:v4+s2+$0x0], $0xffff;
	_ =	sdelay $0x4  }
0x11b: {  	v5 =	vshll.u32 v5, $0x4  }
0x11c: {  	v5 =	vor.u32 v0, v5  }
0x11d: {  	v5 =	vand.u32 $0xFFF, v5;
	_ =	sdelay $0x4  }
0x11e: {  	v6 =	vld.idx.msk [tilespmem:v5+s10+$0x0], $0xffff;
	_ =	sdelay $0x4  }
0x11f: {  	v56 =	vshll.u32 v6, $0x4  }
0x120: {  	v57 =	vshrl.u32 v6, $0xB;
	v7 =	vand.u32 $0x7FF0, v56  }
0x121: {  	v7 =	vadd.s32 v57, v7;
	_ =	sdelay $0x2  }
0x122: {  	v6 =	vadd.s32 $0x1, v6  }
0x123: {  	[tilespmem:v5+s10+$0x0] =	vst.idx.msk $0xffff, v6  }
0x124: {  	[tilespmem:v7+s14+$0x0] =	vst.idx.msk $0xffff, v4  }
0x125: {  	v4 =	vld [tilespmem:s21+$0x2010];
	_ =	sdelay $0x7  }
0x126: {  	v5 =	vld.idx.msk [tilespmem:v4+s2+$0x0], $0xffff;
	_ =	sdelay $0x4  }
0x127: {  	v5 =	vshll.u32 v5, $0x4  }
0x128: {  	v5 =	vor.u32 v0, v5  }
0x129: {  	v5 =	vand.u32 $0xFFF, v5;
	_ =	sdelay $0x4  }
0x12a: {  	v6 =	vld.idx.msk [tilespmem:v5+s11+$0x0], $0xffff;
	_ =	sdelay $0x4  }
0x12b: {  	v58 =	vshll.u32 v6, $0x4  }
0x12c: {  	v59 =	vshrl.u32 v6, $0xB;
	v7 =	vand.u32 $0x7FF0, v58  }
0x12d: {  	v7 =	vadd.s32 v59, v7;
	_ =	sdelay $0x2  }
0x12e: {  	v6 =	vadd.s32 $0x1, v6  }
0x12f: {  	[tilespmem:v5+s11+$0x0] =	vst.idx.msk $0xffff, v6  }
0x130: {  	[tilespmem:v7+s14+$0x0] =	vst.idx.msk $0xffff, v4  }
0x131: {  	v4 =	vld [tilespmem:s21+$0x4010];
	_ =	sdelay $0x7  }
0x132: {  	v5 =	vld.idx.msk [tilespmem:v4+s2+$0x0], $0xffff;
	_ =	sdelay $0x4  }
0x133: {  	v5 =	vshll.u32 v5, $0x4  }
0x134: {  	v5 =	vor.u32 v0, v5  }
0x135: {  	v5 =	vand.u32 $0xFFF, v5;
	_ =	sdelay $0x4  }
0x136: {  	v6 =	vld.idx.msk [tilespmem:v5+s12+$0x0], $0xffff;
	_ =	sdelay $0x4  }
0x137: {  	v60 =	vshll.u32 v6, $0x4  }
0x138: {  	v61 =	vshrl.u32 v6, $0xB;
	v7 =	vand.u32 $0x7FF0, v60  }
0x139: {  	v7 =	vadd.s32 v61, v7;
	_ =	sdelay $0x2  }
0x13a: {  	v6 =	vadd.s32 $0x1, v6  }
0x13b: {  	[tilespmem:v5+s12+$0x0] =	vst.idx.msk $0xffff, v6  }
0x13c: {  	[tilespmem:v7+s14+$0x0] =	vst.idx.msk $0xffff, v4  }
0x13d: {  	v4 =	vld [tilespmem:s21+$0x6010];
	_ =	sdelay $0x7  }
0x13e: {  	v5 =	vld.idx.msk [tilespmem:v4+s2+$0x0], $0xffff;
	_ =	sdelay $0x4  }
0x13f: {  	v5 =	vshll.u32 v5, $0x4  }
0x140: {  	v5 =	vor.u32 v0, v5  }
0x141: {  	v5 =	vand.u32 $0xFFF, v5;
	_ =	sdelay $0x4  }
0x142: {  	v6 =	vld.idx.msk [tilespmem:v5+s13+$0x0], $0xffff;
	_ =	sdelay $0x4  }
0x143: {  	v62 =	vshll.u32 v6, $0x4  }
0x144: {  	s19 =	sadd.s32 $0x2, s19;
	v63 =	vshrl.u32 v6, $0xB;
	v7 =	vand.u32 $0x7FF0, v62  }
0x145: {  	p0 =	slt.u32 s19, $0x1FE;
	v7 =	vadd.s32 v63, v7  }
.Ltmp4:
0x146: {  	_ = 	snop;
	(pc) =	sbr.rel @p0 .LBB2_11-.Ltmp4, $4  }
0x147: {  	_ = 	snop  }
0x148: {  	s20 =	sadd.s32 $0x20, s20;
	v6 =	vadd.s32 $0x1, v6  }
0x149: {  	s24 =	simm.s32 $0xFFFFFFFC;
	s23 =	simm.s32 $0x1A020;
	s25 =	simm.s32 $0x19020;
	[tilespmem:v5+s13+$0x0] =	vst.idx.msk $0xffff, v6  }
0x14a: {  	s26 =	simm.s32 $0x18020;
	s22 =	simm.s32 $0x1B020;
	s21 =	sadd.s32 $0x20, s21;
	[tilespmem:v7+s14+$0x0] =	vst.idx.msk $0xffff, v4  }
0x14b: {  	[tilespmem:s26+$0xFFFFFFE0] =	vst v2  }
0x14c: {  	[tilespmem:s25+$0xFFFFFFE0] =	vst v2  }
0x14d: {  	[tilespmem:s23+$0xFFFFFFE0] =	vst v2  }
0x14e: {  	[tilespmem:s22+$0xFFFFFFE0] =	vst v2  }
0x14f: {  	[tilespmem:s26+$0xFFFFFFF0] =	vst v2  }
0x150: {  	[tilespmem:s25+$0xFFFFFFF0] =	vst v2  }
0x151: {  	[tilespmem:s23+$0xFFFFFFF0] =	vst v2  }
0x152: {  	[tilespmem:s22+$0xFFFFFFF0] =	vst v2  }
0x153: {  	[tilespmem:s26+$0x0] =	vst v2  }
0x154: {  	[tilespmem:s25+$0x0] =	vst v2  }
0x155: {  	[tilespmem:s23+$0x0] =	vst v2  }
0x156: {  	[tilespmem:s22+$0x0] =	vst v2  }
0x157: {  	[tilespmem:s26+$0x10] =	vst v2  }
0x158: {  	[tilespmem:s25+$0x10] =	vst v2  }
0x159: {  	s24 =	sadd.s32 $0x4, s24;
	s26 =	sadd.s32 $0x40, s26;
	s25 =	sadd.s32 $0x40, s25;
	[tilespmem:s23+$0x10] =	vst v2  }
.LBB2_13:
0x15a: {  	s24 =	sadd.s32 $0x4, s24;
	[tilespmem:s22+$0x10] =	vst v2;
	s22 =	sadd.s32 $0x40, s22;
	s23 =	sadd.s32 $0x40, s23  }
0x15b: {  	[tilespmem:s26+$0xFFFFFFE0] =	vst v2;
	p0 =	slt.u32 s24, $0xFC  }
0x15c: {  	[tilespmem:s25+$0xFFFFFFE0] =	vst v2  }
0x15d: {  	[tilespmem:s23+$0xFFFFFFE0] =	vst v2  }
0x15e: {  	[tilespmem:s22+$0xFFFFFFE0] =	vst v2  }
0x15f: {  	[tilespmem:s26+$0xFFFFFFF0] =	vst v2  }
0x160: {  	[tilespmem:s25+$0xFFFFFFF0] =	vst v2  }
0x161: {  	[tilespmem:s23+$0xFFFFFFF0] =	vst v2  }
0x162: {  	[tilespmem:s22+$0xFFFFFFF0] =	vst v2  }
0x163: {  	[tilespmem:s26+$0x0] =	vst v2  }
0x164: {  	[tilespmem:s25+$0x0] =	vst v2  }
.Ltmp5:
0x165: {  	[tilespmem:s23+$0x0] =	vst v2;
	(pc) =	sbr.rel @p0 .LBB2_13-.Ltmp5, $4  }
0x166: {  	[tilespmem:s22+$0x0] =	vst v2  }
0x167: {  	[tilespmem:s26+$0x10] =	vst v2  }
0x168: {  	s19 =	simm.s32 $0x0;
	s20 =	simm.s32 $0x10000;
	[tilespmem:s25+$0x10] =	vst v2  }
0x169: {  	s21 =	simm.s32 $0xFFFFFFFE;
	s26 =	sadd.s32 $0x40, s26;
	s25 =	sadd.s32 $0x40, s25;
	[tilespmem:s23+$0x10] =	vst v2  }
0x16a: {  	[tilespmem:s22+$0x10] =	vst v2;
	s22 =	simm.s32 $0x0  }
.LBB2_15:
0x16b: {  	v4 =	vld [tilespmem:s20+$0x0];
	_ =	sdelay $0x7  }
0x16c: {  	v4 =	vld.idx.msk [tilespmem:v4+s19+$0x0], $0xffff;
	_ =	sdelay $0x4  }
0x16d: {  	v4 =	vshrl.u32 v4, $0x4  }
0x16e: {  	v4 =	vand.u32 $0xFF0, v4  }
0x16f: {  	v4 =	vor.u32 v0, v4;
	_ =	sdelay $0x4  }
0x170: {  	s23 =	sand.u32 $0x1FE0, s22;
	[tilespmem:v4+s10+$0x0] =	vst.idx.add.s32.msk $0xffff, v3  }
0x171: {  	v4 =	vld [tilespmem:s23+$0x12000];
	_ =	sdelay $0x7  }
0x172: {  	v4 =	vld.idx.msk [tilespmem:v4+s19+$0x0], $0xffff;
	_ =	sdelay $0x4  }
0x173: {  	v4 =	vshrl.u32 v4, $0x4  }
0x174: {  	v4 =	vand.u32 $0xFF0, v4  }
0x175: {  	v4 =	vor.u32 v0, v4;
	_ =	sdelay $0x4  }
0x176: {  	[tilespmem:v4+s11+$0x0] =	vst.idx.add.s32.msk $0xffff, v3  }
0x177: {  	v4 =	vld [tilespmem:s23+$0x14000];
	_ =	sdelay $0x7  }
0x178: {  	v4 =	vld.idx.msk [tilespmem:v4+s19+$0x0], $0xffff;
	_ =	sdelay $0x4  }
0x179: {  	v4 =	vshrl.u32 v4, $0x4  }
0x17a: {  	v4 =	vand.u32 $0xFF0, v4  }
0x17b: {  	v4 =	vor.u32 v0, v4;
	_ =	sdelay $0x4  }
0x17c: {  	[tilespmem:v4+s12+$0x0] =	vst.idx.add.s32.msk $0xffff, v3  }
0x17d: {  	v4 =	vld [tilespmem:s23+$0x16000];
	_ =	sdelay $0x7  }
0x17e: {  	v4 =	vld.idx.msk [tilespmem:v4+s19+$0x0], $0xffff;
	_ =	sdelay $0x4  }
0x17f: {  	v4 =	vshrl.u32 v4, $0x4  }
0x180: {  	v4 =	vand.u32 $0xFF0, v4  }
0x181: {  	v4 =	vor.u32 v0, v4;
	_ =	sdelay $0x4  }
0x182: {  	[tilespmem:v4+s13+$0x0] =	vst.idx.add.s32.msk $0xffff, v3  }
0x183: {  	v4 =	vld [tilespmem:s20+$0x10];
	_ =	sdelay $0x7  }
0x184: {  	v4 =	vld.idx.msk [tilespmem:v4+s19+$0x0], $0xffff;
	_ =	sdelay $0x4  }
0x185: {  	v4 =	vshrl.u32 v4, $0x4  }
0x186: {  	v4 =	vand.u32 $0xFF0, v4  }
0x187: {  	v4 =	vor.u32 v0, v4;
	_ =	sdelay $0x4  }
0x188: {  	[tilespmem:v4+s10+$0x0] =	vst.idx.add.s32.msk $0xffff, v3  }
0x189: {  	v4 =	vld [tilespmem:s20+$0x2010];
	_ =	sdelay $0x7  }
0x18a: {  	v4 =	vld.idx.msk [tilespmem:v4+s19+$0x0], $0xffff;
	_ =	sdelay $0x4  }
0x18b: {  	v4 =	vshrl.u32 v4, $0x4  }
0x18c: {  	v4 =	vand.u32 $0xFF0, v4  }
0x18d: {  	v4 =	vor.u32 v0, v4;
	_ =	sdelay $0x4  }
0x18e: {  	[tilespmem:v4+s11+$0x0] =	vst.idx.add.s32.msk $0xffff, v3  }
0x18f: {  	v4 =	vld [tilespmem:s20+$0x4010];
	_ =	sdelay $0x7  }
0x190: {  	v4 =	vld.idx.msk [tilespmem:v4+s19+$0x0], $0xffff;
	_ =	sdelay $0x4  }
0x191: {  	v4 =	vshrl.u32 v4, $0x4  }
0x192: {  	v4 =	vand.u32 $0xFF0, v4  }
0x193: {  	v4 =	vor.u32 v0, v4;
	_ =	sdelay $0x4  }
0x194: {  	[tilespmem:v4+s12+$0x0] =	vst.idx.add.s32.msk $0xffff, v3  }
0x195: {  	v4 =	vld [tilespmem:s20+$0x6010];
	_ =	sdelay $0x7  }
0x196: {  	v4 =	vld.idx.msk [tilespmem:v4+s19+$0x0], $0xffff;
	_ =	sdelay $0x4  }
0x197: {  	v4 =	vshrl.u32 v4, $0x4  }
0x198: {  	s21 =	sadd.s32 $0x2, s21;
	v4 =	vand.u32 $0xFF0, v4  }
0x199: {  	p0 =	slt.u32 s21, $0x1FE;
	v4 =	vor.u32 v0, v4  }
.Ltmp6:
0x19a: {  	_ = 	snop;
	(pc) =	sbr.rel @p0 .LBB2_15-.Ltmp6, $2  }
0x19b: {  	_ =	sdelay $0x2  }
0x19c: {  	s22 =	sadd.s32 $0x20, s22;
	s20 =	sadd.s32 $0x20, s20;
	[tilespmem:v4+s13+$0x0] =	vst.idx.add.s32.msk $0xffff, v3  }
0x19d: {  	s21 =	simm.s32 $0x0  }
0x19e: {  	v4 =	vld [tilespmem:s21+$0x18000]  }
0x19f: {  	v5 =	vld [tilespmem:s21+$0x19000]  }
0x1a0: {  	v6 =	vld [tilespmem:s21+$0x1A000]  }
0x1a1: {  	v7 =	vld [tilespmem:s21+$0x1B000];
	_ =	sdelay $0x2  }
0x1a2: {  	v8 =	vadd.s32 v4, v5  }
0x1a3: {  	v8 =	vadd.s32 v6, v8  }
0x1a4: {  	v7 =	vadd.s32 v7, v8  }
0x1a5: {  	(xrf0) =	vadd.scan.msk.s32 $0xffff, v7;
	_ =	sdelay $0x5  }
0x1a6: {  	v8, _, _ =	vpop (xrf0)  }
0x1a7: {  	v7 =	vsub.s32 v8, v7;
	(v2sf) =	vpush v8, $0xF  }
0x1a8: {  	v7 =	vadd.s32 s19, v7  }
0x1a9: {  	s20 =	simm.s32 $0x10;
	[tilespmem:s21+$0x18000] =	vst v7;
	v7 =	vadd.s32 v4, v7  }
0x1aa: {  	v4 =	vld [tilespmem:s20+$0x18000];
	[tilespmem:s21+$0x19000] =	vst v7;
	v7 =	vadd.s32 v5, v7  }
0x1ab: {  	v5 =	vld [tilespmem:s20+$0x19000];
	[tilespmem:s21+$0x1A000] =	vst v7;
	v7 =	vadd.s32 v6, v7  }
0x1ac: {  	v6 =	vld [tilespmem:s20+$0x1A000];
	[tilespmem:s21+$0x1B000] =	vst v7  }
0x1ad: {  	v7 =	vld [tilespmem:s20+$0x1B000];
	_ =	sdelay $0x2  }
0x1ae: {  	v9 =	vadd.s32 v4, v5  }
0x1af: {  	v9 =	vadd.s32 v6, v9  }
0x1b0: {  	v7 =	vadd.s32 v7, v9  }
0x1b1: {  	s21 =	simm.s32 $0x80;
	(xrf0) =	vadd.scan.msk.s32 $0xffff, v7  }
.LBB2_17:
0x1b2: {  	_ = 	snop  }
0x1b3: {  	p0 =	sne.s32 s21, $0x3FC0  }
0x1b4: {  	s23 =	smov.u32 s21;
	s21 =	sadd.s32 $0x40, s21;
	s22 =	spop (v2sf)  }
0x1b5: {  	s19 =	sadd.s32 s19, s22;
	_ =	sdelay $0x1  }
0x1b6: {  	v8, _, _ =	vpop (xrf0)  }
0x1b7: {  	v7 =	vsub.s32 v8, v7;
	(v2sf) =	vpush v8, $0xF  }
0x1b8: {  	v7 =	vadd.s32 s19, v7  }
0x1b9: {  	s22 =	sshra.s32 s23, $0x2;
	[tilespmem:s20+$0x18000] =	vst v7;
	v7 =	vadd.s32 v4, v7  }
0x1ba: {  	v4 =	vld [tilespmem:s22+$0x18000];
	[tilespmem:s20+$0x19000] =	vst v7;
	v7 =	vadd.s32 v5, v7  }
0x1bb: {  	v5 =	vld [tilespmem:s22+$0x19000];
	[tilespmem:s20+$0x1A000] =	vst v7;
	v7 =	vadd.s32 v6, v7  }
0x1bc: {  	v6 =	vld [tilespmem:s22+$0x1A000];
	[tilespmem:s20+$0x1B000] =	vst v7;
	s20 =	smov.u32 s22  }
0x1bd: {  	v7 =	vld [tilespmem:s20+$0x1B000];
	_ =	sdelay $0x1  }
.Ltmp7:
0x1be: {  	(pc) =	sbr.rel @p0 .LBB2_17-.Ltmp7, $4  }
0x1bf: {  	v8 =	vadd.s32 v4, v5  }
0x1c0: {  	v8 =	vadd.s32 v6, v8  }
0x1c1: {  	v7 =	vadd.s32 v7, v8  }
0x1c2: {  	(xrf0) =	vadd.scan.msk.s32 $0xffff, v7  }
0x1c3: {  	_ =	sdelay $0x4  }
0x1c4: {  	v8, _, _ =	vpop (xrf0)  }
0x1c5: {  	(v2sf) =	vpush v8, $0xF;
	_ =	sdelay $0x8  }
0x1c6: {  	s21 =	spop (v2sf)  }
0x1c7: {  	s19 =	sadd.s32 s19, s21;
	v7 =	vsub.s32 v8, v7  }
0x1c8: {  	v7 =	vadd.s32 s19, v7  }
0x1c9: {  	[tilespmem:s20+$0x18000] =	vst v7;
	v4 =	vadd.s32 v4, v7  }
0x1ca: {  	[tilespmem:s20+$0x19000] =	vst v4;
	v4 =	vadd.s32 v5, v4  }
0x1cb: {  	s21 =	simm.s32 $0x10000;
	[tilespmem:s20+$0x1A000] =	vst v4;
	v4 =	vadd.s32 v6, v4  }
0x1cc: {  	s19 =	simm.s32 $0xFFFFFFFE;
	[tilespmem:s20+$0x1B000] =	vst v4;
	s20 =	simm.s32 $0x0;
	s31 =	spop (v2sf)  }
.LBB2_19:
0x1cd: {  	v4 =	vld [tilespmem:s21+$0x0];
	_ =	sdelay $0x7  }
0x1ce: {  	v5 =	vld.idx.msk [tilespmem:v4+s2+$0x0], $0xffff;
	_ =	sdelay $0x4  }
0x1cf: {  	v5 =	vshrl.u32 v5, $0x4  }
0x1d0: {  	v5 =	vand.u32 $0xFF0, v5  }
0x1d1: {  	v5 =	vor.u32 v0, v5;
	_ =	sdelay $0x4  }
0x1d2: {  	v6 =	vld.idx.msk [tilespmem:v5+s10+$0x0], $0xffff;
	_ =	sdelay $0x4  }
0x1d3: {  	v7 =	vshll.u32 v6, $0x4  }
0x1d4: {  	v8 =	vshrl.u32 v6, $0xB;
	v7 =	vand.u32 $0x7FF0, v7  }
0x1d5: {  	v7 =	vadd.s32 v8, v7;
	_ =	sdelay $0x2  }
0x1d6: {  	v6 =	vadd.s32 $0x1, v6  }
0x1d7: {  	[tilespmem:v5+s10+$0x0] =	vst.idx.msk $0xffff, v6  }
0x1d8: {  	s22 =	sand.u32 $0x1FE0, s20;
	[tilespmem:v7+s15+$0x0] =	vst.idx.msk $0xffff, v4  }
0x1d9: {  	v4 =	vld [tilespmem:s22+$0x12000];
	_ =	sdelay $0x7  }
0x1da: {  	v5 =	vld.idx.msk [tilespmem:v4+s2+$0x0], $0xffff;
	_ =	sdelay $0x4  }
0x1db: {  	v5 =	vshrl.u32 v5, $0x4  }
0x1dc: {  	v5 =	vand.u32 $0xFF0, v5  }
0x1dd: {  	v5 =	vor.u32 v0, v5;
	_ =	sdelay $0x4  }
0x1de: {  	v6 =	vld.idx.msk [tilespmem:v5+s11+$0x0], $0xffff;
	_ =	sdelay $0x4  }
0x1df: {  	v50 =	vshll.u32 v6, $0x4  }
0x1e0: {  	v51 =	vshrl.u32 v6, $0xB;
	v7 =	vand.u32 $0x7FF0, v50  }
0x1e1: {  	v7 =	vadd.s32 v51, v7;
	_ =	sdelay $0x2  }
0x1e2: {  	v6 =	vadd.s32 $0x1, v6  }
0x1e3: {  	[tilespmem:v5+s11+$0x0] =	vst.idx.msk $0xffff, v6  }
0x1e4: {  	[tilespmem:v7+s15+$0x0] =	vst.idx.msk $0xffff, v4  }
0x1e5: {  	v4 =	vld [tilespmem:s22+$0x14000];
	_ =	sdelay $0x7  }
0x1e6: {  	v5 =	vld.idx.msk [tilespmem:v4+s2+$0x0], $0xffff;
	_ =	sdelay $0x4  }
0x1e7: {  	v5 =	vshrl.u32 v5, $0x4  }
0x1e8: {  	v5 =	vand.u32 $0xFF0, v5  }
0x1e9: {  	v5 =	vor.u32 v0, v5;
	_ =	sdelay $0x4  }
0x1ea: {  	v6 =	vld.idx.msk [tilespmem:v5+s12+$0x0], $0xffff;
	_ =	sdelay $0x4  }
0x1eb: {  	v52 =	vshll.u32 v6, $0x4  }
0x1ec: {  	v53 =	vshrl.u32 v6, $0xB;
	v7 =	vand.u32 $0x7FF0, v52  }
0x1ed: {  	v7 =	vadd.s32 v53, v7;
	_ =	sdelay $0x2  }
0x1ee: {  	v6 =	vadd.s32 $0x1, v6  }
0x1ef: {  	[tilespmem:v5+s12+$0x0] =	vst.idx.msk $0xffff, v6  }
0x1f0: {  	[tilespmem:v7+s15+$0x0] =	vst.idx.msk $0xffff, v4  }
0x1f1: {  	v4 =	vld [tilespmem:s22+$0x16000];
	_ =	sdelay $0x7  }
0x1f2: {  	v5 =	vld.idx.msk [tilespmem:v4+s2+$0x0], $0xffff;
	_ =	sdelay $0x4  }
0x1f3: {  	v5 =	vshrl.u32 v5, $0x4  }
0x1f4: {  	v5 =	vand.u32 $0xFF0, v5  }
0x1f5: {  	v5 =	vor.u32 v0, v5;
	_ =	sdelay $0x4  }
0x1f6: {  	v6 =	vld.idx.msk [tilespmem:v5+s13+$0x0], $0xffff;
	_ =	sdelay $0x4  }
0x1f7: {  	v54 =	vshll.u32 v6, $0x4  }
0x1f8: {  	v55 =	vshrl.u32 v6, $0xB;
	v7 =	vand.u32 $0x7FF0, v54  }
0x1f9: {  	v7 =	vadd.s32 v55, v7;
	_ =	sdelay $0x2  }
0x1fa: {  	v6 =	vadd.s32 $0x1, v6  }
0x1fb: {  	[tilespmem:v5+s13+$0x0] =	vst.idx.msk $0xffff, v6  }
0x1fc: {  	[tilespmem:v7+s15+$0x0] =	vst.idx.msk $0xffff, v4  }
0x1fd: {  	v4 =	vld [tilespmem:s21+$0x10];
	_ =	sdelay $0x7  }
0x1fe: {  	v5 =	vld.idx.msk [tilespmem:v4+s2+$0x0], $0xffff;
	_ =	sdelay $0x4  }
0x1ff: {  	v5 =	vshrl.u32 v5, $0x4  }
0x200: {  	v5 =	vand.u32 $0xFF0, v5  }
0x201: {  	v5 =	vor.u32 v0, v5;
	_ =	sdelay $0x4  }
0x202: {  	v6 =	vld.idx.msk [tilespmem:v5+s10+$0x0], $0xffff;
	_ =	sdelay $0x4  }
0x203: {  	v56 =	vshll.u32 v6, $0x4  }
0x204: {  	v57 =	vshrl.u32 v6, $0xB;
	v7 =	vand.u32 $0x7FF0, v56  }
0x205: {  	v7 =	vadd.s32 v57, v7;
	_ =	sdelay $0x2  }
0x206: {  	v6 =	vadd.s32 $0x1, v6  }
0x207: {  	[tilespmem:v5+s10+$0x0] =	vst.idx.msk $0xffff, v6  }
0x208: {  	[tilespmem:v7+s15+$0x0] =	vst.idx.msk $0xffff, v4  }
0x209: {  	v4 =	vld [tilespmem:s21+$0x2010];
	_ =	sdelay $0x7  }
0x20a: {  	v5 =	vld.idx.msk [tilespmem:v4+s2+$0x0], $0xffff;
	_ =	sdelay $0x4  }
0x20b: {  	v5 =	vshrl.u32 v5, $0x4  }
0x20c: {  	v5 =	vand.u32 $0xFF0, v5  }
0x20d: {  	v5 =	vor.u32 v0, v5;
	_ =	sdelay $0x4  }
0x20e: {  	v6 =	vld.idx.msk [tilespmem:v5+s11+$0x0], $0xffff;
	_ =	sdelay $0x4  }
0x20f: {  	v58 =	vshll.u32 v6, $0x4  }
0x210: {  	v59 =	vshrl.u32 v6, $0xB;
	v7 =	vand.u32 $0x7FF0, v58  }
0x211: {  	v7 =	vadd.s32 v59, v7;
	_ =	sdelay $0x2  }
0x212: {  	v6 =	vadd.s32 $0x1, v6  }
0x213: {  	[tilespmem:v5+s11+$0x0] =	vst.idx.msk $0xffff, v6  }
0x214: {  	[tilespmem:v7+s15+$0x0] =	vst.idx.msk $0xffff, v4  }
0x215: {  	v4 =	vld [tilespmem:s21+$0x4010];
	_ =	sdelay $0x7  }
0x216: {  	v5 =	vld.idx.msk [tilespmem:v4+s2+$0x0], $0xffff;
	_ =	sdelay $0x4  }
0x217: {  	v5 =	vshrl.u32 v5, $0x4  }
0x218: {  	v5 =	vand.u32 $0xFF0, v5  }
0x219: {  	v5 =	vor.u32 v0, v5;
	_ =	sdelay $0x4  }
0x21a: {  	v6 =	vld.idx.msk [tilespmem:v5+s12+$0x0], $0xffff;
	_ =	sdelay $0x4  }
0x21b: {  	v60 =	vshll.u32 v6, $0x4  }
0x21c: {  	v61 =	vshrl.u32 v6, $0xB;
	v7 =	vand.u32 $0x7FF0, v60  }
0x21d: {  	v7 =	vadd.s32 v61, v7;
	_ =	sdelay $0x2  }
0x21e: {  	v6 =	vadd.s32 $0x1, v6  }
0x21f: {  	[tilespmem:v5+s12+$0x0] =	vst.idx.msk $0xffff, v6  }
0x220: {  	[tilespmem:v7+s15+$0x0] =	vst.idx.msk $0xffff, v4  }
0x221: {  	v4 =	vld [tilespmem:s21+$0x6010];
	_ =	sdelay $0x7  }
0x222: {  	v5 =	vld.idx.msk [tilespmem:v4+s2+$0x0], $0xffff;
	_ =	sdelay $0x4  }
0x223: {  	v5 =	vshrl.u32 v5, $0x4  }
0x224: {  	v5 =	vand.u32 $0xFF0, v5  }
0x225: {  	v5 =	vor.u32 v0, v5;
	_ =	sdelay $0x4  }
0x226: {  	v6 =	vld.idx.msk [tilespmem:v5+s13+$0x0], $0xffff;
	_ =	sdelay $0x4  }
0x227: {  	v62 =	vshll.u32 v6, $0x4  }
0x228: {  	s19 =	sadd.s32 $0x2, s19;
	v63 =	vshrl.u32 v6, $0xB;
	v7 =	vand.u32 $0x7FF0, v62  }
0x229: {  	p0 =	slt.u32 s19, $0x1FE;
	v7 =	vadd.s32 v63, v7  }
.Ltmp8:
0x22a: {  	_ = 	snop;
	(pc) =	sbr.rel @p0 .LBB2_19-.Ltmp8, $4  }
0x22b: {  	_ = 	snop  }
0x22c: {  	s20 =	sadd.s32 $0x20, s20;
	v6 =	vadd.s32 $0x1, v6  }
0x22d: {  	s24 =	simm.s32 $0xFFFFFFFC;
	s23 =	simm.s32 $0x1A020;
	s25 =	simm.s32 $0x19020;
	[tilespmem:v5+s13+$0x0] =	vst.idx.msk $0xffff, v6  }
0x22e: {  	s26 =	simm.s32 $0x18020;
	s22 =	simm.s32 $0x1B020;
	s21 =	sadd.s32 $0x20, s21;
	[tilespmem:v7+s15+$0x0] =	vst.idx.msk $0xffff, v4  }
0x22f: {  	[tilespmem:s26+$0xFFFFFFE0] =	vst v2  }
0x230: {  	[tilespmem:s25+$0xFFFFFFE0] =	vst v2  }
0x231: {  	[tilespmem:s23+$0xFFFFFFE0] =	vst v2  }
0x232: {  	[tilespmem:s22+$0xFFFFFFE0] =	vst v2  }
0x233: {  	[tilespmem:s26+$0xFFFFFFF0] =	vst v2  }
0x234: {  	[tilespmem:s25+$0xFFFFFFF0] =	vst v2  }
0x235: {  	[tilespmem:s23+$0xFFFFFFF0] =	vst v2  }
0x236: {  	[tilespmem:s22+$0xFFFFFFF0] =	vst v2  }
0x237: {  	[tilespmem:s26+$0x0] =	vst v2  }
0x238: {  	[tilespmem:s25+$0x0] =	vst v2  }
0x239: {  	[tilespmem:s23+$0x0] =	vst v2  }
0x23a: {  	[tilespmem:s22+$0x0] =	vst v2  }
0x23b: {  	[tilespmem:s26+$0x10] =	vst v2  }
0x23c: {  	[tilespmem:s25+$0x10] =	vst v2  }
0x23d: {  	s24 =	sadd.s32 $0x4, s24;
	s26 =	sadd.s32 $0x40, s26;
	s25 =	sadd.s32 $0x40, s25;
	[tilespmem:s23+$0x10] =	vst v2  }
.LBB2_21:
0x23e: {  	s24 =	sadd.s32 $0x4, s24;
	[tilespmem:s22+$0x10] =	vst v2;
	s22 =	sadd.s32 $0x40, s22;
	s23 =	sadd.s32 $0x40, s23  }
0x23f: {  	[tilespmem:s26+$0xFFFFFFE0] =	vst v2;
	p0 =	slt.u32 s24, $0xFC  }
0x240: {  	[tilespmem:s25+$0xFFFFFFE0] =	vst v2  }
0x241: {  	[tilespmem:s23+$0xFFFFFFE0] =	vst v2  }
0x242: {  	[tilespmem:s22+$0xFFFFFFE0] =	vst v2  }
0x243: {  	[tilespmem:s26+$0xFFFFFFF0] =	vst v2  }
0x244: {  	[tilespmem:s25+$0xFFFFFFF0] =	vst v2  }
0x245: {  	[tilespmem:s23+$0xFFFFFFF0] =	vst v2  }
0x246: {  	[tilespmem:s22+$0xFFFFFFF0] =	vst v2  }
0x247: {  	[tilespmem:s26+$0x0] =	vst v2  }
0x248: {  	[tilespmem:s25+$0x0] =	vst v2  }
.Ltmp9:
0x249: {  	[tilespmem:s23+$0x0] =	vst v2;
	(pc) =	sbr.rel @p0 .LBB2_21-.Ltmp9, $4  }
0x24a: {  	[tilespmem:s22+$0x0] =	vst v2  }
0x24b: {  	[tilespmem:s26+$0x10] =	vst v2  }
0x24c: {  	s19 =	simm.s32 $0x0;
	s20 =	simm.s32 $0x8000;
	[tilespmem:s25+$0x10] =	vst v2  }
0x24d: {  	s21 =	simm.s32 $0xFFFFFFFE;
	s26 =	sadd.s32 $0x40, s26;
	s25 =	sadd.s32 $0x40, s25;
	[tilespmem:s23+$0x10] =	vst v2  }
0x24e: {  	[tilespmem:s22+$0x10] =	vst v2;
	s22 =	simm.s32 $0x0  }
.LBB2_23:
0x24f: {  	v4 =	vld [tilespmem:s20+$0x0];
	_ =	sdelay $0x7  }
0x250: {  	v4 =	vld.idx.msk [tilespmem:v4+s19+$0x0], $0xffff;
	_ =	sdelay $0x4  }
0x251: {  	v4 =	vshrl.u32 v4, $0xC  }
0x252: {  	v4 =	vand.u32 $0xFF0, v4  }
0x253: {  	v4 =	vor.u32 v0, v4;
	_ =	sdelay $0x4  }
0x254: {  	s23 =	sand.u32 $0x1FE0, s22;
	[tilespmem:v4+s10+$0x0] =	vst.idx.add.s32.msk $0xffff, v3  }
0x255: {  	v4 =	vld [tilespmem:s23+$0xA000];
	_ =	sdelay $0x7  }
0x256: {  	v4 =	vld.idx.msk [tilespmem:v4+s19+$0x0], $0xffff;
	_ =	sdelay $0x4  }
0x257: {  	v4 =	vshrl.u32 v4, $0xC  }
0x258: {  	v4 =	vand.u32 $0xFF0, v4  }
0x259: {  	v4 =	vor.u32 v0, v4;
	_ =	sdelay $0x4  }
0x25a: {  	[tilespmem:v4+s11+$0x0] =	vst.idx.add.s32.msk $0xffff, v3  }
0x25b: {  	v4 =	vld [tilespmem:s23+$0xC000];
	_ =	sdelay $0x7  }
0x25c: {  	v4 =	vld.idx.msk [tilespmem:v4+s19+$0x0], $0xffff;
	_ =	sdelay $0x4  }
0x25d: {  	v4 =	vshrl.u32 v4, $0xC  }
0x25e: {  	v4 =	vand.u32 $0xFF0, v4  }
0x25f: {  	v4 =	vor.u32 v0, v4;
	_ =	sdelay $0x4  }
0x260: {  	[tilespmem:v4+s12+$0x0] =	vst.idx.add.s32.msk $0xffff, v3  }
0x261: {  	v4 =	vld [tilespmem:s23+$0xE000];
	_ =	sdelay $0x7  }
0x262: {  	v4 =	vld.idx.msk [tilespmem:v4+s19+$0x0], $0xffff;
	_ =	sdelay $0x4  }
0x263: {  	v4 =	vshrl.u32 v4, $0xC  }
0x264: {  	v4 =	vand.u32 $0xFF0, v4  }
0x265: {  	v4 =	vor.u32 v0, v4;
	_ =	sdelay $0x4  }
0x266: {  	[tilespmem:v4+s13+$0x0] =	vst.idx.add.s32.msk $0xffff, v3  }
0x267: {  	v4 =	vld [tilespmem:s20+$0x10];
	_ =	sdelay $0x7  }
0x268: {  	v4 =	vld.idx.msk [tilespmem:v4+s19+$0x0], $0xffff;
	_ =	sdelay $0x4  }
0x269: {  	v4 =	vshrl.u32 v4, $0xC  }
0x26a: {  	v4 =	vand.u32 $0xFF0, v4  }
0x26b: {  	v4 =	vor.u32 v0, v4;
	_ =	sdelay $0x4  }
0x26c: {  	[tilespmem:v4+s10+$0x0] =	vst.idx.add.s32.msk $0xffff, v3  }
0x26d: {  	v4 =	vld [tilespmem:s20+$0x2010];
	_ =	sdelay $0x7  }
0x26e: {  	v4 =	vld.idx.msk [tilespmem:v4+s19+$0x0], $0xffff;
	_ =	sdelay $0x4  }
0x26f: {  	v4 =	vshrl.u32 v4, $0xC  }
0x270: {  	v4 =	vand.u32 $0xFF0, v4  }
0x271: {  	v4 =	vor.u32 v0, v4;
	_ =	sdelay $0x4  }
0x272: {  	[tilespmem:v4+s11+$0x0] =	vst.idx.add.s32.msk $0xffff, v3  }
0x273: {  	v4 =	vld [tilespmem:s20+$0x4010];
	_ =	sdelay $0x7  }
0x274: {  	v4 =	vld.idx.msk [tilespmem:v4+s19+$0x0], $0xffff;
	_ =	sdelay $0x4  }
0x275: {  	v4 =	vshrl.u32 v4, $0xC  }
0x276: {  	v4 =	vand.u32 $0xFF0, v4  }
0x277: {  	v4 =	vor.u32 v0, v4;
	_ =	sdelay $0x4  }
0x278: {  	[tilespmem:v4+s12+$0x0] =	vst.idx.add.s32.msk $0xffff, v3  }
0x279: {  	v4 =	vld [tilespmem:s20+$0x6010];
	_ =	sdelay $0x7  }
0x27a: {  	v4 =	vld.idx.msk [tilespmem:v4+s19+$0x0], $0xffff;
	_ =	sdelay $0x4  }
0x27b: {  	v4 =	vshrl.u32 v4, $0xC  }
0x27c: {  	s21 =	sadd.s32 $0x2, s21;
	v4 =	vand.u32 $0xFF0, v4  }
0x27d: {  	p0 =	slt.u32 s21, $0x1FE;
	v4 =	vor.u32 v0, v4  }
.Ltmp10:
0x27e: {  	_ = 	snop;
	(pc) =	sbr.rel @p0 .LBB2_23-.Ltmp10, $2  }
0x27f: {  	_ =	sdelay $0x2  }
0x280: {  	s22 =	sadd.s32 $0x20, s22;
	s20 =	sadd.s32 $0x20, s20;
	[tilespmem:v4+s13+$0x0] =	vst.idx.add.s32.msk $0xffff, v3  }
0x281: {  	s21 =	simm.s32 $0x0  }
0x282: {  	v4 =	vld [tilespmem:s21+$0x18000]  }
0x283: {  	v5 =	vld [tilespmem:s21+$0x19000]  }
0x284: {  	v6 =	vld [tilespmem:s21+$0x1A000]  }
0x285: {  	v7 =	vld [tilespmem:s21+$0x1B000];
	_ =	sdelay $0x2  }
0x286: {  	v8 =	vadd.s32 v4, v5  }
0x287: {  	v8 =	vadd.s32 v6, v8  }
0x288: {  	v7 =	vadd.s32 v7, v8  }
0x289: {  	(xrf0) =	vadd.scan.msk.s32 $0xffff, v7;
	_ =	sdelay $0x5  }
0x28a: {  	v8, _, _ =	vpop (xrf0)  }
0x28b: {  	v7 =	vsub.s32 v8, v7;
	(v2sf) =	vpush v8, $0xF  }
0x28c: {  	v7 =	vadd.s32 s19, v7  }
0x28d: {  	s20 =	simm.s32 $0x10;
	[tilespmem:s21+$0x18000] =	vst v7;
	v7 =	vadd.s32 v4, v7  }
0x28e: {  	v4 =	vld [tilespmem:s20+$0x18000];
	[tilespmem:s21+$0x19000] =	vst v7;
	v7 =	vadd.s32 v5, v7  }
0x28f: {  	v5 =	vld [tilespmem:s20+$0x19000];
	[tilespmem:s21+$0x1A000] =	vst v7;
	v7 =	vadd.s32 v6, v7  }
0x290: {  	v6 =	vld [tilespmem:s20+$0x1A000];
	[tilespmem:s21+$0x1B000] =	vst v7  }
0x291: {  	v7 =	vld [tilespmem:s20+$0x1B000];
	_ =	sdelay $0x2  }
0x292: {  	v9 =	vadd.s32 v4, v5  }
0x293: {  	v9 =	vadd.s32 v6, v9  }
0x294: {  	v7 =	vadd.s32 v7, v9  }
0x295: {  	s21 =	simm.s32 $0x80;
	(xrf0) =	vadd.scan.msk.s32 $0xffff, v7  }
.LBB2_25:
0x296: {  	_ = 	snop  }
0x297: {  	p0 =	sne.s32 s21, $0x3FC0  }
0x298: {  	s23 =	smov.u32 s21;
	s21 =	sadd.s32 $0x40, s21;
	s22 =	spop (v2sf)  }
0x299: {  	s19 =	sadd.s32 s19, s22;
	_ =	sdelay $0x1  }
0x29a: {  	v8, _, _ =	vpop (xrf0)  }
0x29b: {  	v7 =	vsub.s32 v8, v7;
	(v2sf) =	vpush v8, $0xF  }
0x29c: {  	v7 =	vadd.s32 s19, v7  }
0x29d: {  	s22 =	sshra.s32 s23, $0x2;
	[tilespmem:s20+$0x18000] =	vst v7;
	v7 =	vadd.s32 v4, v7  }
0x29e: {  	v4 =	vld [tilespmem:s22+$0x18000];
	[tilespmem:s20+$0x19000] =	vst v7;
	v7 =	vadd.s32 v5, v7  }
0x29f: {  	v5 =	vld [tilespmem:s22+$0x19000];
	[tilespmem:s20+$0x1A000] =	vst v7;
	v7 =	vadd.s32 v6, v7  }
0x2a0: {  	v6 =	vld [tilespmem:s22+$0x1A000];
	[tilespmem:s20+$0x1B000] =	vst v7;
	s20 =	smov.u32 s22  }
0x2a1: {  	v7 =	vld [tilespmem:s20+$0x1B000];
	_ =	sdelay $0x1  }
.Ltmp11:
0x2a2: {  	(pc) =	sbr.rel @p0 .LBB2_25-.Ltmp11, $4  }
0x2a3: {  	v8 =	vadd.s32 v4, v5  }
0x2a4: {  	v8 =	vadd.s32 v6, v8  }
0x2a5: {  	v7 =	vadd.s32 v7, v8  }
0x2a6: {  	(xrf0) =	vadd.scan.msk.s32 $0xffff, v7  }
0x2a7: {  	_ =	sdelay $0x4  }
0x2a8: {  	v8, _, _ =	vpop (xrf0)  }
0x2a9: {  	(v2sf) =	vpush v8, $0xF;
	_ =	sdelay $0x8  }
0x2aa: {  	s21 =	spop (v2sf)  }
0x2ab: {  	s19 =	sadd.s32 s19, s21;
	v7 =	vsub.s32 v8, v7  }
0x2ac: {  	v7 =	vadd.s32 s19, v7  }
0x2ad: {  	[tilespmem:s20+$0x18000] =	vst v7;
	v4 =	vadd.s32 v4, v7  }
0x2ae: {  	[tilespmem:s20+$0x19000] =	vst v4;
	v4 =	vadd.s32 v5, v4  }
0x2af: {  	s21 =	simm.s32 $0x8000;
	[tilespmem:s20+$0x1A000] =	vst v4;
	v4 =	vadd.s32 v6, v4  }
0x2b0: {  	s19 =	simm.s32 $0xFFFFFFFE;
	[tilespmem:s20+$0x1B000] =	vst v4;
	s20 =	simm.s32 $0x0;
	s31 =	spop (v2sf)  }
.LBB2_27:
0x2b1: {  	v4 =	vld [tilespmem:s21+$0x0];
	_ =	sdelay $0x7  }
0x2b2: {  	v5 =	vld.idx.msk [tilespmem:v4+s2+$0x0], $0xffff;
	_ =	sdelay $0x4  }
0x2b3: {  	v5 =	vshrl.u32 v5, $0xC  }
0x2b4: {  	v5 =	vand.u32 $0xFF0, v5  }
0x2b5: {  	v5 =	vor.u32 v0, v5;
	_ =	sdelay $0x4  }
0x2b6: {  	v6 =	vld.idx.msk [tilespmem:v5+s10+$0x0], $0xffff;
	_ =	sdelay $0x4  }
0x2b7: {  	v7 =	vshll.u32 v6, $0x4  }
0x2b8: {  	v8 =	vshrl.u32 v6, $0xB;
	v7 =	vand.u32 $0x7FF0, v7  }
0x2b9: {  	v7 =	vadd.s32 v8, v7;
	_ =	sdelay $0x2  }
0x2ba: {  	v6 =	vadd.s32 $0x1, v6  }
0x2bb: {  	[tilespmem:v5+s10+$0x0] =	vst.idx.msk $0xffff, v6  }
0x2bc: {  	s22 =	sand.u32 $0x1FE0, s20;
	[tilespmem:v7+s14+$0x0] =	vst.idx.msk $0xffff, v4  }
0x2bd: {  	v4 =	vld [tilespmem:s22+$0xA000];
	_ =	sdelay $0x7  }
0x2be: {  	v5 =	vld.idx.msk [tilespmem:v4+s2+$0x0], $0xffff;
	_ =	sdelay $0x4  }
0x2bf: {  	v5 =	vshrl.u32 v5, $0xC  }
0x2c0: {  	v5 =	vand.u32 $0xFF0, v5  }
0x2c1: {  	v5 =	vor.u32 v0, v5;
	_ =	sdelay $0x4  }
0x2c2: {  	v6 =	vld.idx.msk [tilespmem:v5+s11+$0x0], $0xffff;
	_ =	sdelay $0x4  }
0x2c3: {  	v50 =	vshll.u32 v6, $0x4  }
0x2c4: {  	v51 =	vshrl.u32 v6, $0xB;
	v7 =	vand.u32 $0x7FF0, v50  }
0x2c5: {  	v7 =	vadd.s32 v51, v7;
	_ =	sdelay $0x2  }
0x2c6: {  	v6 =	vadd.s32 $0x1, v6  }
0x2c7: {  	[tilespmem:v5+s11+$0x0] =	vst.idx.msk $0xffff, v6  }
0x2c8: {  	[tilespmem:v7+s14+$0x0] =	vst.idx.msk $0xffff, v4  }
0x2c9: {  	v4 =	vld [tilespmem:s22+$0xC000];
	_ =	sdelay $0x7  }
0x2ca: {  	v5 =	vld.idx.msk [tilespmem:v4+s2+$0x0], $0xffff;
	_ =	sdelay $0x4  }
0x2cb: {  	v5 =	vshrl.u32 v5, $0xC  }
0x2cc: {  	v5 =	vand.u32 $0xFF0, v5  }
0x2cd: {  	v5 =	vor.u32 v0, v5;
	_ =	sdelay $0x4  }
0x2ce: {  	v6 =	vld.idx.msk [tilespmem:v5+s12+$0x0], $0xffff;
	_ =	sdelay $0x4  }
0x2cf: {  	v52 =	vshll.u32 v6, $0x4  }
0x2d0: {  	v53 =	vshrl.u32 v6, $0xB;
	v7 =	vand.u32 $0x7FF0, v52  }
0x2d1: {  	v7 =	vadd.s32 v53, v7;
	_ =	sdelay $0x2  }
0x2d2: {  	v6 =	vadd.s32 $0x1, v6  }
0x2d3: {  	[tilespmem:v5+s12+$0x0] =	vst.idx.msk $0xffff, v6  }
0x2d4: {  	[tilespmem:v7+s14+$0x0] =	vst.idx.msk $0xffff, v4  }
0x2d5: {  	v4 =	vld [tilespmem:s22+$0xE000];
	_ =	sdelay $0x7  }
0x2d6: {  	v5 =	vld.idx.msk [tilespmem:v4+s2+$0x0], $0xffff;
	_ =	sdelay $0x4  }
0x2d7: {  	v5 =	vshrl.u32 v5, $0xC  }
0x2d8: {  	v5 =	vand.u32 $0xFF0, v5  }
0x2d9: {  	v5 =	vor.u32 v0, v5;
	_ =	sdelay $0x4  }
0x2da: {  	v6 =	vld.idx.msk [tilespmem:v5+s13+$0x0], $0xffff;
	_ =	sdelay $0x4  }
0x2db: {  	v54 =	vshll.u32 v6, $0x4  }
0x2dc: {  	v55 =	vshrl.u32 v6, $0xB;
	v7 =	vand.u32 $0x7FF0, v54  }
0x2dd: {  	v7 =	vadd.s32 v55, v7;
	_ =	sdelay $0x2  }
0x2de: {  	v6 =	vadd.s32 $0x1, v6  }
0x2df: {  	[tilespmem:v5+s13+$0x0] =	vst.idx.msk $0xffff, v6  }
0x2e0: {  	[tilespmem:v7+s14+$0x0] =	vst.idx.msk $0xffff, v4  }
0x2e1: {  	v4 =	vld [tilespmem:s21+$0x10];
	_ =	sdelay $0x7  }
0x2e2: {  	v5 =	vld.idx.msk [tilespmem:v4+s2+$0x0], $0xffff;
	_ =	sdelay $0x4  }
0x2e3: {  	v5 =	vshrl.u32 v5, $0xC  }
0x2e4: {  	v5 =	vand.u32 $0xFF0, v5  }
0x2e5: {  	v5 =	vor.u32 v0, v5;
	_ =	sdelay $0x4  }
0x2e6: {  	v6 =	vld.idx.msk [tilespmem:v5+s10+$0x0], $0xffff;
	_ =	sdelay $0x4  }
0x2e7: {  	v56 =	vshll.u32 v6, $0x4  }
0x2e8: {  	v57 =	vshrl.u32 v6, $0xB;
	v7 =	vand.u32 $0x7FF0, v56  }
0x2e9: {  	v7 =	vadd.s32 v57, v7;
	_ =	sdelay $0x2  }
0x2ea: {  	v6 =	vadd.s32 $0x1, v6  }
0x2eb: {  	[tilespmem:v5+s10+$0x0] =	vst.idx.msk $0xffff, v6  }
0x2ec: {  	[tilespmem:v7+s14+$0x0] =	vst.idx.msk $0xffff, v4  }
0x2ed: {  	v4 =	vld [tilespmem:s21+$0x2010];
	_ =	sdelay $0x7  }
0x2ee: {  	v5 =	vld.idx.msk [tilespmem:v4+s2+$0x0], $0xffff;
	_ =	sdelay $0x4  }
0x2ef: {  	v5 =	vshrl.u32 v5, $0xC  }
0x2f0: {  	v5 =	vand.u32 $0xFF0, v5  }
0x2f1: {  	v5 =	vor.u32 v0, v5;
	_ =	sdelay $0x4  }
0x2f2: {  	v6 =	vld.idx.msk [tilespmem:v5+s11+$0x0], $0xffff;
	_ =	sdelay $0x4  }
0x2f3: {  	v58 =	vshll.u32 v6, $0x4  }
0x2f4: {  	v59 =	vshrl.u32 v6, $0xB;
	v7 =	vand.u32 $0x7FF0, v58  }
0x2f5: {  	v7 =	vadd.s32 v59, v7;
	_ =	sdelay $0x2  }
0x2f6: {  	v6 =	vadd.s32 $0x1, v6  }
0x2f7: {  	[tilespmem:v5+s11+$0x0] =	vst.idx.msk $0xffff, v6  }
0x2f8: {  	[tilespmem:v7+s14+$0x0] =	vst.idx.msk $0xffff, v4  }
0x2f9: {  	v4 =	vld [tilespmem:s21+$0x4010];
	_ =	sdelay $0x7  }
0x2fa: {  	v5 =	vld.idx.msk [tilespmem:v4+s2+$0x0], $0xffff;
	_ =	sdelay $0x4  }
0x2fb: {  	v5 =	vshrl.u32 v5, $0xC  }
0x2fc: {  	v5 =	vand.u32 $0xFF0, v5  }
0x2fd: {  	v5 =	vor.u32 v0, v5;
	_ =	sdelay $0x4  }
0x2fe: {  	v6 =	vld.idx.msk [tilespmem:v5+s12+$0x0], $0xffff;
	_ =	sdelay $0x4  }
0x2ff: {  	v60 =	vshll.u32 v6, $0x4  }
0x300: {  	v61 =	vshrl.u32 v6, $0xB;
	v7 =	vand.u32 $0x7FF0, v60  }
0x301: {  	v7 =	vadd.s32 v61, v7;
	_ =	sdelay $0x2  }
0x302: {  	v6 =	vadd.s32 $0x1, v6  }
0x303: {  	[tilespmem:v5+s12+$0x0] =	vst.idx.msk $0xffff, v6  }
0x304: {  	[tilespmem:v7+s14+$0x0] =	vst.idx.msk $0xffff, v4  }
0x305: {  	v4 =	vld [tilespmem:s21+$0x6010];
	_ =	sdelay $0x7  }
0x306: {  	v5 =	vld.idx.msk [tilespmem:v4+s2+$0x0], $0xffff;
	_ =	sdelay $0x4  }
0x307: {  	v5 =	vshrl.u32 v5, $0xC  }
0x308: {  	v5 =	vand.u32 $0xFF0, v5  }
0x309: {  	v5 =	vor.u32 v0, v5;
	_ =	sdelay $0x4  }
0x30a: {  	v6 =	vld.idx.msk [tilespmem:v5+s13+$0x0], $0xffff;
	_ =	sdelay $0x4  }
0x30b: {  	v62 =	vshll.u32 v6, $0x4  }
0x30c: {  	s19 =	sadd.s32 $0x2, s19;
	v63 =	vshrl.u32 v6, $0xB;
	v7 =	vand.u32 $0x7FF0, v62  }
0x30d: {  	p0 =	slt.u32 s19, $0x1FE;
	v7 =	vadd.s32 v63, v7  }
.Ltmp12:
0x30e: {  	_ = 	snop;
	(pc) =	sbr.rel @p0 .LBB2_27-.Ltmp12, $4  }
0x30f: {  	_ = 	snop  }
0x310: {  	s20 =	sadd.s32 $0x20, s20;
	v6 =	vadd.s32 $0x1, v6  }
0x311: {  	s24 =	simm.s32 $0xFFFFFFFC;
	s23 =	simm.s32 $0x1A020;
	s25 =	simm.s32 $0x19020;
	[tilespmem:v5+s13+$0x0] =	vst.idx.msk $0xffff, v6  }
0x312: {  	s26 =	simm.s32 $0x18020;
	s22 =	simm.s32 $0x1B020;
	s21 =	sadd.s32 $0x20, s21;
	[tilespmem:v7+s14+$0x0] =	vst.idx.msk $0xffff, v4  }
0x313: {  	[tilespmem:s26+$0xFFFFFFE0] =	vst v2  }
0x314: {  	[tilespmem:s25+$0xFFFFFFE0] =	vst v2  }
0x315: {  	[tilespmem:s23+$0xFFFFFFE0] =	vst v2  }
0x316: {  	[tilespmem:s22+$0xFFFFFFE0] =	vst v2  }
0x317: {  	[tilespmem:s26+$0xFFFFFFF0] =	vst v2  }
0x318: {  	[tilespmem:s25+$0xFFFFFFF0] =	vst v2  }
0x319: {  	[tilespmem:s23+$0xFFFFFFF0] =	vst v2  }
0x31a: {  	[tilespmem:s22+$0xFFFFFFF0] =	vst v2  }
0x31b: {  	[tilespmem:s26+$0x0] =	vst v2  }
0x31c: {  	[tilespmem:s25+$0x0] =	vst v2  }
0x31d: {  	[tilespmem:s23+$0x0] =	vst v2  }
0x31e: {  	[tilespmem:s22+$0x0] =	vst v2  }
0x31f: {  	[tilespmem:s26+$0x10] =	vst v2  }
0x320: {  	[tilespmem:s25+$0x10] =	vst v2  }
0x321: {  	s24 =	sadd.s32 $0x4, s24;
	s26 =	sadd.s32 $0x40, s26;
	s25 =	sadd.s32 $0x40, s25;
	[tilespmem:s23+$0x10] =	vst v2  }
.LBB2_29:
0x322: {  	s24 =	sadd.s32 $0x4, s24;
	[tilespmem:s22+$0x10] =	vst v2;
	s22 =	sadd.s32 $0x40, s22;
	s23 =	sadd.s32 $0x40, s23  }
0x323: {  	[tilespmem:s26+$0xFFFFFFE0] =	vst v2;
	p0 =	slt.u32 s24, $0xFC  }
0x324: {  	[tilespmem:s25+$0xFFFFFFE0] =	vst v2  }
0x325: {  	[tilespmem:s23+$0xFFFFFFE0] =	vst v2  }
0x326: {  	[tilespmem:s22+$0xFFFFFFE0] =	vst v2  }
0x327: {  	[tilespmem:s26+$0xFFFFFFF0] =	vst v2  }
0x328: {  	[tilespmem:s25+$0xFFFFFFF0] =	vst v2  }
0x329: {  	[tilespmem:s23+$0xFFFFFFF0] =	vst v2  }
0x32a: {  	[tilespmem:s22+$0xFFFFFFF0] =	vst v2  }
0x32b: {  	[tilespmem:s26+$0x0] =	vst v2  }
0x32c: {  	[tilespmem:s25+$0x0] =	vst v2  }
.Ltmp13:
0x32d: {  	[tilespmem:s23+$0x0] =	vst v2;
	(pc) =	sbr.rel @p0 .LBB2_29-.Ltmp13, $4  }
0x32e: {  	[tilespmem:s22+$0x0] =	vst v2  }
0x32f: {  	[tilespmem:s26+$0x10] =	vst v2  }
0x330: {  	s19 =	simm.s32 $0x0;
	s20 =	simm.s32 $0x10000;
	[tilespmem:s25+$0x10] =	vst v2  }
0x331: {  	s21 =	simm.s32 $0xFFFFFFFE;
	s26 =	sadd.s32 $0x40, s26;
	s25 =	sadd.s32 $0x40, s25;
	[tilespmem:s23+$0x10] =	vst v2  }
0x332: {  	[tilespmem:s22+$0x10] =	vst v2;
	s22 =	simm.s32 $0x0  }
.LBB2_31:
0x333: {  	v4 =	vld [tilespmem:s20+$0x0];
	_ =	sdelay $0x7  }
0x334: {  	v4 =	vld.idx.msk [tilespmem:v4+s19+$0x0], $0xffff;
	_ =	sdelay $0x4  }
0x335: {  	v4 =	vshrl.u32 v4, $0x14  }
0x336: {  	v4 =	vand.u32 $0xFF0, v4  }
0x337: {  	v4 =	vor.u32 v0, v4;
	_ =	sdelay $0x4  }
0x338: {  	s23 =	sand.u32 $0x1FE0, s22;
	[tilespmem:v4+s10+$0x0] =	vst.idx.add.s32.msk $0xffff, v3  }
0x339: {  	v4 =	vld [tilespmem:s23+$0x12000];
	_ =	sdelay $0x7  }
0x33a: {  	v4 =	vld.idx.msk [tilespmem:v4+s19+$0x0], $0xffff;
	_ =	sdelay $0x4  }
0x33b: {  	v4 =	vshrl.u32 v4, $0x14  }
0x33c: {  	v4 =	vand.u32 $0xFF0, v4  }
0x33d: {  	v4 =	vor.u32 v0, v4;
	_ =	sdelay $0x4  }
0x33e: {  	[tilespmem:v4+s11+$0x0] =	vst.idx.add.s32.msk $0xffff, v3  }
0x33f: {  	v4 =	vld [tilespmem:s23+$0x14000];
	_ =	sdelay $0x7  }
0x340: {  	v4 =	vld.idx.msk [tilespmem:v4+s19+$0x0], $0xffff;
	_ =	sdelay $0x4  }
0x341: {  	v4 =	vshrl.u32 v4, $0x14  }
0x342: {  	v4 =	vand.u32 $0xFF0, v4  }
0x343: {  	v4 =	vor.u32 v0, v4;
	_ =	sdelay $0x4  }
0x344: {  	[tilespmem:v4+s12+$0x0] =	vst.idx.add.s32.msk $0xffff, v3  }
0x345: {  	v4 =	vld [tilespmem:s23+$0x16000];
	_ =	sdelay $0x7  }
0x346: {  	v4 =	vld.idx.msk [tilespmem:v4+s19+$0x0], $0xffff;
	_ =	sdelay $0x4  }
0x347: {  	v4 =	vshrl.u32 v4, $0x14  }
0x348: {  	v4 =	vand.u32 $0xFF0, v4  }
0x349: {  	v4 =	vor.u32 v0, v4;
	_ =	sdelay $0x4  }
0x34a: {  	[tilespmem:v4+s13+$0x0] =	vst.idx.add.s32.msk $0xffff, v3  }
0x34b: {  	v4 =	vld [tilespmem:s20+$0x10];
	_ =	sdelay $0x7  }
0x34c: {  	v4 =	vld.idx.msk [tilespmem:v4+s19+$0x0], $0xffff;
	_ =	sdelay $0x4  }
0x34d: {  	v4 =	vshrl.u32 v4, $0x14  }
0x34e: {  	v4 =	vand.u32 $0xFF0, v4  }
0x34f: {  	v4 =	vor.u32 v0, v4;
	_ =	sdelay $0x4  }
0x350: {  	[tilespmem:v4+s10+$0x0] =	vst.idx.add.s32.msk $0xffff, v3  }
0x351: {  	v4 =	vld [tilespmem:s20+$0x2010];
	_ =	sdelay $0x7  }
0x352: {  	v4 =	vld.idx.msk [tilespmem:v4+s19+$0x0], $0xffff;
	_ =	sdelay $0x4  }
0x353: {  	v4 =	vshrl.u32 v4, $0x14  }
0x354: {  	v4 =	vand.u32 $0xFF0, v4  }
0x355: {  	v4 =	vor.u32 v0, v4;
	_ =	sdelay $0x4  }
0x356: {  	[tilespmem:v4+s11+$0x0] =	vst.idx.add.s32.msk $0xffff, v3  }
0x357: {  	v4 =	vld [tilespmem:s20+$0x4010];
	_ =	sdelay $0x7  }
0x358: {  	v4 =	vld.idx.msk [tilespmem:v4+s19+$0x0], $0xffff;
	_ =	sdelay $0x4  }
0x359: {  	v4 =	vshrl.u32 v4, $0x14  }
0x35a: {  	v4 =	vand.u32 $0xFF0, v4  }
0x35b: {  	v4 =	vor.u32 v0, v4;
	_ =	sdelay $0x4  }
0x35c: {  	[tilespmem:v4+s12+$0x0] =	vst.idx.add.s32.msk $0xffff, v3  }
0x35d: {  	v4 =	vld [tilespmem:s20+$0x6010];
	_ =	sdelay $0x7  }
0x35e: {  	v4 =	vld.idx.msk [tilespmem:v4+s19+$0x0], $0xffff;
	_ =	sdelay $0x4  }
0x35f: {  	v4 =	vshrl.u32 v4, $0x14  }
0x360: {  	s21 =	sadd.s32 $0x2, s21;
	v4 =	vand.u32 $0xFF0, v4  }
0x361: {  	p0 =	slt.u32 s21, $0x1FE;
	v4 =	vor.u32 v0, v4  }
.Ltmp14:
0x362: {  	_ = 	snop;
	(pc) =	sbr.rel @p0 .LBB2_31-.Ltmp14, $2  }
0x363: {  	_ =	sdelay $0x2  }
0x364: {  	s22 =	sadd.s32 $0x20, s22;
	s20 =	sadd.s32 $0x20, s20;
	[tilespmem:v4+s13+$0x0] =	vst.idx.add.s32.msk $0xffff, v3  }
0x365: {  	s21 =	simm.s32 $0x0  }
0x366: {  	v4 =	vld [tilespmem:s21+$0x18000]  }
0x367: {  	v5 =	vld [tilespmem:s21+$0x19000]  }
0x368: {  	v6 =	vld [tilespmem:s21+$0x1A000]  }
0x369: {  	v7 =	vld [tilespmem:s21+$0x1B000];
	_ =	sdelay $0x2  }
0x36a: {  	v8 =	vadd.s32 v4, v5  }
0x36b: {  	v8 =	vadd.s32 v6, v8  }
0x36c: {  	v7 =	vadd.s32 v7, v8  }
0x36d: {  	(xrf0) =	vadd.scan.msk.s32 $0xffff, v7;
	_ =	sdelay $0x5  }
0x36e: {  	v8, _, _ =	vpop (xrf0)  }
0x36f: {  	v7 =	vsub.s32 v8, v7;
	(v2sf) =	vpush v8, $0xF  }
0x370: {  	v7 =	vadd.s32 s19, v7  }
0x371: {  	s20 =	simm.s32 $0x10;
	[tilespmem:s21+$0x18000] =	vst v7;
	v7 =	vadd.s32 v4, v7  }
0x372: {  	v4 =	vld [tilespmem:s20+$0x18000];
	[tilespmem:s21+$0x19000] =	vst v7;
	v7 =	vadd.s32 v5, v7  }
0x373: {  	v5 =	vld [tilespmem:s20+$0x19000];
	[tilespmem:s21+$0x1A000] =	vst v7;
	v7 =	vadd.s32 v6, v7  }
0x374: {  	v6 =	vld [tilespmem:s20+$0x1A000];
	[tilespmem:s21+$0x1B000] =	vst v7  }
0x375: {  	v7 =	vld [tilespmem:s20+$0x1B000];
	_ =	sdelay $0x2  }
0x376: {  	v9 =	vadd.s32 v4, v5  }
0x377: {  	v9 =	vadd.s32 v6, v9  }
0x378: {  	v7 =	vadd.s32 v7, v9  }
0x379: {  	s21 =	simm.s32 $0x80;
	(xrf0) =	vadd.scan.msk.s32 $0xffff, v7  }
.LBB2_33:
0x37a: {  	_ = 	snop  }
0x37b: {  	p0 =	sne.s32 s21, $0x3FC0  }
0x37c: {  	s23 =	smov.u32 s21;
	s21 =	sadd.s32 $0x40, s21;
	s22 =	spop (v2sf)  }
0x37d: {  	s19 =	sadd.s32 s19, s22;
	_ =	sdelay $0x1  }
0x37e: {  	v8, _, _ =	vpop (xrf0)  }
0x37f: {  	v7 =	vsub.s32 v8, v7;
	(v2sf) =	vpush v8, $0xF  }
0x380: {  	v7 =	vadd.s32 s19, v7  }
0x381: {  	s22 =	sshra.s32 s23, $0x2;
	[tilespmem:s20+$0x18000] =	vst v7;
	v7 =	vadd.s32 v4, v7  }
0x382: {  	v4 =	vld [tilespmem:s22+$0x18000];
	[tilespmem:s20+$0x19000] =	vst v7;
	v7 =	vadd.s32 v5, v7  }
0x383: {  	v5 =	vld [tilespmem:s22+$0x19000];
	[tilespmem:s20+$0x1A000] =	vst v7;
	v7 =	vadd.s32 v6, v7  }
0x384: {  	v6 =	vld [tilespmem:s22+$0x1A000];
	[tilespmem:s20+$0x1B000] =	vst v7;
	s20 =	smov.u32 s22  }
0x385: {  	v7 =	vld [tilespmem:s20+$0x1B000];
	_ =	sdelay $0x1  }
.Ltmp15:
0x386: {  	(pc) =	sbr.rel @p0 .LBB2_33-.Ltmp15, $4  }
0x387: {  	v8 =	vadd.s32 v4, v5  }
0x388: {  	v8 =	vadd.s32 v6, v8  }
0x389: {  	v7 =	vadd.s32 v7, v8  }
0x38a: {  	(xrf0) =	vadd.scan.msk.s32 $0xffff, v7  }
0x38b: {  	_ =	sdelay $0x4  }
0x38c: {  	v8, _, _ =	vpop (xrf0)  }
0x38d: {  	(v2sf) =	vpush v8, $0xF;
	_ =	sdelay $0x8  }
0x38e: {  	s21 =	spop (v2sf)  }
0x38f: {  	s19 =	sadd.s32 s19, s21;
	v7 =	vsub.s32 v8, v7  }
0x390: {  	v7 =	vadd.s32 s19, v7  }
0x391: {  	[tilespmem:s20+$0x18000] =	vst v7;
	v4 =	vadd.s32 v4, v7  }
0x392: {  	[tilespmem:s20+$0x19000] =	vst v4;
	v4 =	vadd.s32 v5, v4  }
0x393: {  	s21 =	simm.s32 $0x10000;
	[tilespmem:s20+$0x1A000] =	vst v4;
	v4 =	vadd.s32 v6, v4  }
0x394: {  	s19 =	simm.s32 $0xFFFFFFFE;
	[tilespmem:s20+$0x1B000] =	vst v4;
	s20 =	simm.s32 $0x0;
	s31 =	spop (v2sf)  }
.LBB2_35:
0x395: {  	v4 =	vld [tilespmem:s21+$0x0];
	_ =	sdelay $0x7  }
0x396: {  	v5 =	vld.idx.msk [tilespmem:v4+s2+$0x0], $0xffff;
	_ =	sdelay $0x4  }
0x397: {  	v5 =	vshrl.u32 v5, $0x14  }
0x398: {  	v5 =	vand.u32 $0xFF0, v5  }
0x399: {  	v5 =	vor.u32 v0, v5;
	_ =	sdelay $0x4  }
0x39a: {  	v6 =	vld.idx.msk [tilespmem:v5+s10+$0x0], $0xffff;
	_ =	sdelay $0x5  }
0x39b: {  	v7 =	vadd.s32 $0x1, v6  }
0x39c: {  	[tilespmem:v5+s10+$0x0] =	vst.idx.msk $0xffff, v7  }
0x39d: {  	s22 =	sand.u32 $0x1FE0, s20;
	[tilespmem:v6+s15+$0x0] =	vst.idx.msk $0xffff, v4  }
0x39e: {  	v4 =	vld [tilespmem:s22+$0x12000];
	_ =	sdelay $0x7  }
0x39f: {  	v5 =	vld.idx.msk [tilespmem:v4+s2+$0x0], $0xffff;
	_ =	sdelay $0x4  }
0x3a0: {  	v5 =	vshrl.u32 v5, $0x14  }
0x3a1: {  	v5 =	vand.u32 $0xFF0, v5  }
0x3a2: {  	v5 =	vor.u32 v0, v5;
	_ =	sdelay $0x4  }
0x3a3: {  	v6 =	vld.idx.msk [tilespmem:v5+s11+$0x0], $0xffff;
	_ =	sdelay $0x5  }
0x3a4: {  	v57 =	vadd.s32 $0x1, v6  }
0x3a5: {  	[tilespmem:v5+s11+$0x0] =	vst.idx.msk $0xffff, v57  }
0x3a6: {  	[tilespmem:v6+s15+$0x0] =	vst.idx.msk $0xffff, v4  }
0x3a7: {  	v4 =	vld [tilespmem:s22+$0x14000];
	_ =	sdelay $0x7  }
0x3a8: {  	v5 =	vld.idx.msk [tilespmem:v4+s2+$0x0], $0xffff;
	_ =	sdelay $0x4  }
0x3a9: {  	v5 =	vshrl.u32 v5, $0x14  }
0x3aa: {  	v5 =	vand.u32 $0xFF0, v5  }
0x3ab: {  	v5 =	vor.u32 v0, v5;
	_ =	sdelay $0x4  }
0x3ac: {  	v6 =	vld.idx.msk [tilespmem:v5+s12+$0x0], $0xffff;
	_ =	sdelay $0x5  }
0x3ad: {  	v58 =	vadd.s32 $0x1, v6  }
0x3ae: {  	[tilespmem:v5+s12+$0x0] =	vst.idx.msk $0xffff, v58  }
0x3af: {  	[tilespmem:v6+s15+$0x0] =	vst.idx.msk $0xffff, v4  }
0x3b0: {  	v4 =	vld [tilespmem:s22+$0x16000];
	_ =	sdelay $0x7  }
0x3b1: {  	v5 =	vld.idx.msk [tilespmem:v4+s2+$0x0], $0xffff;
	_ =	sdelay $0x4  }
0x3b2: {  	v5 =	vshrl.u32 v5, $0x14  }
0x3b3: {  	v5 =	vand.u32 $0xFF0, v5  }
0x3b4: {  	v5 =	vor.u32 v0, v5;
	_ =	sdelay $0x4  }
0x3b5: {  	v6 =	vld.idx.msk [tilespmem:v5+s13+$0x0], $0xffff;
	_ =	sdelay $0x5  }
0x3b6: {  	v59 =	vadd.s32 $0x1, v6  }
0x3b7: {  	[tilespmem:v5+s13+$0x0] =	vst.idx.msk $0xffff, v59  }
0x3b8: {  	[tilespmem:v6+s15+$0x0] =	vst.idx.msk $0xffff, v4  }
0x3b9: {  	v4 =	vld [tilespmem:s21+$0x10];
	_ =	sdelay $0x7  }
0x3ba: {  	v5 =	vld.idx.msk [tilespmem:v4+s2+$0x0], $0xffff;
	_ =	sdelay $0x4  }
0x3bb: {  	v5 =	vshrl.u32 v5, $0x14  }
0x3bc: {  	v5 =	vand.u32 $0xFF0, v5  }
0x3bd: {  	v5 =	vor.u32 v0, v5;
	_ =	sdelay $0x4  }
0x3be: {  	v6 =	vld.idx.msk [tilespmem:v5+s10+$0x0], $0xffff;
	_ =	sdelay $0x5  }
0x3bf: {  	v60 =	vadd.s32 $0x1, v6  }
0x3c0: {  	[tilespmem:v5+s10+$0x0] =	vst.idx.msk $0xffff, v60  }
0x3c1: {  	[tilespmem:v6+s15+$0x0] =	vst.idx.msk $0xffff, v4  }
0x3c2: {  	v4 =	vld [tilespmem:s21+$0x2010];
	_ =	sdelay $0x7  }
0x3c3: {  	v5 =	vld.idx.msk [tilespmem:v4+s2+$0x0], $0xffff;
	_ =	sdelay $0x4  }
0x3c4: {  	v5 =	vshrl.u32 v5, $0x14  }
0x3c5: {  	v5 =	vand.u32 $0xFF0, v5  }
0x3c6: {  	v5 =	vor.u32 v0, v5;
	_ =	sdelay $0x4  }
0x3c7: {  	v6 =	vld.idx.msk [tilespmem:v5+s11+$0x0], $0xffff;
	_ =	sdelay $0x5  }
0x3c8: {  	v61 =	vadd.s32 $0x1, v6  }
0x3c9: {  	[tilespmem:v5+s11+$0x0] =	vst.idx.msk $0xffff, v61  }
0x3ca: {  	[tilespmem:v6+s15+$0x0] =	vst.idx.msk $0xffff, v4  }
0x3cb: {  	v4 =	vld [tilespmem:s21+$0x4010];
	_ =	sdelay $0x7  }
0x3cc: {  	v5 =	vld.idx.msk [tilespmem:v4+s2+$0x0], $0xffff;
	_ =	sdelay $0x4  }
0x3cd: {  	v5 =	vshrl.u32 v5, $0x14  }
0x3ce: {  	v5 =	vand.u32 $0xFF0, v5  }
0x3cf: {  	v5 =	vor.u32 v0, v5;
	_ =	sdelay $0x4  }
0x3d0: {  	v6 =	vld.idx.msk [tilespmem:v5+s12+$0x0], $0xffff;
	_ =	sdelay $0x5  }
0x3d1: {  	v62 =	vadd.s32 $0x1, v6  }
0x3d2: {  	[tilespmem:v5+s12+$0x0] =	vst.idx.msk $0xffff, v62  }
0x3d3: {  	[tilespmem:v6+s15+$0x0] =	vst.idx.msk $0xffff, v4  }
0x3d4: {  	v4 =	vld [tilespmem:s21+$0x6010];
	_ =	sdelay $0x7  }
0x3d5: {  	v5 =	vld.idx.msk [tilespmem:v4+s2+$0x0], $0xffff;
	_ =	sdelay $0x4  }
0x3d6: {  	v5 =	vshrl.u32 v5, $0x14  }
0x3d7: {  	v5 =	vand.u32 $0xFF0, v5  }
0x3d8: {  	v5 =	vor.u32 v0, v5;
	_ =	sdelay $0x4  }
0x3d9: {  	v6 =	vld.idx.msk [tilespmem:v5+s13+$0x0], $0xffff;
	_ =	sdelay $0x1  }
0x3da: {  	s19 =	sadd.s32 $0x2, s19  }
0x3db: {  	p0 =	slt.u32 s19, $0x1FE  }
.Ltmp16:
0x3dc: {  	_ = 	snop;
	(pc) =	sbr.rel @p0 .LBB2_35-.Ltmp16, $4  }
0x3dd: {  	_ = 	snop  }
0x3de: {  	v63 =	vadd.s32 $0x1, v6  }
0x3df: {  	[tilespmem:v5+s13+$0x0] =	vst.idx.msk $0xffff, v63  }
0x3e0: {  	s20 =	sadd.s32 $0x20, s20;
	s21 =	sadd.s32 $0x20, s21;
	[tilespmem:v6+s15+$0x0] =	vst.idx.msk $0xffff, v4  }
0x3e1: {  	s17 =	sadd.s32 $0x1, s17  }
0x3e2: {  	p0 =	sne.s32 s17, $0x4  }
.Ltmp17:
0x3e3: {  	s18 =	sadd.s32 s1, s18;
	(pc) =	sbr.rel @p0 .LBB2_2-.Ltmp17, $4  }
0x3e4: {  	[hbm4b:s18+s7] =	stream.strided.scatter [tilespmem:s15], [sflag:$0x1], $0x8000, s8, s7, $0x38;
	[tilespmem:$0x1C000] =	vst v63  }
0x3e5: {  	_ =	swait.ge [sflag:s9], $0x8000  }
0x3e6: {  	[sflag:s9] =	ssyncset.done $0x0  }
0x3e7: {  	[sflag:s9] =	ssyncadd.s32 $0xFFFF8000  }
0x3e8: {  	s16 =	sadd.s32 $0x1, s16  }
0x3e9: {  	p0 =	sne.s32 s16, s6  }
.Ltmp18:
0x3ea: {  	_ = 	snop;
	(pc) =	sbr.rel @p0 .LBB2_1-.Ltmp18, $1  }
0x3eb: {  	_ =	sdelay $0x3  }
0x3ec: {  	_ =	sfence.sel $0x180000  }
0x3ed: {  	[bflag:$0x0] =	sbarrier.arrive $0xFFFF  }
0x3ee: {  	p0 =	sne.s32 s3, $0x0;
	_ =	strace $0x90000047  }
0x3ef: {  	s0 =	sadd.s32 @!p0 $0x100000, s0;
	[bflag:$0x2] =	sbarrier.arrive $0xFFFF  }
0x3f0: {  	[sflag:s0] =	ssyncadd.tile.s32 @!p0 $0x1;
	_ =	shalt  }
.Lfunc_end2:
_tile_overlayer_lowered:
.L_overlay_start_2:
0x3f1: {  	(tag) =	ssettag $0x2  }
0x3f2: {  	s0 =	rddreg [dreg:$0x0];
	s2 =	stileid.u32  }
0x3f3: {  	s1 =	rddreg [dreg:$0x1];
	p0 =	sne.s32 s2, $0x0  }
0x3f4: {  	s3 =	rddreg [dreg:$0x2];
	[bflag:$0x3] =	sbarrier.arrive $0xFFFF;
	s2 =	simm.s32 @!p0 $0x1C01  }
0x3f5: {  	[timem:s3], [sflag:s2] =	dma.local @!p0 [hbm:s0], s1  }
0x3f6: {  	s0 =	simm.s32 @!p0 $0x1  }
0x3f7: {  	_ =	swait.ge @!p0 [sflag:s0], s1  }
0x3f8: {  	s1 =	ssub.s32 @!p0 $0x0, s1;
	[sflag:s0] =	ssyncset.done @!p0 $0x0  }
0x3f9: {  	[sflag:s0] =	ssyncadd.s32 @!p0 s1  }
0x3fa: {  	[bflag:$0x3] =	sbarrier.arrive $0xFFFF  }
0x3fb: {  	_ =	shalt  }

</sc_bundles>
